<compile_context>
chip_gen: v7x
topology: tpu7x:2x2x1
jax: 0.10.2.dev20260603
libtpu: 0.0.44.dev20260713+nightly
codegen_flags: <defaults>
</compile_context>

<pallas_src>
import functools

import jax
import jax.numpy as jnp
from jax import lax
from jax.experimental import pallas as pl
from jax.experimental.pallas import tpu as pltpu
from jax.experimental.pallas import tpu_sc as plsc

_NUM_BUCKETS = 400
_RES = 20
_HALF_LIFE = 12.0
_TAIL_FRAC = 0.05
_MEAN_CPU = 0.5
_B = 8
_T = 160000
_W = _T // _RES
_CHUNKS = 4
_WARM = 256
_RESCALE = 32

_L = (_W - _WARM) // _CHUNKS
_L0 = _L + _WARM

_DECAY = 2.0 ** (-1.0 / _HALF_LIFE)
_INV_DECAY = 2.0 ** (1.0 / _HALF_LIFE)
_RESCALE_MUL = _DECAY ** _RESCALE

_IN_ELEMS = _L0 * _RES
_NGROUPS = _NUM_BUCKETS // 16


def _take16(x, idx):
    return lax.gather(
        x, idx[:, None],
        lax.GatherDimensionNumbers(offset_dims=(), collapsed_slice_dims=(0,),
                                   start_index_map=(0,)),
        (1,), mode=lax.GatherScatterMode.PROMISE_IN_BOUNDS)


def _suffix_cumsum(x):
    return lax.rev(jnp.cumsum(lax.rev(x, (0,)), axis=0), (0,))


def _sc_body(ts_hbm, buckets_hbm, out_hbm,
             in_v, out_v, rec_v, hist_a, gsum_a, buckets_v):
    c = lax.axis_index("c")
    s = lax.axis_index("s")
    wid = c * 16 + s
    series = wid // _CHUNKS
    t = wid % _CHUNKS

    is_first = t == 0
    warm = jnp.where(is_first, 0, _WARM)
    nwin = jnp.where(is_first, _L0, _L)
    start = jnp.where(is_first, 0, _L0 + (t - 1) * _L)
    in_off = series * _T + (start - warm) * _RES

    pltpu.sync_copy(ts_hbm.at[pl.ds(in_off, _IN_ELEMS)],
                    in_v.at[pl.ds(0, _IN_ELEMS)])
    pltpu.sync_copy(buckets_hbm, buckets_v)

    iota = lax.iota(jnp.int32, 16)
    zero16 = jnp.zeros((16,), jnp.float32)
    zero_i = jnp.zeros((16,), jnp.int32)
    mask4 = iota < 4
    lane0 = iota == 0

    for q in range(_NGROUPS + 1):
        hist_a[pl.ds(16 * q, 16)] = zero16
    gsum_a[pl.ds(0, 16)] = zero16

    def scatter_window(hist_v, gsum_v, idx0, idx1, wv):
        plsc.addupdate_scatter(hist_v, [idx0], wv)
        plsc.addupdate_scatter(hist_v, [idx1], wv, mask=mask4)
        plsc.addupdate_scatter(gsum_v, [idx0 >> 5], wv)
        plsc.addupdate_scatter(gsum_v, [idx1 >> 5], wv, mask=mask4)

    def load_idx(off):
        g0 = plsc.load_gather(in_v, [iota + off])
        g1 = plsc.load_gather(in_v, [iota + (off + 16)])
        g2 = plsc.load_gather(in_v, [iota + (off + 20)])
        g3 = plsc.load_gather(in_v, [iota + (off + 36)])
        return ((g0 * jnp.float32(_NUM_BUCKETS)).astype(jnp.int32),
                (g1 * jnp.float32(_NUM_BUCKETS)).astype(jnp.int32),
                (g2 * jnp.float32(_NUM_BUCKETS)).astype(jnp.int32),
                (g3 * jnp.float32(_NUM_BUCKETS)).astype(jnp.int32))

    def rescale_state():
        m = jnp.float32(_RESCALE_MUL)
        for q in range(_NGROUPS):
            hist_a[pl.ds(16 * q, 16)] = hist_a[pl.ds(16 * q, 16)] * m
        gsum_a[pl.ds(0, 16)] = gsum_a[pl.ds(0, 16)] * m

    def walk(j, tot, hist_v, gsum_v):
        tau = jnp.float32(_TAIL_FRAC) * tot
        s_g = _suffix_cumsum(gsum_v[pl.ds(0, 16)])
        n = plsc.all_reduce_population_count(s_g <= tau)
        above = _take16(s_g, 16 - n)
        hbase = (15 - n) * 32
        hv_a = plsc.load_gather(hist_v, [iota + hbase])
        hv_b = plsc.load_gather(hist_v, [iota + (hbase + 16)])
        cs_b = jnp.cumsum(lax.rev(hv_b, (0,)))
        cs_a = jnp.cumsum(lax.rev(hv_a, (0,)))
        s_b = lax.rev(cs_b, (0,)) + above
        s_a = lax.rev(cs_a, (0,)) + _take16(s_b, zero_i)
        nh_a = plsc.all_reduce_population_count(s_a <= tau)
        nh_b = plsc.all_reduce_population_count(s_b <= tau)
        pidx = hbase + 31 - nh_a - nh_b
        rv = (plsc.load_gather(buckets_v, [pidx])
              * jnp.float32(_MEAN_CPU))
        plsc.store_scatter(rec_v, [jnp.full((16,), j, jnp.int32)],
                           rv, mask=lane0)

    def step_scalars(w, tot, do_rescale):
        w1 = w * jnp.float32(_INV_DECAY)
        tot1 = tot + jnp.float32(_RES) * w + jnp.float32(_RES) * w1
        w2 = jnp.where(do_rescale, jnp.float32(1.0),
                       w1 * jnp.float32(_INV_DECAY))
        tot2 = jnp.where(do_rescale, tot1 * jnp.float32(_RESCALE_MUL), tot1)
        return w1, tot1, w2, tot2

    def warm_body(p, carry):
        w, tot = carry
        idx0, idx1, idx2, idx3 = load_idx(p * (2 * _RES))
        do_rescale = ((p * 2 + 1) & (_RESCALE - 1)) == (_RESCALE - 1)
        w1, tot1, w2, tot2 = step_scalars(w, tot, do_rescale)
        scatter_window(hist_a, gsum_a, idx0, idx1,
                       jnp.full((16,), w, jnp.float32))
        scatter_window(hist_a, gsum_a, idx2, idx3,
                       jnp.full((16,), w1, jnp.float32))

        @pl.when(do_rescale)
        def _rescale():
            rescale_state()

        return w2, tot2

    carry0 = lax.fori_loop(0, warm // 2, warm_body,
                           (jnp.float32(1.0), jnp.float32(0.0)))

    def pair_body(p, carry):
        w, tot = carry
        jr = p * 2
        idx0, idx1, idx2, idx3 = load_idx((warm + jr) * _RES)
        do_rescale = ((jr + 1) & (_RESCALE - 1)) == (_RESCALE - 1)
        w1, tot1, w2, tot2 = step_scalars(w, tot, do_rescale)
        tot0 = tot + jnp.float32(_RES) * w

        scatter_window(hist_a, gsum_a, idx0, idx1,
                       jnp.full((16,), w, jnp.float32))
        walk(jr, tot0, hist_a, gsum_a)
        scatter_window(hist_a, gsum_a, idx2, idx3,
                       jnp.full((16,), w1, jnp.float32))
        walk(jr + 1, tot1, hist_a, gsum_a)

        @pl.when(do_rescale)
        def _rescale():
            rescale_state()

        return w2, tot2

    lax.fori_loop(0, nwin // 2, pair_body, carry0)

    maps = [(iota + 16 * q) // _RES for q in range(_RES)]

    def expand_body(g, dummy):
        for q in range(_RES):
            v = plsc.load_gather(rec_v, [maps[q] + g * 16])
            plsc.store_scatter(out_v, [iota + (g * 320 + q * 16)], v)
        return dummy

    lax.fori_loop(0, nwin // 16, expand_body, jnp.int32(0))

    out_off = series * _T + start * _RES

    @pl.when(is_first)
    def _store_first():
        pltpu.sync_copy(out_v.at[pl.ds(0, _L0 * _RES)],
                        out_hbm.at[pl.ds(out_off, _L0 * _RES)])

    @pl.when(jnp.logical_not(is_first))
    def _store_rest():
        pltpu.sync_copy(out_v.at[pl.ds(0, _L * _RES)],
                        out_hbm.at[pl.ds(out_off, _L * _RES)])


_sc_kernel = pl.kernel(
    _sc_body,
    out_type=jax.ShapeDtypeStruct((_B * _T,), jnp.float32),
    mesh=plsc.VectorSubcoreMesh(core_axis_name="c", subcore_axis_name="s",
                                num_cores=2, num_subcores=16),
    compiler_params=pltpu.CompilerParams(needs_layout_passes=False),
    scratch_types=[
        pltpu.VMEM((_IN_ELEMS + 16,), jnp.float32),
        pltpu.VMEM((_L0 * _RES,), jnp.float32),
        pltpu.VMEM((_L0,), jnp.float32),
        pltpu.VMEM((_NUM_BUCKETS + 16,), jnp.float32),
        pltpu.VMEM((16,), jnp.float32),
        pltpu.VMEM((_NUM_BUCKETS,), jnp.float32),
    ],
)


def kernel(time_series_list, cpu_buckets, cpu_bins):
    del cpu_bins
    flat = _sc_kernel(time_series_list.reshape(-1), cpu_buckets)
    return flat.reshape(_B, _T)

# --- scband reference (transcript-rebuilt; emitter-appended) ---
"""Pipeline reference for scband-autopilot-window-recommender-percentile-32865089749588 (READ-ONLY COPY).

The authoritative reference and input builder live on the scoring server;
editing this copy changes nothing except your own understanding.
"""

import jax, jax.numpy as jnp
import numpy as np

NUM_BUCKETS = 400
RESOLUTION = 20
HALF_LIFE_CPU = 12
J_CPU = 95
MIN_CPU = 0.0
MAX_CPU = 1.0
MEAN_CPU = 0.5
B = 8
T = 160000


def setup_inputs(seed: int = 0) -> dict:
    key = jax.random.key(seed)
    time_series_list = jax.random.uniform(key, (B, T), dtype=jnp.float32, minval=0.0, maxval=1.0)
    bucket_size_cpu = (MAX_CPU - abs(MIN_CPU)) / NUM_BUCKETS
    cpu_buckets = jnp.asarray(np.linspace(MIN_CPU + bucket_size_cpu, MAX_CPU, num=NUM_BUCKETS), dtype=jnp.float32)
    cpu_bins = jnp.asarray(np.linspace(MIN_CPU, MAX_CPU, num=NUM_BUCKETS + 1), dtype=jnp.float32)
    return {"time_series_list": time_series_list, "cpu_buckets": cpu_buckets, "cpu_bins": cpu_bins}


def _get_aggregated_signal(ts, bins):
    # bucketize each sample, then per-window (length=RESOLUTION) histogram via scatter-add
    b, t = ts.shape
    w = t // RESOLUTION
    vals = ts[:, : w * RESOLUTION].reshape(b, w, RESOLUTION)
    idx = jnp.clip(jnp.searchsorted(bins, vals, side="right") - 1, 0, NUM_BUCKETS - 1)
    base = (jnp.arange(b * w, dtype=jnp.int32).reshape(b, w, 1)) * NUM_BUCKETS
    flat = (base + idx.astype(jnp.int32)).reshape(-1)
    hist = jnp.zeros(b * w * NUM_BUCKETS, dtype=jnp.float32).at[flat].add(1.0)
    return hist.reshape(b, w, NUM_BUCKETS)


def _get_jp_rec(hist, buckets):
    # exponentially decayed cumulative histogram, then j-th percentile bucket per window
    b, w, k = hist.shape
    decay = jnp.float32(2.0 ** (-1.0 / HALF_LIFE_CPU))

    def step(carry, h):
        H = carry * decay + h  # [b, k]
        c = jnp.cumsum(H, axis=-1)
        total = c[:, -1:]
        thresh = total * (J_CPU / 100.0)
        pidx = jnp.argmax(c >= thresh, axis=-1)  # first bucket reaching the percentile
        rec = buckets[pidx]
        return H, rec

    _, recs = jax.lax.scan(step, jnp.zeros((b, k), dtype=jnp.float32), jnp.transpose(hist, (1, 0, 2)))
    return jnp.transpose(recs, (1, 0))  # [b, w]


def _get_granular_rec(rec, mean_cpu, t):
    g = jnp.repeat(rec, RESOLUTION, axis=-1) * jnp.float32(mean_cpu)
    return g[:, :t]


def reference(time_series_list, cpu_buckets, cpu_bins):
    hist = _get_aggregated_signal(time_series_list, cpu_bins)
    rec = _get_jp_rec(hist, cpu_buckets)
    return _get_granular_rec(rec, MEAN_CPU, time_series_list.shape[1])

if __name__ == "__main__":
    import jax
    _d = setup_inputs()
    print(jax.jit(kernel)(*tuple(_d.values())))

</pallas_src>

<mosaic_0001>
#map = affine_map<(d0, d1) -> (0)>
module attributes {stable_mosaic.version = 14 : i64} {
  func.func @_sc_body(%arg0: i32, %arg1: i32, %arg2: memref<1280000xf32, #tpu.memory_space<hbm>>, %arg3: memref<400xf32, #tpu.memory_space<hbm>>, %arg4: memref<1280000xf32, #tpu.memory_space<hbm>>, %arg5: memref<43856xf32, #tpu.memory_space<vmem>>, %arg6: memref<43840xf32, #tpu.memory_space<vmem>>, %arg7: memref<2192xf32, #tpu.memory_space<vmem>>, %arg8: memref<416xf32, #tpu.memory_space<vmem>>, %arg9: memref<16xf32, #tpu.memory_space<vmem>>, %arg10: memref<400xf32, #tpu.memory_space<vmem>>) attributes {dimension_semantics = [#tpu.dimension_semantics<core_parallel>, #tpu.dimension_semantics<subcore_parallel>], iteration_bounds = array<i64: 2, 16>, scalar_prefetch = 0 : i64, scratch_operands = 6 : i64, tpu.core_type = #tpu.core_type<sc_vector_subcore>, window_params = [{transform_indices = #map}, {transform_indices = #map}, {transform_indices = #map}]} {
    %mul3A = arith.constant 16 : i32
    %mul3A_0 = arith.muli %arg0, %mul3A : i32
    %add3A = arith.addi %mul3A_0, %arg1 : i32
    %jit3A = arith.constant 4 : i32
    %div3A = arith.divsi %add3A, %jit3A : i32
    %sign3A = arith.constant 0 : i32
    %sign3A_1 = arith.cmpi sgt, %add3A, %sign3A : i32
    %sign3A_2 = arith.extui %sign3A_1 : i1 to i32
    %sign3A_3 = arith.constant 0 : i32
    %sign3A_4 = arith.cmpi slt, %add3A, %sign3A_3 : i32
    %sign3A_5 = arith.extui %sign3A_4 : i1 to i32
    %sign3A_6 = arith.subi %sign3A_2, %sign3A_5 : i32
    %sign3A_7 = arith.constant 0 : i32
    %sign3A_8 = arith.cmpi sgt, %jit3A, %sign3A_7 : i32
    %sign3A_9 = arith.extui %sign3A_8 : i1 to i32
    %sign3A_10 = arith.constant 0 : i32
    %sign3A_11 = arith.cmpi slt, %jit3A, %sign3A_10 : i32
    %sign3A_12 = arith.extui %sign3A_11 : i1 to i32
    %sign3A_13 = arith.subi %sign3A_9, %sign3A_12 : i32
    %ne3A = arith.cmpi ne, %sign3A_6, %sign3A_13 : i32
    %rem3A = arith.remsi %add3A, %jit3A : i32
    %ne3A_14 = arith.constant 0 : i32
    %ne3A_15 = arith.cmpi ne, %rem3A, %ne3A_14 : i32
    %and3A = arith.andi %ne3A, %ne3A_15 : i1
    %sub3A = arith.constant 1 : i32
    %sub3A_16 = arith.subi %div3A, %sub3A : i32
    %select_n3A = arith.select %and3A, %sub3A_16, %div3A : i32
    %jit3A_17 = arith.constant 4 : i32
    %eq3A = arith.constant 0 : i32
    %eq3A_18 = arith.cmpi eq, %jit3A_17, %eq3A : i32
    %jit3A_19 = arith.constant 1 : i32
    %select_n3A_20 = arith.select %eq3A_18, %jit3A_19, %jit3A_17 : i32
    %rem3A_21 = arith.remsi %add3A, %select_n3A_20 : i32
    %ne3A_22 = arith.constant 0 : i32
    %ne3A_23 = arith.cmpi ne, %rem3A_21, %ne3A_22 : i32
    %lt3A = arith.constant 0 : i32
    %lt3A_24 = arith.cmpi slt, %rem3A_21, %lt3A : i32
    %lt3A_25 = arith.constant 0 : i32
    %lt3A_26 = arith.cmpi slt, %select_n3A_20, %lt3A_25 : i32
    %ne3A_27 = arith.xori %lt3A_24, %lt3A_26 : i1
    %and3A_28 = arith.andi %ne3A_27, %ne3A_23 : i1
    %add3A_29 = arith.addi %rem3A_21, %select_n3A_20 : i32
    %select_n3A_30 = arith.select %and3A_28, %add3A_29, %rem3A_21 : i32
    %eq3A_31 = arith.constant 0 : i32
    %eq3A_32 = arith.cmpi eq, %select_n3A_30, %eq3A_31 : i32
    %jit3A_33 = arith.constant 0 : i32
    %jit3A_34 = arith.constant 256 : i32
    %select_n3A_35 = arith.select %eq3A_32, %jit3A_33, %jit3A_34 : i32
    %jit3A_36 = arith.constant 2192 : i32
    %jit3A_37 = arith.constant 1936 : i32
    %select_n3A_38 = arith.select %eq3A_32, %jit3A_36, %jit3A_37 : i32
    %sub3A_39 = arith.constant 1 : i32
    %sub3A_40 = arith.subi %select_n3A_30, %sub3A_39 : i32
    %mul3A_41 = arith.constant 1936 : i32
    %mul3A_42 = arith.muli %sub3A_40, %mul3A_41 : i32
    %add3A_43 = arith.constant 2192 : i32
    %add3A_44 = arith.addi %add3A_43, %mul3A_42 : i32
    %jit3A_45 = arith.constant 0 : i32
    %select_n3A_46 = arith.select %eq3A_32, %jit3A_45, %add3A_44 : i32
    %mul3A_47 = arith.constant 160000 : i32
    %mul3A_48 = arith.muli %select_n3A, %mul3A_47 : i32
    %sub3A_49 = arith.subi %select_n3A_46, %select_n3A_35 : i32
    %mul3A_50 = arith.constant 20 : i32
    %mul3A_51 = arith.muli %sub3A_49, %mul3A_50 : i32
    %add3A_52 = arith.addi %mul3A_48, %mul3A_51 : i32
    "tpu.region"() ({
      %run_scoped3A = tpu.sem_alloc : memref<!tpu.dma_semaphore, #tpu.memory_space<semaphore_mem>>
      %dma_start3A = arith.constant 0 : i32
      %dma_start3A_910 = tpu.memref_slice %arg5[%dma_start3A] : memref<43856xf32, #tpu.memory_space<vmem>> -> memref<43840xf32, #tpu.memory_space<vmem>>
      %dma_start3A_911 = tpu.memref_slice %arg2[%add3A_52] : memref<1280000xf32, #tpu.memory_space<hbm>> -> memref<43840xf32, #tpu.memory_space<hbm>>
      %dma_start3A_912 = arith.constant 0 : i32
      %dma_start3A_913 = tpu.memref_slice %arg5[%dma_start3A_912] : memref<43856xf32, #tpu.memory_space<vmem>> -> memref<43840xf32, #tpu.memory_space<vmem>>
      %dma_start3A_914 = tpu.memref_slice %arg2[%add3A_52] : memref<1280000xf32, #tpu.memory_space<hbm>> -> memref<43840xf32, #tpu.memory_space<hbm>>
      tpu.enqueue_dma source(%dma_start3A_914 : memref<43840xf32, #tpu.memory_space<hbm>>) target(%dma_start3A_913 : memref<43840xf32, #tpu.memory_space<vmem>>) target_semaphore(%run_scoped3A : memref<!tpu.dma_semaphore, #tpu.memory_space<semaphore_mem>>)
      %dma_wait3A = arith.constant 0 : i32
      %dma_wait3A_915 = tpu.memref_slice %arg5[%dma_wait3A] : memref<43856xf32, #tpu.memory_space<vmem>> -> memref<43840xf32, #tpu.memory_space<vmem>>
      %dma_wait3A_916 = tpu.memref_slice %arg2[%add3A_52] : memref<1280000xf32, #tpu.memory_space<hbm>> -> memref<43840xf32, #tpu.memory_space<hbm>>
      %dma_wait3A_917 = arith.constant 0 : i32
      %dma_wait3A_918 = tpu.memref_slice %arg5[%dma_wait3A_917] : memref<43856xf32, #tpu.memory_space<vmem>> -> memref<43840xf32, #tpu.memory_space<vmem>>
      %dma_wait3A_919 = tpu.memref_slice %arg2[%add3A_52] : memref<1280000xf32, #tpu.memory_space<hbm>> -> memref<43840xf32, #tpu.memory_space<hbm>>
      tpu.wait_dma2 semaphore(%run_scoped3A : memref<!tpu.dma_semaphore, #tpu.memory_space<semaphore_mem>>) src(%dma_wait3A_919 : memref<43840xf32, #tpu.memory_space<hbm>>) dst(%dma_wait3A_918 : memref<43840xf32, #tpu.memory_space<vmem>>)
      tpu.yield
    }) : () -> ()
    "tpu.region"() ({
      %run_scoped3A = tpu.sem_alloc : memref<!tpu.dma_semaphore, #tpu.memory_space<semaphore_mem>>
      tpu.enqueue_dma source(%arg3 : memref<400xf32, #tpu.memory_space<hbm>>) target(%arg10 : memref<400xf32, #tpu.memory_space<vmem>>) target_semaphore(%run_scoped3A : memref<!tpu.dma_semaphore, #tpu.memory_space<semaphore_mem>>)
      tpu.wait_dma2 semaphore(%run_scoped3A : memref<!tpu.dma_semaphore, #tpu.memory_space<semaphore_mem>>) src(%arg3 : memref<400xf32, #tpu.memory_space<hbm>>) dst(%arg10 : memref<400xf32, #tpu.memory_space<vmem>>)
      tpu.yield
    }) : () -> ()
    %iota3A = tpu.iota {dimensions = array<i32: 0>} : vector<16xi32>
    %broadcast_in_dim3A = arith.constant 0.000000e+00 : f32
    %broadcast_in_dim3A_53 = vector.broadcast %broadcast_in_dim3A : f32 to vector<16xf32>
    %broadcast_in_dim3A_54 = arith.constant 0 : i32
    %broadcast_in_dim3A_55 = vector.broadcast %broadcast_in_dim3A_54 : i32 to vector<16xi32>
    %lt3A_56 = arith.constant 4 : i32
    %lt3A_57 = vector.broadcast %lt3A_56 : i32 to vector<16xi32>
    %lt3A_58 = arith.cmpi slt, %iota3A, %lt3A_57 : vector<16xi32>
    %eq3A_59 = arith.constant 0 : i32
    %eq3A_60 = vector.broadcast %eq3A_59 : i32 to vector<16xi32>
    %eq3A_61 = arith.cmpi eq, %iota3A, %eq3A_60 : vector<16xi32>
    %swap3A = arith.constant 0 : index
    %swap3A_62 = tpu.vector_load %arg8[%swap3A] {strides = array<i32>} : memref<416xf32, #tpu.memory_space<vmem>>, vector<16xf32>,
    tpu.vector_store %arg8[%swap3A], %broadcast_in_dim3A_53 {strides = array<i32>} : memref<416xf32, #tpu.memory_space<vmem>>, vector<16xf32>,
    %swap3A_63 = arith.constant 16 : index
    %swap3A_64 = tpu.vector_load %arg8[%swap3A_63] {strides = array<i32>} : memref<416xf32, #tpu.memory_space<vmem>>, vector<16xf32>,
    tpu.vector_store %arg8[%swap3A_63], %broadcast_in_dim3A_53 {strides = array<i32>} : memref<416xf32, #tpu.memory_space<vmem>>, vector<16xf32>,
    %swap3A_65 = arith.constant 32 : index
    %swap3A_66 = tpu.vector_load %arg8[%swap3A_65] {strides = array<i32>} : memref<416xf32, #tpu.memory_space<vmem>>, vector<16xf32>,
    tpu.vector_store %arg8[%swap3A_65], %broadcast_in_dim3A_53 {strides = array<i32>} : memref<416xf32, #tpu.memory_space<vmem>>, vector<16xf32>,
    %swap3A_67 = arith.constant 48 : index
    %swap3A_68 = tpu.vector_load %arg8[%swap3A_67] {strides = array<i32>} : memref<416xf32, #tpu.memory_space<vmem>>, vector<16xf32>,
    tpu.vector_store %arg8[%swap3A_67], %broadcast_in_dim3A_53 {strides = array<i32>} : memref<416xf32, #tpu.memory_space<vmem>>, vector<16xf32>,
    %swap3A_69 = arith.constant 64 : index
    %swap3A_70 = tpu.vector_load %arg8[%swap3A_69] {strides = array<i32>} : memref<416xf32, #tpu.memory_space<vmem>>, vector<16xf32>,
    tpu.vector_store %arg8[%swap3A_69], %broadcast_in_dim3A_53 {strides = array<i32>} : memref<416xf32, #tpu.memory_space<vmem>>, vector<16xf32>,
    %swap3A_71 = arith.constant 80 : index
    %swap3A_72 = tpu.vector_load %arg8[%swap3A_71] {strides = array<i32>} : memref<416xf32, #tpu.memory_space<vmem>>, vector<16xf32>,
    tpu.vector_store %arg8[%swap3A_71], %broadcast_in_dim3A_53 {strides = array<i32>} : memref<416xf32, #tpu.memory_space<vmem>>, vector<16xf32>,
    %swap3A_73 = arith.constant 96 : index
    %swap3A_74 = tpu.vector_load %arg8[%swap3A_73] {strides = array<i32>} : memref<416xf32, #tpu.memory_space<vmem>>, vector<16xf32>,
    tpu.vector_store %arg8[%swap3A_73], %broadcast_in_dim3A_53 {strides = array<i32>} : memref<416xf32, #tpu.memory_space<vmem>>, vector<16xf32>,
    %swap3A_75 = arith.constant 112 : index
    %swap3A_76 = tpu.vector_load %arg8[%swap3A_75] {strides = array<i32>} : memref<416xf32, #tpu.memory_space<vmem>>, vector<16xf32>,
    tpu.vector_store %arg8[%swap3A_75], %broadcast_in_dim3A_53 {strides = array<i32>} : memref<416xf32, #tpu.memory_space<vmem>>, vector<16xf32>,
    %swap3A_77 = arith.constant 128 : index
    %swap3A_78 = tpu.vector_load %arg8[%swap3A_77] {strides = array<i32>} : memref<416xf32, #tpu.memory_space<vmem>>, vector<16xf32>,
    tpu.vector_store %arg8[%swap3A_77], %broadcast_in_dim3A_53 {strides = array<i32>} : memref<416xf32, #tpu.memory_space<vmem>>, vector<16xf32>,
    %swap3A_79 = arith.constant 144 : index
    %swap3A_80 = tpu.vector_load %arg8[%swap3A_79] {strides = array<i32>} : memref<416xf32, #tpu.memory_space<vmem>>, vector<16xf32>,
    tpu.vector_store %arg8[%swap3A_79], %broadcast_in_dim3A_53 {strides = array<i32>} : memref<416xf32, #tpu.memory_space<vmem>>, vector<16xf32>,
    %swap3A_81 = arith.constant 160 : index
    %swap3A_82 = tpu.vector_load %arg8[%swap3A_81] {strides = array<i32>} : memref<416xf32, #tpu.memory_space<vmem>>, vector<16xf32>,
    tpu.vector_store %arg8[%swap3A_81], %broadcast_in_dim3A_53 {strides = array<i32>} : memref<416xf32, #tpu.memory_space<vmem>>, vector<16xf32>,
    %swap3A_83 = arith.constant 176 : index
    %swap3A_84 = tpu.vector_load %arg8[%swap3A_83] {strides = array<i32>} : memref<416xf32, #tpu.memory_space<vmem>>, vector<16xf32>,
    tpu.vector_store %arg8[%swap3A_83], %broadcast_in_dim3A_53 {strides = array<i32>} : memref<416xf32, #tpu.memory_space<vmem>>, vector<16xf32>,
    %swap3A_85 = arith.constant 192 : index
    %swap3A_86 = tpu.vector_load %arg8[%swap3A_85] {strides = array<i32>} : memref<416xf32, #tpu.memory_space<vmem>>, vector<16xf32>,
    tpu.vector_store %arg8[%swap3A_85], %broadcast_in_dim3A_53 {strides = array<i32>} : memref<416xf32, #tpu.memory_space<vmem>>, vector<16xf32>,
    %swap3A_87 = arith.constant 208 : index
    %swap3A_88 = tpu.vector_load %arg8[%swap3A_87] {strides = array<i32>} : memref<416xf32, #tpu.memory_space<vmem>>, vector<16xf32>,
    tpu.vector_store %arg8[%swap3A_87], %broadcast_in_dim3A_53 {strides = array<i32>} : memref<416xf32, #tpu.memory_space<vmem>>, vector<16xf32>,
    %swap3A_89 = arith.constant 224 : index
    %swap3A_90 = tpu.vector_load %arg8[%swap3A_89] {strides = array<i32>} : memref<416xf32, #tpu.memory_space<vmem>>, vector<16xf32>,
    tpu.vector_store %arg8[%swap3A_89], %broadcast_in_dim3A_53 {strides = array<i32>} : memref<416xf32, #tpu.memory_space<vmem>>, vector<16xf32>,
    %swap3A_91 = arith.constant 240 : index
    %swap3A_92 = tpu.vector_load %arg8[%swap3A_91] {strides = array<i32>} : memref<416xf32, #tpu.memory_space<vmem>>, vector<16xf32>,
    tpu.vector_store %arg8[%swap3A_91], %broadcast_in_dim3A_53 {strides = array<i32>} : memref<416xf32, #tpu.memory_space<vmem>>, vector<16xf32>,
    %swap3A_93 = arith.constant 256 : index
    %swap3A_94 = tpu.vector_load %arg8[%swap3A_93] {strides = array<i32>} : memref<416xf32, #tpu.memory_space<vmem>>, vector<16xf32>,
    tpu.vector_store %arg8[%swap3A_93], %broadcast_in_dim3A_53 {strides = array<i32>} : memref<416xf32, #tpu.memory_space<vmem>>, vector<16xf32>,
    %swap3A_95 = arith.constant 272 : index
    %swap3A_96 = tpu.vector_load %arg8[%swap3A_95] {strides = array<i32>} : memref<416xf32, #tpu.memory_space<vmem>>, vector<16xf32>,
    tpu.vector_store %arg8[%swap3A_95], %broadcast_in_dim3A_53 {strides = array<i32>} : memref<416xf32, #tpu.memory_space<vmem>>, vector<16xf32>,
    %swap3A_97 = arith.constant 288 : index
    %swap3A_98 = tpu.vector_load %arg8[%swap3A_97] {strides = array<i32>} : memref<416xf32, #tpu.memory_space<vmem>>, vector<16xf32>,
    tpu.vector_store %arg8[%swap3A_97], %broadcast_in_dim3A_53 {strides = array<i32>} : memref<416xf32, #tpu.memory_space<vmem>>, vector<16xf32>,
    %swap3A_99 = arith.constant 304 : index
    %swap3A_100 = tpu.vector_load %arg8[%swap3A_99] {strides = array<i32>} : memref<416xf32, #tpu.memory_space<vmem>>, vector<16xf32>,
    tpu.vector_store %arg8[%swap3A_99], %broadcast_in_dim3A_53 {strides = array<i32>} : memref<416xf32, #tpu.memory_space<vmem>>, vector<16xf32>,
    %swap3A_101 = arith.constant 320 : index
    %swap3A_102 = tpu.vector_load %arg8[%swap3A_101] {strides = array<i32>} : memref<416xf32, #tpu.memory_space<vmem>>, vector<16xf32>,
    tpu.vector_store %arg8[%swap3A_101], %broadcast_in_dim3A_53 {strides = array<i32>} : memref<416xf32, #tpu.memory_space<vmem>>, vector<16xf32>,
    %swap3A_103 = arith.constant 336 : index
    %swap3A_104 = tpu.vector_load %arg8[%swap3A_103] {strides = array<i32>} : memref<416xf32, #tpu.memory_space<vmem>>, vector<16xf32>,
    tpu.vector_store %arg8[%swap3A_103], %broadcast_in_dim3A_53 {strides = array<i32>} : memref<416xf32, #tpu.memory_space<vmem>>, vector<16xf32>,
    %swap3A_105 = arith.constant 352 : index
    %swap3A_106 = tpu.vector_load %arg8[%swap3A_105] {strides = array<i32>} : memref<416xf32, #tpu.memory_space<vmem>>, vector<16xf32>,
    tpu.vector_store %arg8[%swap3A_105], %broadcast_in_dim3A_53 {strides = array<i32>} : memref<416xf32, #tpu.memory_space<vmem>>, vector<16xf32>,
    %swap3A_107 = arith.constant 368 : index
    %swap3A_108 = tpu.vector_load %arg8[%swap3A_107] {strides = array<i32>} : memref<416xf32, #tpu.memory_space<vmem>>, vector<16xf32>,
    tpu.vector_store %arg8[%swap3A_107], %broadcast_in_dim3A_53 {strides = array<i32>} : memref<416xf32, #tpu.memory_space<vmem>>, vector<16xf32>,
    %swap3A_109 = arith.constant 384 : index
    %swap3A_110 = tpu.vector_load %arg8[%swap3A_109] {strides = array<i32>} : memref<416xf32, #tpu.memory_space<vmem>>, vector<16xf32>,
    tpu.vector_store %arg8[%swap3A_109], %broadcast_in_dim3A_53 {strides = array<i32>} : memref<416xf32, #tpu.memory_space<vmem>>, vector<16xf32>,
    %swap3A_111 = arith.constant 400 : index
    %swap3A_112 = tpu.vector_load %arg8[%swap3A_111] {strides = array<i32>} : memref<416xf32, #tpu.memory_space<vmem>>, vector<16xf32>,
    tpu.vector_store %arg8[%swap3A_111], %broadcast_in_dim3A_53 {strides = array<i32>} : memref<416xf32, #tpu.memory_space<vmem>>, vector<16xf32>,
    %swap3A_113 = arith.constant 0 : index
    %swap3A_114 = tpu.vector_load %arg9[%swap3A_113] {strides = array<i32>} : memref<16xf32, #tpu.memory_space<vmem>>, vector<16xf32>,
    tpu.vector_store %arg9[%swap3A_113], %broadcast_in_dim3A_53 {strides = array<i32>} : memref<16xf32, #tpu.memory_space<vmem>>, vector<16xf32>,
    %jit3A_115 = arith.constant 2 : i32
    %div3A_116 = arith.divsi %select_n3A_35, %jit3A_115 : i32
    %sign3A_117 = arith.constant 0 : i32
    %sign3A_118 = arith.cmpi sgt, %select_n3A_35, %sign3A_117 : i32
    %sign3A_119 = arith.extui %sign3A_118 : i1 to i32
    %sign3A_120 = arith.constant 0 : i32
    %sign3A_121 = arith.cmpi slt, %select_n3A_35, %sign3A_120 : i32
    %sign3A_122 = arith.extui %sign3A_121 : i1 to i32
    %sign3A_123 = arith.subi %sign3A_119, %sign3A_122 : i32
    %sign3A_124 = arith.constant 0 : i32
    %sign3A_125 = arith.cmpi sgt, %jit3A_115, %sign3A_124 : i32
    %sign3A_126 = arith.extui %sign3A_125 : i1 to i32
    %sign3A_127 = arith.constant 0 : i32
    %sign3A_128 = arith.cmpi slt, %jit3A_115, %sign3A_127 : i32
    %sign3A_129 = arith.extui %sign3A_128 : i1 to i32
    %sign3A_130 = arith.subi %sign3A_126, %sign3A_129 : i32
    %ne3A_131 = arith.cmpi ne, %sign3A_123, %sign3A_130 : i32
    %rem3A_132 = arith.remsi %select_n3A_35, %jit3A_115 : i32
    %ne3A_133 = arith.constant 0 : i32
    %ne3A_134 = arith.cmpi ne, %rem3A_132, %ne3A_133 : i32
    %and3A_135 = arith.andi %ne3A_131, %ne3A_134 : i1
    %sub3A_136 = arith.constant 1 : i32
    %sub3A_137 = arith.subi %div3A_116, %sub3A_136 : i32
    %select_n3A_138 = arith.select %and3A_135, %sub3A_137, %div3A_116 : i32
    %while3A = arith.constant 0 : i32
    %while3A_139 = arith.constant 1.000000e+00 : f32
    %while3A_140 = arith.constant 0.000000e+00 : f32
    %while3A_141 = arith.subi %select_n3A_138, %while3A : i32
    %while3A_142 = arith.addi %while3A, %while3A_141 : i32
    %while3A_143 = arith.constant 1 : i32
    %while3A_144 = arith.divsi %while3A_141, %while3A_143 : i32
    %while3A_145 = arith.muli %while3A_144, %while3A_143 : i32
    %while3A_146 = arith.addi %while3A, %while3A_145 : i32
    %while3A_147 = arith.constant 1 : i32
    %while3A_148:2 = scf.for %while3A_910 = %while3A to %while3A_146 step %while3A_147 iter_args(%while3A_911 = %while3A_139, %while3A_912 = %while3A_140) -> (f32, f32)  : i32 {
      %mul3A_913 = arith.constant 40 : i32
      %mul3A_914 = arith.muli %while3A_910, %mul3A_913 : i32
      %add3A_915 = vector.broadcast %mul3A_914 : i32 to vector<16xi32>
      %add3A_916 = arith.addi %iota3A, %add3A_915 : vector<16xi32>
      %gather3A = tpu.vector_load_idx %arg5[%add3A_916] : memref<43856xf32, #tpu.memory_space<vmem>>[vector<16xi32>], vector<16xf32>,
      %add3A_917 = arith.constant 16 : i32
      %add3A_918 = arith.addi %mul3A_914, %add3A_917 : i32
      %add3A_919 = vector.broadcast %add3A_918 : i32 to vector<16xi32>
      %add3A_920 = arith.addi %iota3A, %add3A_919 : vector<16xi32>
      %gather3A_921 = tpu.vector_load_idx %arg5[%add3A_920] : memref<43856xf32, #tpu.memory_space<vmem>>[vector<16xi32>], vector<16xf32>,
      %add3A_922 = arith.constant 20 : i32
      %add3A_923 = arith.addi %mul3A_914, %add3A_922 : i32
      %add3A_924 = vector.broadcast %add3A_923 : i32 to vector<16xi32>
      %add3A_925 = arith.addi %iota3A, %add3A_924 : vector<16xi32>
      %gather3A_926 = tpu.vector_load_idx %arg5[%add3A_925] : memref<43856xf32, #tpu.memory_space<vmem>>[vector<16xi32>], vector<16xf32>,
      %add3A_927 = arith.constant 36 : i32
      %add3A_928 = arith.addi %mul3A_914, %add3A_927 : i32
      %add3A_929 = vector.broadcast %add3A_928 : i32 to vector<16xi32>
      %add3A_930 = arith.addi %iota3A, %add3A_929 : vector<16xi32>
      %gather3A_931 = tpu.vector_load_idx %arg5[%add3A_930] : memref<43856xf32, #tpu.memory_space<vmem>>[vector<16xi32>], vector<16xf32>,
      %mul3A_932 = arith.constant 4.000000e+02 : f32
      %mul3A_933 = vector.broadcast %mul3A_932 : f32 to vector<16xf32>
      %mul3A_934 = arith.mulf %gather3A, %mul3A_933 : vector<16xf32>
      %convert_element_type3A_935 = arith.fptosi %mul3A_934 : vector<16xf32> to vector<16xi32>
      %mul3A_936 = arith.constant 4.000000e+02 : f32
      %mul3A_937 = vector.broadcast %mul3A_936 : f32 to vector<16xf32>
      %mul3A_938 = arith.mulf %gather3A_921, %mul3A_937 : vector<16xf32>
      %convert_element_type3A_939 = arith.fptosi %mul3A_938 : vector<16xf32> to vector<16xi32>
      %mul3A_940 = arith.constant 4.000000e+02 : f32
      %mul3A_941 = vector.broadcast %mul3A_940 : f32 to vector<16xf32>
      %mul3A_942 = arith.mulf %gather3A_926, %mul3A_941 : vector<16xf32>
      %convert_element_type3A_943 = arith.fptosi %mul3A_942 : vector<16xf32> to vector<16xi32>
      %mul3A_944 = arith.constant 4.000000e+02 : f32
      %mul3A_945 = vector.broadcast %mul3A_944 : f32 to vector<16xf32>
      %mul3A_946 = arith.mulf %gather3A_931, %mul3A_945 : vector<16xf32>
      %convert_element_type3A_947 = arith.fptosi %mul3A_946 : vector<16xf32> to vector<16xi32>
      %mul3A_948 = arith.constant 2 : i32
      %mul3A_949 = arith.muli %while3A_910, %mul3A_948 : i32
      %add3A_950 = arith.constant 1 : i32
      %add3A_951 = arith.addi %mul3A_949, %add3A_950 : i32
      %and3A_952 = arith.constant 31 : i32
      %and3A_953 = arith.andi %add3A_951, %and3A_952 : i32
      %eq3A_954 = arith.constant 31 : i32
      %eq3A_955 = arith.cmpi eq, %and3A_953, %eq3A_954 : i32
      %mul3A_956 = arith.constant 1.05946314 : f32
      %mul3A_957 = arith.mulf %while3A_911, %mul3A_956 : f32
      %mul3A_958 = arith.constant 2.000000e+01 : f32
      %mul3A_959 = arith.mulf %mul3A_958, %while3A_911 : f32
      %add3A_960 = arith.addf %while3A_912, %mul3A_959 : f32
      %mul3A_961 = arith.constant 2.000000e+01 : f32
      %mul3A_962 = arith.mulf %mul3A_961, %mul3A_957 : f32
      %add3A_963 = arith.addf %add3A_960, %mul3A_962 : f32
      %mul3A_964 = arith.constant 1.05946314 : f32
      %mul3A_965 = arith.mulf %mul3A_957, %mul3A_964 : f32
      %jit3A_966 = arith.constant 1.000000e+00 : f32
      %select_n3A_967 = arith.select %eq3A_955, %jit3A_966, %mul3A_965 : f32
      %mul3A_968 = arith.constant 0.157490134 : f32
      %mul3A_969 = arith.mulf %add3A_963, %mul3A_968 : f32
      %select_n3A_970 = arith.select %eq3A_955, %mul3A_969, %add3A_963 : f32
      %broadcast_in_dim3A_971 = vector.broadcast %while3A_911 : f32 to vector<16xf32>
      tpu.vector_store_idx %arg8[%convert_element_type3A_935], %broadcast_in_dim3A_971 {add = true} : memref<416xf32, #tpu.memory_space<vmem>>[vector<16xi32>], vector<16xf32>,
      tpu.vector_store_idx %arg8[%convert_element_type3A_939], %broadcast_in_dim3A_971 masked %lt3A_58 {add = true} : memref<416xf32, #tpu.memory_space<vmem>>[vector<16xi32>], vector<16xf32>, vector<16xi1>
      %shift_right_arithmetic3A = arith.constant 5 : i32
      %shift_right_arithmetic3A_972 = vector.broadcast %shift_right_arithmetic3A : i32 to vector<16xi32>
      %shift_right_arithmetic3A_973 = arith.shrsi %convert_element_type3A_935, %shift_right_arithmetic3A_972 : vector<16xi32>
      tpu.vector_store_idx %arg9[%shift_right_arithmetic3A_973], %broadcast_in_dim3A_971 {add = true} : memref<16xf32, #tpu.memory_space<vmem>>[vector<16xi32>], vector<16xf32>,
      %shift_right_arithmetic3A_974 = arith.constant 5 : i32
      %shift_right_arithmetic3A_975 = vector.broadcast %shift_right_arithmetic3A_974 : i32 to vector<16xi32>
      %shift_right_arithmetic3A_976 = arith.shrsi %convert_element_type3A_939, %shift_right_arithmetic3A_975 : vector<16xi32>
      tpu.vector_store_idx %arg9[%shift_right_arithmetic3A_976], %broadcast_in_dim3A_971 masked %lt3A_58 {add = true} : memref<16xf32, #tpu.memory_space<vmem>>[vector<16xi32>], vector<16xf32>, vector<16xi1>
      %broadcast_in_dim3A_977 = vector.broadcast %mul3A_957 : f32 to vector<16xf32>
      tpu.vector_store_idx %arg8[%convert_element_type3A_943], %broadcast_in_dim3A_977 {add = true} : memref<416xf32, #tpu.memory_space<vmem>>[vector<16xi32>], vector<16xf32>,
      tpu.vector_store_idx %arg8[%convert_element_type3A_947], %broadcast_in_dim3A_977 masked %lt3A_58 {add = true} : memref<416xf32, #tpu.memory_space<vmem>>[vector<16xi32>], vector<16xf32>, vector<16xi1>
      %shift_right_arithmetic3A_978 = arith.constant 5 : i32
      %shift_right_arithmetic3A_979 = vector.broadcast %shift_right_arithmetic3A_978 : i32 to vector<16xi32>
      %shift_right_arithmetic3A_980 = arith.shrsi %convert_element_type3A_943, %shift_right_arithmetic3A_979 : vector<16xi32>
      tpu.vector_store_idx %arg9[%shift_right_arithmetic3A_980], %broadcast_in_dim3A_977 {add = true} : memref<16xf32, #tpu.memory_space<vmem>>[vector<16xi32>], vector<16xf32>,
      %shift_right_arithmetic3A_981 = arith.constant 5 : i32
      %shift_right_arithmetic3A_982 = vector.broadcast %shift_right_arithmetic3A_981 : i32 to vector<16xi32>
      %shift_right_arithmetic3A_983 = arith.shrsi %convert_element_type3A_947, %shift_right_arithmetic3A_982 : vector<16xi32>
      tpu.vector_store_idx %arg9[%shift_right_arithmetic3A_983], %broadcast_in_dim3A_977 masked %lt3A_58 {add = true} : memref<16xf32, #tpu.memory_space<vmem>>[vector<16xi32>], vector<16xf32>, vector<16xi1>
      %convert_element_type3A_984 = arith.extui %eq3A_955 : i1 to i32
      %cond3A_985 = arith.constant 0 : i32
      %cond3A_986 = arith.cmpi ne, %convert_element_type3A_984, %cond3A_985 : i32
      scf.if %cond3A_986 {
        %get3A = arith.constant 0 : index
        %get3A_987 = tpu.vector_load %arg8[%get3A] {strides = array<i32>} : memref<416xf32, #tpu.memory_space<vmem>>, vector<16xf32>,
        %mul3A_988 = arith.constant 0.157490134 : f32
        %mul3A_989 = vector.broadcast %mul3A_988 : f32 to vector<16xf32>
        %mul3A_990 = arith.mulf %get3A_987, %mul3A_989 : vector<16xf32>
        %swap3A_991 = arith.constant 0 : index
        %swap3A_992 = tpu.vector_load %arg8[%swap3A_991] {strides = array<i32>} : memref<416xf32, #tpu.memory_space<vmem>>, vector<16xf32>,
        tpu.vector_store %arg8[%swap3A_991], %mul3A_990 {strides = array<i32>} : memref<416xf32, #tpu.memory_space<vmem>>, vector<16xf32>,
        %get3A_993 = arith.constant 16 : index
        %get3A_994 = tpu.vector_load %arg8[%get3A_993] {strides = array<i32>} : memref<416xf32, #tpu.memory_space<vmem>>, vector<16xf32>,
        %mul3A_995 = arith.constant 0.157490134 : f32
        %mul3A_996 = vector.broadcast %mul3A_995 : f32 to vector<16xf32>
        %mul3A_997 = arith.mulf %get3A_994, %mul3A_996 : vector<16xf32>
        %swap3A_998 = arith.constant 16 : index
        %swap3A_999 = tpu.vector_load %arg8[%swap3A_998] {strides = array<i32>} : memref<416xf32, #tpu.memory_space<vmem>>, vector<16xf32>,
        tpu.vector_store %arg8[%swap3A_998], %mul3A_997 {strides = array<i32>} : memref<416xf32, #tpu.memory_space<vmem>>, vector<16xf32>,
        %get3A_1000 = arith.constant 32 : index
        %get3A_1001 = tpu.vector_load %arg8[%get3A_1000] {strides = array<i32>} : memref<416xf32, #tpu.memory_space<vmem>>, vector<16xf32>,
        %mul3A_1002 = arith.constant 0.157490134 : f32
        %mul3A_1003 = vector.broadcast %mul3A_1002 : f32 to vector<16xf32>
        %mul3A_1004 = arith.mulf %get3A_1001, %mul3A_1003 : vector<16xf32>
        %swap3A_1005 = arith.constant 32 : index
        %swap3A_1006 = tpu.vector_load %arg8[%swap3A_1005] {strides = array<i32>} : memref<416xf32, #tpu.memory_space<vmem>>, vector<16xf32>,
        tpu.vector_store %arg8[%swap3A_1005], %mul3A_1004 {strides = array<i32>} : memref<416xf32, #tpu.memory_space<vmem>>, vector<16xf32>,
        %get3A_1007 = arith.constant 48 : index
        %get3A_1008 = tpu.vector_load %arg8[%get3A_1007] {strides = array<i32>} : memref<416xf32, #tpu.memory_space<vmem>>, vector<16xf32>,
        %mul3A_1009 = arith.constant 0.157490134 : f32
        %mul3A_1010 = vector.broadcast %mul3A_1009 : f32 to vector<16xf32>
        %mul3A_1011 = arith.mulf %get3A_1008, %mul3A_1010 : vector<16xf32>
        %swap3A_1012 = arith.constant 48 : index
        %swap3A_1013 = tpu.vector_load %arg8[%swap3A_1012] {strides = array<i32>} : memref<416xf32, #tpu.memory_space<vmem>>, vector<16xf32>,
        tpu.vector_store %arg8[%swap3A_1012], %mul3A_1011 {strides = array<i32>} : memref<416xf32, #tpu.memory_space<vmem>>, vector<16xf32>,
        %get3A_1014 = arith.constant 64 : index
        %get3A_1015 = tpu.vector_load %arg8[%get3A_1014] {strides = array<i32>} : memref<416xf32, #tpu.memory_space<vmem>>, vector<16xf32>,
        %mul3A_1016 = arith.constant 0.157490134 : f32
        %mul3A_1017 = vector.broadcast %mul3A_1016 : f32 to vector<16xf32>
        %mul3A_1018 = arith.mulf %get3A_1015, %mul3A_1017 : vector<16xf32>
        %swap3A_1019 = arith.constant 64 : index
        %swap3A_1020 = tpu.vector_load %arg8[%swap3A_1019] {strides = array<i32>} : memref<416xf32, #tpu.memory_space<vmem>>, vector<16xf32>,
        tpu.vector_store %arg8[%swap3A_1019], %mul3A_1018 {strides = array<i32>} : memref<416xf32, #tpu.memory_space<vmem>>, vector<16xf32>,
        %get3A_1021 = arith.constant 80 : index
        %get3A_1022 = tpu.vector_load %arg8[%get3A_1021] {strides = array<i32>} : memref<416xf32, #tpu.memory_space<vmem>>, vector<16xf32>,
        %mul3A_1023 = arith.constant 0.157490134 : f32
        %mul3A_1024 = vector.broadcast %mul3A_1023 : f32 to vector<16xf32>
        %mul3A_1025 = arith.mulf %get3A_1022, %mul3A_1024 : vector<16xf32>
        %swap3A_1026 = arith.constant 80 : index
        %swap3A_1027 = tpu.vector_load %arg8[%swap3A_1026] {strides = array<i32>} : memref<416xf32, #tpu.memory_space<vmem>>, vector<16xf32>,
        tpu.vector_store %arg8[%swap3A_1026], %mul3A_1025 {strides = array<i32>} : memref<416xf32, #tpu.memory_space<vmem>>, vector<16xf32>,
        %get3A_1028 = arith.constant 96 : index
        %get3A_1029 = tpu.vector_load %arg8[%get3A_1028] {strides = array<i32>} : memref<416xf32, #tpu.memory_space<vmem>>, vector<16xf32>,
        %mul3A_1030 = arith.constant 0.157490134 : f32
        %mul3A_1031 = vector.broadcast %mul3A_1030 : f32 to vector<16xf32>
        %mul3A_1032 = arith.mulf %get3A_1029, %mul3A_1031 : vector<16xf32>
        %swap3A_1033 = arith.constant 96 : index
        %swap3A_1034 = tpu.vector_load %arg8[%swap3A_1033] {strides = array<i32>} : memref<416xf32, #tpu.memory_space<vmem>>, vector<16xf32>,
        tpu.vector_store %arg8[%swap3A_1033], %mul3A_1032 {strides = array<i32>} : memref<416xf32, #tpu.memory_space<vmem>>, vector<16xf32>,
        %get3A_1035 = arith.constant 112 : index
        %get3A_1036 = tpu.vector_load %arg8[%get3A_1035] {strides = array<i32>} : memref<416xf32, #tpu.memory_space<vmem>>, vector<16xf32>,
        %mul3A_1037 = arith.constant 0.157490134 : f32
        %mul3A_1038 = vector.broadcast %mul3A_1037 : f32 to vector<16xf32>
        %mul3A_1039 = arith.mulf %get3A_1036, %mul3A_1038 : vector<16xf32>
        %swap3A_1040 = arith.constant 112 : index
        %swap3A_1041 = tpu.vector_load %arg8[%swap3A_1040] {strides = array<i32>} : memref<416xf32, #tpu.memory_space<vmem>>, vector<16xf32>,
        tpu.vector_store %arg8[%swap3A_1040], %mul3A_1039 {strides = array<i32>} : memref<416xf32, #tpu.memory_space<vmem>>, vector<16xf32>,
        %get3A_1042 = arith.constant 128 : index
        %get3A_1043 = tpu.vector_load %arg8[%get3A_1042] {strides = array<i32>} : memref<416xf32, #tpu.memory_space<vmem>>, vector<16xf32>,
        %mul3A_1044 = arith.constant 0.157490134 : f32
        %mul3A_1045 = vector.broadcast %mul3A_1044 : f32 to vector<16xf32>
        %mul3A_1046 = arith.mulf %get3A_1043, %mul3A_1045 : vector<16xf32>
        %swap3A_1047 = arith.constant 128 : index
        %swap3A_1048 = tpu.vector_load %arg8[%swap3A_1047] {strides = array<i32>} : memref<416xf32, #tpu.memory_space<vmem>>, vector<16xf32>,
        tpu.vector_store %arg8[%swap3A_1047], %mul3A_1046 {strides = array<i32>} : memref<416xf32, #tpu.memory_space<vmem>>, vector<16xf32>,
        %get3A_1049 = arith.constant 144 : index
        %get3A_1050 = tpu.vector_load %arg8[%get3A_1049] {strides = array<i32>} : memref<416xf32, #tpu.memory_space<vmem>>, vector<16xf32>,
        %mul3A_1051 = arith.constant 0.157490134 : f32
        %mul3A_1052 = vector.broadcast %mul3A_1051 : f32 to vector<16xf32>
        %mul3A_1053 = arith.mulf %get3A_1050, %mul3A_1052 : vector<16xf32>
        %swap3A_1054 = arith.constant 144 : index
        %swap3A_1055 = tpu.vector_load %arg8[%swap3A_1054] {strides = array<i32>} : memref<416xf32, #tpu.memory_space<vmem>>, vector<16xf32>,
        tpu.vector_store %arg8[%swap3A_1054], %mul3A_1053 {strides = array<i32>} : memref<416xf32, #tpu.memory_space<vmem>>, vector<16xf32>,
        %get3A_1056 = arith.constant 160 : index
        %get3A_1057 = tpu.vector_load %arg8[%get3A_1056] {strides = array<i32>} : memref<416xf32, #tpu.memory_space<vmem>>, vector<16xf32>,
        %mul3A_1058 = arith.constant 0.157490134 : f32
        %mul3A_1059 = vector.broadcast %mul3A_1058 : f32 to vector<16xf32>
        %mul3A_1060 = arith.mulf %get3A_1057, %mul3A_1059 : vector<16xf32>
        %swap3A_1061 = arith.constant 160 : index
        %swap3A_1062 = tpu.vector_load %arg8[%swap3A_1061] {strides = array<i32>} : memref<416xf32, #tpu.memory_space<vmem>>, vector<16xf32>,
        tpu.vector_store %arg8[%swap3A_1061], %mul3A_1060 {strides = array<i32>} : memref<416xf32, #tpu.memory_space<vmem>>, vector<16xf32>,
        %get3A_1063 = arith.constant 176 : index
        %get3A_1064 = tpu.vector_load %arg8[%get3A_1063] {strides = array<i32>} : memref<416xf32, #tpu.memory_space<vmem>>, vector<16xf32>,
        %mul3A_1065 = arith.constant 0.157490134 : f32
        %mul3A_1066 = vector.broadcast %mul3A_1065 : f32 to vector<16xf32>
        %mul3A_1067 = arith.mulf %get3A_1064, %mul3A_1066 : vector<16xf32>
        %swap3A_1068 = arith.constant 176 : index
        %swap3A_1069 = tpu.vector_load %arg8[%swap3A_1068] {strides = array<i32>} : memref<416xf32, #tpu.memory_space<vmem>>, vector<16xf32>,
        tpu.vector_store %arg8[%swap3A_1068], %mul3A_1067 {strides = array<i32>} : memref<416xf32, #tpu.memory_space<vmem>>, vector<16xf32>,
        %get3A_1070 = arith.constant 192 : index
        %get3A_1071 = tpu.vector_load %arg8[%get3A_1070] {strides = array<i32>} : memref<416xf32, #tpu.memory_space<vmem>>, vector<16xf32>,
        %mul3A_1072 = arith.constant 0.157490134 : f32
        %mul3A_1073 = vector.broadcast %mul3A_1072 : f32 to vector<16xf32>
        %mul3A_1074 = arith.mulf %get3A_1071, %mul3A_1073 : vector<16xf32>
        %swap3A_1075 = arith.constant 192 : index
        %swap3A_1076 = tpu.vector_load %arg8[%swap3A_1075] {strides = array<i32>} : memref<416xf32, #tpu.memory_space<vmem>>, vector<16xf32>,
        tpu.vector_store %arg8[%swap3A_1075], %mul3A_1074 {strides = array<i32>} : memref<416xf32, #tpu.memory_space<vmem>>, vector<16xf32>,
        %get3A_1077 = arith.constant 208 : index
        %get3A_1078 = tpu.vector_load %arg8[%get3A_1077] {strides = array<i32>} : memref<416xf32, #tpu.memory_space<vmem>>, vector<16xf32>,
        %mul3A_1079 = arith.constant 0.157490134 : f32
        %mul3A_1080 = vector.broadcast %mul3A_1079 : f32 to vector<16xf32>
        %mul3A_1081 = arith.mulf %get3A_1078, %mul3A_1080 : vector<16xf32>
        %swap3A_1082 = arith.constant 208 : index
        %swap3A_1083 = tpu.vector_load %arg8[%swap3A_1082] {strides = array<i32>} : memref<416xf32, #tpu.memory_space<vmem>>, vector<16xf32>,
        tpu.vector_store %arg8[%swap3A_1082], %mul3A_1081 {strides = array<i32>} : memref<416xf32, #tpu.memory_space<vmem>>, vector<16xf32>,
        %get3A_1084 = arith.constant 224 : index
        %get3A_1085 = tpu.vector_load %arg8[%get3A_1084] {strides = array<i32>} : memref<416xf32, #tpu.memory_space<vmem>>, vector<16xf32>,
        %mul3A_1086 = arith.constant 0.157490134 : f32
        %mul3A_1087 = vector.broadcast %mul3A_1086 : f32 to vector<16xf32>
        %mul3A_1088 = arith.mulf %get3A_1085, %mul3A_1087 : vector<16xf32>
        %swap3A_1089 = arith.constant 224 : index
        %swap3A_1090 = tpu.vector_load %arg8[%swap3A_1089] {strides = array<i32>} : memref<416xf32, #tpu.memory_space<vmem>>, vector<16xf32>,
        tpu.vector_store %arg8[%swap3A_1089], %mul3A_1088 {strides = array<i32>} : memref<416xf32, #tpu.memory_space<vmem>>, vector<16xf32>,
        %get3A_1091 = arith.constant 240 : index
        %get3A_1092 = tpu.vector_load %arg8[%get3A_1091] {strides = array<i32>} : memref<416xf32, #tpu.memory_space<vmem>>, vector<16xf32>,
        %mul3A_1093 = arith.constant 0.157490134 : f32
        %mul3A_1094 = vector.broadcast %mul3A_1093 : f32 to vector<16xf32>
        %mul3A_1095 = arith.mulf %get3A_1092, %mul3A_1094 : vector<16xf32>
        %swap3A_1096 = arith.constant 240 : index
        %swap3A_1097 = tpu.vector_load %arg8[%swap3A_1096] {strides = array<i32>} : memref<416xf32, #tpu.memory_space<vmem>>, vector<16xf32>,
        tpu.vector_store %arg8[%swap3A_1096], %mul3A_1095 {strides = array<i32>} : memref<416xf32, #tpu.memory_space<vmem>>, vector<16xf32>,
        %get3A_1098 = arith.constant 256 : index
        %get3A_1099 = tpu.vector_load %arg8[%get3A_1098] {strides = array<i32>} : memref<416xf32, #tpu.memory_space<vmem>>, vector<16xf32>,
        %mul3A_1100 = arith.constant 0.157490134 : f32
        %mul3A_1101 = vector.broadcast %mul3A_1100 : f32 to vector<16xf32>
        %mul3A_1102 = arith.mulf %get3A_1099, %mul3A_1101 : vector<16xf32>
        %swap3A_1103 = arith.constant 256 : index
        %swap3A_1104 = tpu.vector_load %arg8[%swap3A_1103] {strides = array<i32>} : memref<416xf32, #tpu.memory_space<vmem>>, vector<16xf32>,
        tpu.vector_store %arg8[%swap3A_1103], %mul3A_1102 {strides = array<i32>} : memref<416xf32, #tpu.memory_space<vmem>>, vector<16xf32>,
        %get3A_1105 = arith.constant 272 : index
        %get3A_1106 = tpu.vector_load %arg8[%get3A_1105] {strides = array<i32>} : memref<416xf32, #tpu.memory_space<vmem>>, vector<16xf32>,
        %mul3A_1107 = arith.constant 0.157490134 : f32
        %mul3A_1108 = vector.broadcast %mul3A_1107 : f32 to vector<16xf32>
        %mul3A_1109 = arith.mulf %get3A_1106, %mul3A_1108 : vector<16xf32>
        %swap3A_1110 = arith.constant 272 : index
        %swap3A_1111 = tpu.vector_load %arg8[%swap3A_1110] {strides = array<i32>} : memref<416xf32, #tpu.memory_space<vmem>>, vector<16xf32>,
        tpu.vector_store %arg8[%swap3A_1110], %mul3A_1109 {strides = array<i32>} : memref<416xf32, #tpu.memory_space<vmem>>, vector<16xf32>,
        %get3A_1112 = arith.constant 288 : index
        %get3A_1113 = tpu.vector_load %arg8[%get3A_1112] {strides = array<i32>} : memref<416xf32, #tpu.memory_space<vmem>>, vector<16xf32>,
        %mul3A_1114 = arith.constant 0.157490134 : f32
        %mul3A_1115 = vector.broadcast %mul3A_1114 : f32 to vector<16xf32>
        %mul3A_1116 = arith.mulf %get3A_1113, %mul3A_1115 : vector<16xf32>
        %swap3A_1117 = arith.constant 288 : index
        %swap3A_1118 = tpu.vector_load %arg8[%swap3A_1117] {strides = array<i32>} : memref<416xf32, #tpu.memory_space<vmem>>, vector<16xf32>,
        tpu.vector_store %arg8[%swap3A_1117], %mul3A_1116 {strides = array<i32>} : memref<416xf32, #tpu.memory_space<vmem>>, vector<16xf32>,
        %get3A_1119 = arith.constant 304 : index
        %get3A_1120 = tpu.vector_load %arg8[%get3A_1119] {strides = array<i32>} : memref<416xf32, #tpu.memory_space<vmem>>, vector<16xf32>,
        %mul3A_1121 = arith.constant 0.157490134 : f32
        %mul3A_1122 = vector.broadcast %mul3A_1121 : f32 to vector<16xf32>
        %mul3A_1123 = arith.mulf %get3A_1120, %mul3A_1122 : vector<16xf32>
        %swap3A_1124 = arith.constant 304 : index
        %swap3A_1125 = tpu.vector_load %arg8[%swap3A_1124] {strides = array<i32>} : memref<416xf32, #tpu.memory_space<vmem>>, vector<16xf32>,
        tpu.vector_store %arg8[%swap3A_1124], %mul3A_1123 {strides = array<i32>} : memref<416xf32, #tpu.memory_space<vmem>>, vector<16xf32>,
        %get3A_1126 = arith.constant 320 : index
        %get3A_1127 = tpu.vector_load %arg8[%get3A_1126] {strides = array<i32>} : memref<416xf32, #tpu.memory_space<vmem>>, vector<16xf32>,
        %mul3A_1128 = arith.constant 0.157490134 : f32
        %mul3A_1129 = vector.broadcast %mul3A_1128 : f32 to vector<16xf32>
        %mul3A_1130 = arith.mulf %get3A_1127, %mul3A_1129 : vector<16xf32>
        %swap3A_1131 = arith.constant 320 : index
        %swap3A_1132 = tpu.vector_load %arg8[%swap3A_1131] {strides = array<i32>} : memref<416xf32, #tpu.memory_space<vmem>>, vector<16xf32>,
        tpu.vector_store %arg8[%swap3A_1131], %mul3A_1130 {strides = array<i32>} : memref<416xf32, #tpu.memory_space<vmem>>, vector<16xf32>,
        %get3A_1133 = arith.constant 336 : index
        %get3A_1134 = tpu.vector_load %arg8[%get3A_1133] {strides = array<i32>} : memref<416xf32, #tpu.memory_space<vmem>>, vector<16xf32>,
        %mul3A_1135 = arith.constant 0.157490134 : f32
        %mul3A_1136 = vector.broadcast %mul3A_1135 : f32 to vector<16xf32>
        %mul3A_1137 = arith.mulf %get3A_1134, %mul3A_1136 : vector<16xf32>
        %swap3A_1138 = arith.constant 336 : index
        %swap3A_1139 = tpu.vector_load %arg8[%swap3A_1138] {strides = array<i32>} : memref<416xf32, #tpu.memory_space<vmem>>, vector<16xf32>,
        tpu.vector_store %arg8[%swap3A_1138], %mul3A_1137 {strides = array<i32>} : memref<416xf32, #tpu.memory_space<vmem>>, vector<16xf32>,
        %get3A_1140 = arith.constant 352 : index
        %get3A_1141 = tpu.vector_load %arg8[%get3A_1140] {strides = array<i32>} : memref<416xf32, #tpu.memory_space<vmem>>, vector<16xf32>,
        %mul3A_1142 = arith.constant 0.157490134 : f32
        %mul3A_1143 = vector.broadcast %mul3A_1142 : f32 to vector<16xf32>
        %mul3A_1144 = arith.mulf %get3A_1141, %mul3A_1143 : vector<16xf32>
        %swap3A_1145 = arith.constant 352 : index
        %swap3A_1146 = tpu.vector_load %arg8[%swap3A_1145] {strides = array<i32>} : memref<416xf32, #tpu.memory_space<vmem>>, vector<16xf32>,
        tpu.vector_store %arg8[%swap3A_1145], %mul3A_1144 {strides = array<i32>} : memref<416xf32, #tpu.memory_space<vmem>>, vector<16xf32>,
        %get3A_1147 = arith.constant 368 : index
        %get3A_1148 = tpu.vector_load %arg8[%get3A_1147] {strides = array<i32>} : memref<416xf32, #tpu.memory_space<vmem>>, vector<16xf32>,
        %mul3A_1149 = arith.constant 0.157490134 : f32
        %mul3A_1150 = vector.broadcast %mul3A_1149 : f32 to vector<16xf32>
        %mul3A_1151 = arith.mulf %get3A_1148, %mul3A_1150 : vector<16xf32>
        %swap3A_1152 = arith.constant 368 : index
        %swap3A_1153 = tpu.vector_load %arg8[%swap3A_1152] {strides = array<i32>} : memref<416xf32, #tpu.memory_space<vmem>>, vector<16xf32>,
        tpu.vector_store %arg8[%swap3A_1152], %mul3A_1151 {strides = array<i32>} : memref<416xf32, #tpu.memory_space<vmem>>, vector<16xf32>,
        %get3A_1154 = arith.constant 384 : index
        %get3A_1155 = tpu.vector_load %arg8[%get3A_1154] {strides = array<i32>} : memref<416xf32, #tpu.memory_space<vmem>>, vector<16xf32>,
        %mul3A_1156 = arith.constant 0.157490134 : f32
        %mul3A_1157 = vector.broadcast %mul3A_1156 : f32 to vector<16xf32>
        %mul3A_1158 = arith.mulf %get3A_1155, %mul3A_1157 : vector<16xf32>
        %swap3A_1159 = arith.constant 384 : index
        %swap3A_1160 = tpu.vector_load %arg8[%swap3A_1159] {strides = array<i32>} : memref<416xf32, #tpu.memory_space<vmem>>, vector<16xf32>,
        tpu.vector_store %arg8[%swap3A_1159], %mul3A_1158 {strides = array<i32>} : memref<416xf32, #tpu.memory_space<vmem>>, vector<16xf32>,
        %get3A_1161 = arith.constant 0 : index
        %get3A_1162 = tpu.vector_load %arg9[%get3A_1161] {strides = array<i32>} : memref<16xf32, #tpu.memory_space<vmem>>, vector<16xf32>,
        %mul3A_1163 = arith.constant 0.157490134 : f32
        %mul3A_1164 = vector.broadcast %mul3A_1163 : f32 to vector<16xf32>
        %mul3A_1165 = arith.mulf %get3A_1162, %mul3A_1164 : vector<16xf32>
        %swap3A_1166 = arith.constant 0 : index
        %swap3A_1167 = tpu.vector_load %arg9[%swap3A_1166] {strides = array<i32>} : memref<16xf32, #tpu.memory_space<vmem>>, vector<16xf32>,
        tpu.vector_store %arg9[%swap3A_1166], %mul3A_1165 {strides = array<i32>} : memref<16xf32, #tpu.memory_space<vmem>>, vector<16xf32>,
      } else {
      }
      scf.yield %select_n3A_967, %select_n3A_970 : f32, f32
    }
    %while3A_149 = arith.constant 1 : i32
    %while3A_150:2 = scf.for %while3A_910 = %while3A_146 to %while3A_142 step %while3A_149 iter_args(%while3A_911 = %while3A_148#0, %while3A_912 = %while3A_148#1) -> (f32, f32)  : i32 {
      %mul3A_913 = arith.constant 40 : i32
      %mul3A_914 = arith.muli %while3A_910, %mul3A_913 : i32
      %add3A_915 = vector.broadcast %mul3A_914 : i32 to vector<16xi32>
      %add3A_916 = arith.addi %iota3A, %add3A_915 : vector<16xi32>
      %gather3A = tpu.vector_load_idx %arg5[%add3A_916] : memref<43856xf32, #tpu.memory_space<vmem>>[vector<16xi32>], vector<16xf32>,
      %add3A_917 = arith.constant 16 : i32
      %add3A_918 = arith.addi %mul3A_914, %add3A_917 : i32
      %add3A_919 = vector.broadcast %add3A_918 : i32 to vector<16xi32>
      %add3A_920 = arith.addi %iota3A, %add3A_919 : vector<16xi32>
      %gather3A_921 = tpu.vector_load_idx %arg5[%add3A_920] : memref<43856xf32, #tpu.memory_space<vmem>>[vector<16xi32>], vector<16xf32>,
      %add3A_922 = arith.constant 20 : i32
      %add3A_923 = arith.addi %mul3A_914, %add3A_922 : i32
      %add3A_924 = vector.broadcast %add3A_923 : i32 to vector<16xi32>
      %add3A_925 = arith.addi %iota3A, %add3A_924 : vector<16xi32>
      %gather3A_926 = tpu.vector_load_idx %arg5[%add3A_925] : memref<43856xf32, #tpu.memory_space<vmem>>[vector<16xi32>], vector<16xf32>,
      %add3A_927 = arith.constant 36 : i32
      %add3A_928 = arith.addi %mul3A_914, %add3A_927 : i32
      %add3A_929 = vector.broadcast %add3A_928 : i32 to vector<16xi32>
      %add3A_930 = arith.addi %iota3A, %add3A_929 : vector<16xi32>
      %gather3A_931 = tpu.vector_load_idx %arg5[%add3A_930] : memref<43856xf32, #tpu.memory_space<vmem>>[vector<16xi32>], vector<16xf32>,
      %mul3A_932 = arith.constant 4.000000e+02 : f32
      %mul3A_933 = vector.broadcast %mul3A_932 : f32 to vector<16xf32>
      %mul3A_934 = arith.mulf %gather3A, %mul3A_933 : vector<16xf32>
      %convert_element_type3A_935 = arith.fptosi %mul3A_934 : vector<16xf32> to vector<16xi32>
      %mul3A_936 = arith.constant 4.000000e+02 : f32
      %mul3A_937 = vector.broadcast %mul3A_936 : f32 to vector<16xf32>
      %mul3A_938 = arith.mulf %gather3A_921, %mul3A_937 : vector<16xf32>
      %convert_element_type3A_939 = arith.fptosi %mul3A_938 : vector<16xf32> to vector<16xi32>
      %mul3A_940 = arith.constant 4.000000e+02 : f32
      %mul3A_941 = vector.broadcast %mul3A_940 : f32 to vector<16xf32>
      %mul3A_942 = arith.mulf %gather3A_926, %mul3A_941 : vector<16xf32>
      %convert_element_type3A_943 = arith.fptosi %mul3A_942 : vector<16xf32> to vector<16xi32>
      %mul3A_944 = arith.constant 4.000000e+02 : f32
      %mul3A_945 = vector.broadcast %mul3A_944 : f32 to vector<16xf32>
      %mul3A_946 = arith.mulf %gather3A_931, %mul3A_945 : vector<16xf32>
      %convert_element_type3A_947 = arith.fptosi %mul3A_946 : vector<16xf32> to vector<16xi32>
      %mul3A_948 = arith.constant 2 : i32
      %mul3A_949 = arith.muli %while3A_910, %mul3A_948 : i32
      %add3A_950 = arith.constant 1 : i32
      %add3A_951 = arith.addi %mul3A_949, %add3A_950 : i32
      %and3A_952 = arith.constant 31 : i32
      %and3A_953 = arith.andi %add3A_951, %and3A_952 : i32
      %eq3A_954 = arith.constant 31 : i32
      %eq3A_955 = arith.cmpi eq, %and3A_953, %eq3A_954 : i32
      %mul3A_956 = arith.constant 1.05946314 : f32
      %mul3A_957 = arith.mulf %while3A_911, %mul3A_956 : f32
      %mul3A_958 = arith.constant 2.000000e+01 : f32
      %mul3A_959 = arith.mulf %mul3A_958, %while3A_911 : f32
      %add3A_960 = arith.addf %while3A_912, %mul3A_959 : f32
      %mul3A_961 = arith.constant 2.000000e+01 : f32
      %mul3A_962 = arith.mulf %mul3A_961, %mul3A_957 : f32
      %add3A_963 = arith.addf %add3A_960, %mul3A_962 : f32
      %mul3A_964 = arith.constant 1.05946314 : f32
      %mul3A_965 = arith.mulf %mul3A_957, %mul3A_964 : f32
      %jit3A_966 = arith.constant 1.000000e+00 : f32
      %select_n3A_967 = arith.select %eq3A_955, %jit3A_966, %mul3A_965 : f32
      %mul3A_968 = arith.constant 0.157490134 : f32
      %mul3A_969 = arith.mulf %add3A_963, %mul3A_968 : f32
      %select_n3A_970 = arith.select %eq3A_955, %mul3A_969, %add3A_963 : f32
      %broadcast_in_dim3A_971 = vector.broadcast %while3A_911 : f32 to vector<16xf32>
      tpu.vector_store_idx %arg8[%convert_element_type3A_935], %broadcast_in_dim3A_971 {add = true} : memref<416xf32, #tpu.memory_space<vmem>>[vector<16xi32>], vector<16xf32>,
      tpu.vector_store_idx %arg8[%convert_element_type3A_939], %broadcast_in_dim3A_971 masked %lt3A_58 {add = true} : memref<416xf32, #tpu.memory_space<vmem>>[vector<16xi32>], vector<16xf32>, vector<16xi1>
      %shift_right_arithmetic3A = arith.constant 5 : i32
      %shift_right_arithmetic3A_972 = vector.broadcast %shift_right_arithmetic3A : i32 to vector<16xi32>
      %shift_right_arithmetic3A_973 = arith.shrsi %convert_element_type3A_935, %shift_right_arithmetic3A_972 : vector<16xi32>
      tpu.vector_store_idx %arg9[%shift_right_arithmetic3A_973], %broadcast_in_dim3A_971 {add = true} : memref<16xf32, #tpu.memory_space<vmem>>[vector<16xi32>], vector<16xf32>,
      %shift_right_arithmetic3A_974 = arith.constant 5 : i32
      %shift_right_arithmetic3A_975 = vector.broadcast %shift_right_arithmetic3A_974 : i32 to vector<16xi32>
      %shift_right_arithmetic3A_976 = arith.shrsi %convert_element_type3A_939, %shift_right_arithmetic3A_975 : vector<16xi32>
      tpu.vector_store_idx %arg9[%shift_right_arithmetic3A_976], %broadcast_in_dim3A_971 masked %lt3A_58 {add = true} : memref<16xf32, #tpu.memory_space<vmem>>[vector<16xi32>], vector<16xf32>, vector<16xi1>
      %broadcast_in_dim3A_977 = vector.broadcast %mul3A_957 : f32 to vector<16xf32>
      tpu.vector_store_idx %arg8[%convert_element_type3A_943], %broadcast_in_dim3A_977 {add = true} : memref<416xf32, #tpu.memory_space<vmem>>[vector<16xi32>], vector<16xf32>,
      tpu.vector_store_idx %arg8[%convert_element_type3A_947], %broadcast_in_dim3A_977 masked %lt3A_58 {add = true} : memref<416xf32, #tpu.memory_space<vmem>>[vector<16xi32>], vector<16xf32>, vector<16xi1>
      %shift_right_arithmetic3A_978 = arith.constant 5 : i32
      %shift_right_arithmetic3A_979 = vector.broadcast %shift_right_arithmetic3A_978 : i32 to vector<16xi32>
      %shift_right_arithmetic3A_980 = arith.shrsi %convert_element_type3A_943, %shift_right_arithmetic3A_979 : vector<16xi32>
      tpu.vector_store_idx %arg9[%shift_right_arithmetic3A_980], %broadcast_in_dim3A_977 {add = true} : memref<16xf32, #tpu.memory_space<vmem>>[vector<16xi32>], vector<16xf32>,
      %shift_right_arithmetic3A_981 = arith.constant 5 : i32
      %shift_right_arithmetic3A_982 = vector.broadcast %shift_right_arithmetic3A_981 : i32 to vector<16xi32>
      %shift_right_arithmetic3A_983 = arith.shrsi %convert_element_type3A_947, %shift_right_arithmetic3A_982 : vector<16xi32>
      tpu.vector_store_idx %arg9[%shift_right_arithmetic3A_983], %broadcast_in_dim3A_977 masked %lt3A_58 {add = true} : memref<16xf32, #tpu.memory_space<vmem>>[vector<16xi32>], vector<16xf32>, vector<16xi1>
      %convert_element_type3A_984 = arith.extui %eq3A_955 : i1 to i32
      %cond3A_985 = arith.constant 0 : i32
      %cond3A_986 = arith.cmpi ne, %convert_element_type3A_984, %cond3A_985 : i32
      scf.if %cond3A_986 {
        %get3A = arith.constant 0 : index
        %get3A_987 = tpu.vector_load %arg8[%get3A] {strides = array<i32>} : memref<416xf32, #tpu.memory_space<vmem>>, vector<16xf32>,
        %mul3A_988 = arith.constant 0.157490134 : f32
        %mul3A_989 = vector.broadcast %mul3A_988 : f32 to vector<16xf32>
        %mul3A_990 = arith.mulf %get3A_987, %mul3A_989 : vector<16xf32>
        %swap3A_991 = arith.constant 0 : index
        %swap3A_992 = tpu.vector_load %arg8[%swap3A_991] {strides = array<i32>} : memref<416xf32, #tpu.memory_space<vmem>>, vector<16xf32>,
        tpu.vector_store %arg8[%swap3A_991], %mul3A_990 {strides = array<i32>} : memref<416xf32, #tpu.memory_space<vmem>>, vector<16xf32>,
        %get3A_993 = arith.constant 16 : index
        %get3A_994 = tpu.vector_load %arg8[%get3A_993] {strides = array<i32>} : memref<416xf32, #tpu.memory_space<vmem>>, vector<16xf32>,
        %mul3A_995 = arith.constant 0.157490134 : f32
        %mul3A_996 = vector.broadcast %mul3A_995 : f32 to vector<16xf32>
        %mul3A_997 = arith.mulf %get3A_994, %mul3A_996 : vector<16xf32>
        %swap3A_998 = arith.constant 16 : index
        %swap3A_999 = tpu.vector_load %arg8[%swap3A_998] {strides = array<i32>} : memref<416xf32, #tpu.memory_space<vmem>>, vector<16xf32>,
        tpu.vector_store %arg8[%swap3A_998], %mul3A_997 {strides = array<i32>} : memref<416xf32, #tpu.memory_space<vmem>>, vector<16xf32>,
        %get3A_1000 = arith.constant 32 : index
        %get3A_1001 = tpu.vector_load %arg8[%get3A_1000] {strides = array<i32>} : memref<416xf32, #tpu.memory_space<vmem>>, vector<16xf32>,
        %mul3A_1002 = arith.constant 0.157490134 : f32
        %mul3A_1003 = vector.broadcast %mul3A_1002 : f32 to vector<16xf32>
        %mul3A_1004 = arith.mulf %get3A_1001, %mul3A_1003 : vector<16xf32>
        %swap3A_1005 = arith.constant 32 : index
        %swap3A_1006 = tpu.vector_load %arg8[%swap3A_1005] {strides = array<i32>} : memref<416xf32, #tpu.memory_space<vmem>>, vector<16xf32>,
        tpu.vector_store %arg8[%swap3A_1005], %mul3A_1004 {strides = array<i32>} : memref<416xf32, #tpu.memory_space<vmem>>, vector<16xf32>,
        %get3A_1007 = arith.constant 48 : index
        %get3A_1008 = tpu.vector_load %arg8[%get3A_1007] {strides = array<i32>} : memref<416xf32, #tpu.memory_space<vmem>>, vector<16xf32>,
        %mul3A_1009 = arith.constant 0.157490134 : f32
        %mul3A_1010 = vector.broadcast %mul3A_1009 : f32 to vector<16xf32>
        %mul3A_1011 = arith.mulf %get3A_1008, %mul3A_1010 : vector<16xf32>
        %swap3A_1012 = arith.constant 48 : index
        %swap3A_1013 = tpu.vector_load %arg8[%swap3A_1012] {strides = array<i32>} : memref<416xf32, #tpu.memory_space<vmem>>, vector<16xf32>,
        tpu.vector_store %arg8[%swap3A_1012], %mul3A_1011 {strides = array<i32>} : memref<416xf32, #tpu.memory_space<vmem>>, vector<16xf32>,
        %get3A_1014 = arith.constant 64 : index
        %get3A_1015 = tpu.vector_load %arg8[%get3A_1014] {strides = array<i32>} : memref<416xf32, #tpu.memory_space<vmem>>, vector<16xf32>,
        %mul3A_1016 = arith.constant 0.157490134 : f32
        %mul3A_1017 = vector.broadcast %mul3A_1016 : f32 to vector<16xf32>
        %mul3A_1018 = arith.mulf %get3A_1015, %mul3A_1017 : vector<16xf32>
        %swap3A_1019 = arith.constant 64 : index
        %swap3A_1020 = tpu.vector_load %arg8[%swap3A_1019] {strides = array<i32>} : memref<416xf32, #tpu.memory_space<vmem>>, vector<16xf32>,
        tpu.vector_store %arg8[%swap3A_1019], %mul3A_1018 {strides = array<i32>} : memref<416xf32, #tpu.memory_space<vmem>>, vector<16xf32>,
        %get3A_1021 = arith.constant 80 : index
        %get3A_1022 = tpu.vector_load %arg8[%get3A_1021] {strides = array<i32>} : memref<416xf32, #tpu.memory_space<vmem>>, vector<16xf32>,
        %mul3A_1023 = arith.constant 0.157490134 : f32
        %mul3A_1024 = vector.broadcast %mul3A_1023 : f32 to vector<16xf32>
        %mul3A_1025 = arith.mulf %get3A_1022, %mul3A_1024 : vector<16xf32>
        %swap3A_1026 = arith.constant 80 : index
        %swap3A_1027 = tpu.vector_load %arg8[%swap3A_1026] {strides = array<i32>} : memref<416xf32, #tpu.memory_space<vmem>>, vector<16xf32>,
        tpu.vector_store %arg8[%swap3A_1026], %mul3A_1025 {strides = array<i32>} : memref<416xf32, #tpu.memory_space<vmem>>, vector<16xf32>,
        %get3A_1028 = arith.constant 96 : index
        %get3A_1029 = tpu.vector_load %arg8[%get3A_1028] {strides = array<i32>} : memref<416xf32, #tpu.memory_space<vmem>>, vector<16xf32>,
        %mul3A_1030 = arith.constant 0.157490134 : f32
        %mul3A_1031 = vector.broadcast %mul3A_1030 : f32 to vector<16xf32>
        %mul3A_1032 = arith.mulf %get3A_1029, %mul3A_1031 : vector<16xf32>
        %swap3A_1033 = arith.constant 96 : index
        %swap3A_1034 = tpu.vector_load %arg8[%swap3A_1033] {strides = array<i32>} : memref<416xf32, #tpu.memory_space<vmem>>, vector<16xf32>,
        tpu.vector_store %arg8[%swap3A_1033], %mul3A_1032 {strides = array<i32>} : memref<416xf32, #tpu.memory_space<vmem>>, vector<16xf32>,
        %get3A_1035 = arith.constant 112 : index
        %get3A_1036 = tpu.vector_load %arg8[%get3A_1035] {strides = array<i32>} : memref<416xf32, #tpu.memory_space<vmem>>, vector<16xf32>,
        %mul3A_1037 = arith.constant 0.157490134 : f32
        %mul3A_1038 = vector.broadcast %mul3A_1037 : f32 to vector<16xf32>
        %mul3A_1039 = arith.mulf %get3A_1036, %mul3A_1038 : vector<16xf32>
        %swap3A_1040 = arith.constant 112 : index
        %swap3A_1041 = tpu.vector_load %arg8[%swap3A_1040] {strides = array<i32>} : memref<416xf32, #tpu.memory_space<vmem>>, vector<16xf32>,
        tpu.vector_store %arg8[%swap3A_1040], %mul3A_1039 {strides = array<i32>} : memref<416xf32, #tpu.memory_space<vmem>>, vector<16xf32>,
        %get3A_1042 = arith.constant 128 : index
        %get3A_1043 = tpu.vector_load %arg8[%get3A_1042] {strides = array<i32>} : memref<416xf32, #tpu.memory_space<vmem>>, vector<16xf32>,
        %mul3A_1044 = arith.constant 0.157490134 : f32
        %mul3A_1045 = vector.broadcast %mul3A_1044 : f32 to vector<16xf32>
        %mul3A_1046 = arith.mulf %get3A_1043, %mul3A_1045 : vector<16xf32>
        %swap3A_1047 = arith.constant 128 : index
        %swap3A_1048 = tpu.vector_load %arg8[%swap3A_1047] {strides = array<i32>} : memref<416xf32, #tpu.memory_space<vmem>>, vector<16xf32>,
        tpu.vector_store %arg8[%swap3A_1047], %mul3A_1046 {strides = array<i32>} : memref<416xf32, #tpu.memory_space<vmem>>, vector<16xf32>,
        %get3A_1049 = arith.constant 144 : index
        %get3A_1050 = tpu.vector_load %arg8[%get3A_1049] {strides = array<i32>} : memref<416xf32, #tpu.memory_space<vmem>>, vector<16xf32>,
        %mul3A_1051 = arith.constant 0.157490134 : f32
        %mul3A_1052 = vector.broadcast %mul3A_1051 : f32 to vector<16xf32>
        %mul3A_1053 = arith.mulf %get3A_1050, %mul3A_1052 : vector<16xf32>
        %swap3A_1054 = arith.constant 144 : index
        %swap3A_1055 = tpu.vector_load %arg8[%swap3A_1054] {strides = array<i32>} : memref<416xf32, #tpu.memory_space<vmem>>, vector<16xf32>,
        tpu.vector_store %arg8[%swap3A_1054], %mul3A_1053 {strides = array<i32>} : memref<416xf32, #tpu.memory_space<vmem>>, vector<16xf32>,
        %get3A_1056 = arith.constant 160 : index
        %get3A_1057 = tpu.vector_load %arg8[%get3A_1056] {strides = array<i32>} : memref<416xf32, #tpu.memory_space<vmem>>, vector<16xf32>,
        %mul3A_1058 = arith.constant 0.157490134 : f32
        %mul3A_1059 = vector.broadcast %mul3A_1058 : f32 to vector<16xf32>
        %mul3A_1060 = arith.mulf %get3A_1057, %mul3A_1059 : vector<16xf32>
        %swap3A_1061 = arith.constant 160 : index
        %swap3A_1062 = tpu.vector_load %arg8[%swap3A_1061] {strides = array<i32>} : memref<416xf32, #tpu.memory_space<vmem>>, vector<16xf32>,
        tpu.vector_store %arg8[%swap3A_1061], %mul3A_1060 {strides = array<i32>} : memref<416xf32, #tpu.memory_space<vmem>>, vector<16xf32>,
        %get3A_1063 = arith.constant 176 : index
        %get3A_1064 = tpu.vector_load %arg8[%get3A_1063] {strides = array<i32>} : memref<416xf32, #tpu.memory_space<vmem>>, vector<16xf32>,
        %mul3A_1065 = arith.constant 0.157490134 : f32
        %mul3A_1066 = vector.broadcast %mul3A_1065 : f32 to vector<16xf32>
        %mul3A_1067 = arith.mulf %get3A_1064, %mul3A_1066 : vector<16xf32>
        %swap3A_1068 = arith.constant 176 : index
        %swap3A_1069 = tpu.vector_load %arg8[%swap3A_1068] {strides = array<i32>} : memref<416xf32, #tpu.memory_space<vmem>>, vector<16xf32>,
        tpu.vector_store %arg8[%swap3A_1068], %mul3A_1067 {strides = array<i32>} : memref<416xf32, #tpu.memory_space<vmem>>, vector<16xf32>,
        %get3A_1070 = arith.constant 192 : index
        %get3A_1071 = tpu.vector_load %arg8[%get3A_1070] {strides = array<i32>} : memref<416xf32, #tpu.memory_space<vmem>>, vector<16xf32>,
        %mul3A_1072 = arith.constant 0.157490134 : f32
        %mul3A_1073 = vector.broadcast %mul3A_1072 : f32 to vector<16xf32>
        %mul3A_1074 = arith.mulf %get3A_1071, %mul3A_1073 : vector<16xf32>
        %swap3A_1075 = arith.constant 192 : index
        %swap3A_1076 = tpu.vector_load %arg8[%swap3A_1075] {strides = array<i32>} : memref<416xf32, #tpu.memory_space<vmem>>, vector<16xf32>,
        tpu.vector_store %arg8[%swap3A_1075], %mul3A_1074 {strides = array<i32>} : memref<416xf32, #tpu.memory_space<vmem>>, vector<16xf32>,
        %get3A_1077 = arith.constant 208 : index
        %get3A_1078 = tpu.vector_load %arg8[%get3A_1077] {strides = array<i32>} : memref<416xf32, #tpu.memory_space<vmem>>, vector<16xf32>,
        %mul3A_1079 = arith.constant 0.157490134 : f32
        %mul3A_1080 = vector.broadcast %mul3A_1079 : f32 to vector<16xf32>
        %mul3A_1081 = arith.mulf %get3A_1078, %mul3A_1080 : vector<16xf32>
        %swap3A_1082 = arith.constant 208 : index
        %swap3A_1083 = tpu.vector_load %arg8[%swap3A_1082] {strides = array<i32>} : memref<416xf32, #tpu.memory_space<vmem>>, vector<16xf32>,
        tpu.vector_store %arg8[%swap3A_1082], %mul3A_1081 {strides = array<i32>} : memref<416xf32, #tpu.memory_space<vmem>>, vector<16xf32>,
        %get3A_1084 = arith.constant 224 : index
        %get3A_1085 = tpu.vector_load %arg8[%get3A_1084] {strides = array<i32>} : memref<416xf32, #tpu.memory_space<vmem>>, vector<16xf32>,
        %mul3A_1086 = arith.constant 0.157490134 : f32
        %mul3A_1087 = vector.broadcast %mul3A_1086 : f32 to vector<16xf32>
        %mul3A_1088 = arith.mulf %get3A_1085, %mul3A_1087 : vector<16xf32>
        %swap3A_1089 = arith.constant 224 : index
        %swap3A_1090 = tpu.vector_load %arg8[%swap3A_1089] {strides = array<i32>} : memref<416xf32, #tpu.memory_space<vmem>>, vector<16xf32>,
        tpu.vector_store %arg8[%swap3A_1089], %mul3A_1088 {strides = array<i32>} : memref<416xf32, #tpu.memory_space<vmem>>, vector<16xf32>,
        %get3A_1091 = arith.constant 240 : index
        %get3A_1092 = tpu.vector_load %arg8[%get3A_1091] {strides = array<i32>} : memref<416xf32, #tpu.memory_space<vmem>>, vector<16xf32>,
        %mul3A_1093 = arith.constant 0.157490134 : f32
        %mul3A_1094 = vector.broadcast %mul3A_1093 : f32 to vector<16xf32>
        %mul3A_1095 = arith.mulf %get3A_1092, %mul3A_1094 : vector<16xf32>
        %swap3A_1096 = arith.constant 240 : index
        %swap3A_1097 = tpu.vector_load %arg8[%swap3A_1096] {strides = array<i32>} : memref<416xf32, #tpu.memory_space<vmem>>, vector<16xf32>,
        tpu.vector_store %arg8[%swap3A_1096], %mul3A_1095 {strides = array<i32>} : memref<416xf32, #tpu.memory_space<vmem>>, vector<16xf32>,
        %get3A_1098 = arith.constant 256 : index
        %get3A_1099 = tpu.vector_load %arg8[%get3A_1098] {strides = array<i32>} : memref<416xf32, #tpu.memory_space<vmem>>, vector<16xf32>,
        %mul3A_1100 = arith.constant 0.157490134 : f32
        %mul3A_1101 = vector.broadcast %mul3A_1100 : f32 to vector<16xf32>
        %mul3A_1102 = arith.mulf %get3A_1099, %mul3A_1101 : vector<16xf32>
        %swap3A_1103 = arith.constant 256 : index
        %swap3A_1104 = tpu.vector_load %arg8[%swap3A_1103] {strides = array<i32>} : memref<416xf32, #tpu.memory_space<vmem>>, vector<16xf32>,
        tpu.vector_store %arg8[%swap3A_1103], %mul3A_1102 {strides = array<i32>} : memref<416xf32, #tpu.memory_space<vmem>>, vector<16xf32>,
        %get3A_1105 = arith.constant 272 : index
        %get3A_1106 = tpu.vector_load %arg8[%get3A_1105] {strides = array<i32>} : memref<416xf32, #tpu.memory_space<vmem>>, vector<16xf32>,
        %mul3A_1107 = arith.constant 0.157490134 : f32
        %mul3A_1108 = vector.broadcast %mul3A_1107 : f32 to vector<16xf32>
        %mul3A_1109 = arith.mulf %get3A_1106, %mul3A_1108 : vector<16xf32>
        %swap3A_1110 = arith.constant 272 : index
        %swap3A_1111 = tpu.vector_load %arg8[%swap3A_1110] {strides = array<i32>} : memref<416xf32, #tpu.memory_space<vmem>>, vector<16xf32>,
        tpu.vector_store %arg8[%swap3A_1110], %mul3A_1109 {strides = array<i32>} : memref<416xf32, #tpu.memory_space<vmem>>, vector<16xf32>,
        %get3A_1112 = arith.constant 288 : index
        %get3A_1113 = tpu.vector_load %arg8[%get3A_1112] {strides = array<i32>} : memref<416xf32, #tpu.memory_space<vmem>>, vector<16xf32>,
        %mul3A_1114 = arith.constant 0.157490134 : f32
        %mul3A_1115 = vector.broadcast %mul3A_1114 : f32 to vector<16xf32>
        %mul3A_1116 = arith.mulf %get3A_1113, %mul3A_1115 : vector<16xf32>
        %swap3A_1117 = arith.constant 288 : index
        %swap3A_1118 = tpu.vector_load %arg8[%swap3A_1117] {strides = array<i32>} : memref<416xf32, #tpu.memory_space<vmem>>, vector<16xf32>,
        tpu.vector_store %arg8[%swap3A_1117], %mul3A_1116 {strides = array<i32>} : memref<416xf32, #tpu.memory_space<vmem>>, vector<16xf32>,
        %get3A_1119 = arith.constant 304 : index
        %get3A_1120 = tpu.vector_load %arg8[%get3A_1119] {strides = array<i32>} : memref<416xf32, #tpu.memory_space<vmem>>, vector<16xf32>,
        %mul3A_1121 = arith.constant 0.157490134 : f32
        %mul3A_1122 = vector.broadcast %mul3A_1121 : f32 to vector<16xf32>
        %mul3A_1123 = arith.mulf %get3A_1120, %mul3A_1122 : vector<16xf32>
        %swap3A_1124 = arith.constant 304 : index
        %swap3A_1125 = tpu.vector_load %arg8[%swap3A_1124] {strides = array<i32>} : memref<416xf32, #tpu.memory_space<vmem>>, vector<16xf32>,
        tpu.vector_store %arg8[%swap3A_1124], %mul3A_1123 {strides = array<i32>} : memref<416xf32, #tpu.memory_space<vmem>>, vector<16xf32>,
        %get3A_1126 = arith.constant 320 : index
        %get3A_1127 = tpu.vector_load %arg8[%get3A_1126] {strides = array<i32>} : memref<416xf32, #tpu.memory_space<vmem>>, vector<16xf32>,
        %mul3A_1128 = arith.constant 0.157490134 : f32
        %mul3A_1129 = vector.broadcast %mul3A_1128 : f32 to vector<16xf32>
        %mul3A_1130 = arith.mulf %get3A_1127, %mul3A_1129 : vector<16xf32>
        %swap3A_1131 = arith.constant 320 : index
        %swap3A_1132 = tpu.vector_load %arg8[%swap3A_1131] {strides = array<i32>} : memref<416xf32, #tpu.memory_space<vmem>>, vector<16xf32>,
        tpu.vector_store %arg8[%swap3A_1131], %mul3A_1130 {strides = array<i32>} : memref<416xf32, #tpu.memory_space<vmem>>, vector<16xf32>,
        %get3A_1133 = arith.constant 336 : index
        %get3A_1134 = tpu.vector_load %arg8[%get3A_1133] {strides = array<i32>} : memref<416xf32, #tpu.memory_space<vmem>>, vector<16xf32>,
        %mul3A_1135 = arith.constant 0.157490134 : f32
        %mul3A_1136 = vector.broadcast %mul3A_1135 : f32 to vector<16xf32>
        %mul3A_1137 = arith.mulf %get3A_1134, %mul3A_1136 : vector<16xf32>
        %swap3A_1138 = arith.constant 336 : index
        %swap3A_1139 = tpu.vector_load %arg8[%swap3A_1138] {strides = array<i32>} : memref<416xf32, #tpu.memory_space<vmem>>, vector<16xf32>,
        tpu.vector_store %arg8[%swap3A_1138], %mul3A_1137 {strides = array<i32>} : memref<416xf32, #tpu.memory_space<vmem>>, vector<16xf32>,
        %get3A_1140 = arith.constant 352 : index
        %get3A_1141 = tpu.vector_load %arg8[%get3A_1140] {strides = array<i32>} : memref<416xf32, #tpu.memory_space<vmem>>, vector<16xf32>,
        %mul3A_1142 = arith.constant 0.157490134 : f32
        %mul3A_1143 = vector.broadcast %mul3A_1142 : f32 to vector<16xf32>
        %mul3A_1144 = arith.mulf %get3A_1141, %mul3A_1143 : vector<16xf32>
        %swap3A_1145 = arith.constant 352 : index
        %swap3A_1146 = tpu.vector_load %arg8[%swap3A_1145] {strides = array<i32>} : memref<416xf32, #tpu.memory_space<vmem>>, vector<16xf32>,
        tpu.vector_store %arg8[%swap3A_1145], %mul3A_1144 {strides = array<i32>} : memref<416xf32, #tpu.memory_space<vmem>>, vector<16xf32>,
        %get3A_1147 = arith.constant 368 : index
        %get3A_1148 = tpu.vector_load %arg8[%get3A_1147] {strides = array<i32>} : memref<416xf32, #tpu.memory_space<vmem>>, vector<16xf32>,
        %mul3A_1149 = arith.constant 0.157490134 : f32
        %mul3A_1150 = vector.broadcast %mul3A_1149 : f32 to vector<16xf32>
        %mul3A_1151 = arith.mulf %get3A_1148, %mul3A_1150 : vector<16xf32>
        %swap3A_1152 = arith.constant 368 : index
        %swap3A_1153 = tpu.vector_load %arg8[%swap3A_1152] {strides = array<i32>} : memref<416xf32, #tpu.memory_space<vmem>>, vector<16xf32>,
        tpu.vector_store %arg8[%swap3A_1152], %mul3A_1151 {strides = array<i32>} : memref<416xf32, #tpu.memory_space<vmem>>, vector<16xf32>,
        %get3A_1154 = arith.constant 384 : index
        %get3A_1155 = tpu.vector_load %arg8[%get3A_1154] {strides = array<i32>} : memref<416xf32, #tpu.memory_space<vmem>>, vector<16xf32>,
        %mul3A_1156 = arith.constant 0.157490134 : f32
        %mul3A_1157 = vector.broadcast %mul3A_1156 : f32 to vector<16xf32>
        %mul3A_1158 = arith.mulf %get3A_1155, %mul3A_1157 : vector<16xf32>
        %swap3A_1159 = arith.constant 384 : index
        %swap3A_1160 = tpu.vector_load %arg8[%swap3A_1159] {strides = array<i32>} : memref<416xf32, #tpu.memory_space<vmem>>, vector<16xf32>,
        tpu.vector_store %arg8[%swap3A_1159], %mul3A_1158 {strides = array<i32>} : memref<416xf32, #tpu.memory_space<vmem>>, vector<16xf32>,
        %get3A_1161 = arith.constant 0 : index
        %get3A_1162 = tpu.vector_load %arg9[%get3A_1161] {strides = array<i32>} : memref<16xf32, #tpu.memory_space<vmem>>, vector<16xf32>,
        %mul3A_1163 = arith.constant 0.157490134 : f32
        %mul3A_1164 = vector.broadcast %mul3A_1163 : f32 to vector<16xf32>
        %mul3A_1165 = arith.mulf %get3A_1162, %mul3A_1164 : vector<16xf32>
        %swap3A_1166 = arith.constant 0 : index
        %swap3A_1167 = tpu.vector_load %arg9[%swap3A_1166] {strides = array<i32>} : memref<16xf32, #tpu.memory_space<vmem>>, vector<16xf32>,
        tpu.vector_store %arg9[%swap3A_1166], %mul3A_1165 {strides = array<i32>} : memref<16xf32, #tpu.memory_space<vmem>>, vector<16xf32>,
      } else {
      }
      scf.yield %select_n3A_967, %select_n3A_970 : f32, f32
    }
    %jit3A_151 = arith.constant 2 : i32
    %div3A_152 = arith.divsi %select_n3A_38, %jit3A_151 : i32
    %sign3A_153 = arith.constant 0 : i32
    %sign3A_154 = arith.cmpi sgt, %select_n3A_38, %sign3A_153 : i32
    %sign3A_155 = arith.extui %sign3A_154 : i1 to i32
    %sign3A_156 = arith.constant 0 : i32
    %sign3A_157 = arith.cmpi slt, %select_n3A_38, %sign3A_156 : i32
    %sign3A_158 = arith.extui %sign3A_157 : i1 to i32
    %sign3A_159 = arith.subi %sign3A_155, %sign3A_158 : i32
    %sign3A_160 = arith.constant 0 : i32
    %sign3A_161 = arith.cmpi sgt, %jit3A_151, %sign3A_160 : i32
    %sign3A_162 = arith.extui %sign3A_161 : i1 to i32
    %sign3A_163 = arith.constant 0 : i32
    %sign3A_164 = arith.cmpi slt, %jit3A_151, %sign3A_163 : i32
    %sign3A_165 = arith.extui %sign3A_164 : i1 to i32
    %sign3A_166 = arith.subi %sign3A_162, %sign3A_165 : i32
    %ne3A_167 = arith.cmpi ne, %sign3A_159, %sign3A_166 : i32
    %rem3A_168 = arith.remsi %select_n3A_38, %jit3A_151 : i32
    %ne3A_169 = arith.constant 0 : i32
    %ne3A_170 = arith.cmpi ne, %rem3A_168, %ne3A_169 : i32
    %and3A_171 = arith.andi %ne3A_167, %ne3A_170 : i1
    %sub3A_172 = arith.constant 1 : i32
    %sub3A_173 = arith.subi %div3A_152, %sub3A_172 : i32
    %select_n3A_174 = arith.select %and3A_171, %sub3A_173, %div3A_152 : i32
    %while3A_175 = arith.constant 0 : i32
    %while3A_176 = arith.subi %select_n3A_174, %while3A_175 : i32
    %while3A_177 = arith.addi %while3A_175, %while3A_176 : i32
    %while3A_178 = arith.constant 1 : i32
    %while3A_179 = arith.divsi %while3A_176, %while3A_178 : i32
    %while3A_180 = arith.muli %while3A_179, %while3A_178 : i32
    %while3A_181 = arith.addi %while3A_175, %while3A_180 : i32
    %while3A_182 = arith.constant 1 : i32
    %while3A_183:2 = scf.for %while3A_910 = %while3A_175 to %while3A_181 step %while3A_182 iter_args(%while3A_911 = %while3A_150#0, %while3A_912 = %while3A_150#1) -> (f32, f32)  : i32 {
      %mul3A_913 = arith.constant 2 : i32
      %mul3A_914 = arith.muli %while3A_910, %mul3A_913 : i32
      %add3A_915 = arith.addi %select_n3A_35, %mul3A_914 : i32
      %mul3A_916 = arith.constant 20 : i32
      %mul3A_917 = arith.muli %add3A_915, %mul3A_916 : i32
      %add3A_918 = vector.broadcast %mul3A_917 : i32 to vector<16xi32>
      %add3A_919 = arith.addi %iota3A, %add3A_918 : vector<16xi32>
      %gather3A = tpu.vector_load_idx %arg5[%add3A_919] : memref<43856xf32, #tpu.memory_space<vmem>>[vector<16xi32>], vector<16xf32>,
      %add3A_920 = arith.constant 16 : i32
      %add3A_921 = arith.addi %mul3A_917, %add3A_920 : i32
      %add3A_922 = vector.broadcast %add3A_921 : i32 to vector<16xi32>
      %add3A_923 = arith.addi %iota3A, %add3A_922 : vector<16xi32>
      %gather3A_924 = tpu.vector_load_idx %arg5[%add3A_923] : memref<43856xf32, #tpu.memory_space<vmem>>[vector<16xi32>], vector<16xf32>,
      %add3A_925 = arith.constant 20 : i32
      %add3A_926 = arith.addi %mul3A_917, %add3A_925 : i32
      %add3A_927 = vector.broadcast %add3A_926 : i32 to vector<16xi32>
      %add3A_928 = arith.addi %iota3A, %add3A_927 : vector<16xi32>
      %gather3A_929 = tpu.vector_load_idx %arg5[%add3A_928] : memref<43856xf32, #tpu.memory_space<vmem>>[vector<16xi32>], vector<16xf32>,
      %add3A_930 = arith.constant 36 : i32
      %add3A_931 = arith.addi %mul3A_917, %add3A_930 : i32
      %add3A_932 = vector.broadcast %add3A_931 : i32 to vector<16xi32>
      %add3A_933 = arith.addi %iota3A, %add3A_932 : vector<16xi32>
      %gather3A_934 = tpu.vector_load_idx %arg5[%add3A_933] : memref<43856xf32, #tpu.memory_space<vmem>>[vector<16xi32>], vector<16xf32>,
      %mul3A_935 = arith.constant 4.000000e+02 : f32
      %mul3A_936 = vector.broadcast %mul3A_935 : f32 to vector<16xf32>
      %mul3A_937 = arith.mulf %gather3A, %mul3A_936 : vector<16xf32>
      %convert_element_type3A_938 = arith.fptosi %mul3A_937 : vector<16xf32> to vector<16xi32>
      %mul3A_939 = arith.constant 4.000000e+02 : f32
      %mul3A_940 = vector.broadcast %mul3A_939 : f32 to vector<16xf32>
      %mul3A_941 = arith.mulf %gather3A_924, %mul3A_940 : vector<16xf32>
      %convert_element_type3A_942 = arith.fptosi %mul3A_941 : vector<16xf32> to vector<16xi32>
      %mul3A_943 = arith.constant 4.000000e+02 : f32
      %mul3A_944 = vector.broadcast %mul3A_943 : f32 to vector<16xf32>
      %mul3A_945 = arith.mulf %gather3A_929, %mul3A_944 : vector<16xf32>
      %convert_element_type3A_946 = arith.fptosi %mul3A_945 : vector<16xf32> to vector<16xi32>
      %mul3A_947 = arith.constant 4.000000e+02 : f32
      %mul3A_948 = vector.broadcast %mul3A_947 : f32 to vector<16xf32>
      %mul3A_949 = arith.mulf %gather3A_934, %mul3A_948 : vector<16xf32>
      %convert_element_type3A_950 = arith.fptosi %mul3A_949 : vector<16xf32> to vector<16xi32>
      %add3A_951 = arith.constant 1 : i32
      %add3A_952 = arith.addi %mul3A_914, %add3A_951 : i32
      %and3A_953 = arith.constant 31 : i32
      %and3A_954 = arith.andi %add3A_952, %and3A_953 : i32
      %eq3A_955 = arith.constant 31 : i32
      %eq3A_956 = arith.cmpi eq, %and3A_954, %eq3A_955 : i32
      %mul3A_957 = arith.constant 1.05946314 : f32
      %mul3A_958 = arith.mulf %while3A_911, %mul3A_957 : f32
      %mul3A_959 = arith.constant 2.000000e+01 : f32
      %mul3A_960 = arith.mulf %mul3A_959, %while3A_911 : f32
      %add3A_961 = arith.addf %while3A_912, %mul3A_960 : f32
      %mul3A_962 = arith.constant 2.000000e+01 : f32
      %mul3A_963 = arith.mulf %mul3A_962, %mul3A_958 : f32
      %add3A_964 = arith.addf %add3A_961, %mul3A_963 : f32
      %mul3A_965 = arith.constant 1.05946314 : f32
      %mul3A_966 = arith.mulf %mul3A_958, %mul3A_965 : f32
      %jit3A_967 = arith.constant 1.000000e+00 : f32
      %select_n3A_968 = arith.select %eq3A_956, %jit3A_967, %mul3A_966 : f32
      %mul3A_969 = arith.constant 0.157490134 : f32
      %mul3A_970 = arith.mulf %add3A_964, %mul3A_969 : f32
      %select_n3A_971 = arith.select %eq3A_956, %mul3A_970, %add3A_964 : f32
      %mul3A_972 = arith.constant 2.000000e+01 : f32
      %mul3A_973 = arith.mulf %mul3A_972, %while3A_911 : f32
      %add3A_974 = arith.addf %while3A_912, %mul3A_973 : f32
      %broadcast_in_dim3A_975 = vector.broadcast %while3A_911 : f32 to vector<16xf32>
      tpu.vector_store_idx %arg8[%convert_element_type3A_938], %broadcast_in_dim3A_975 {add = true} : memref<416xf32, #tpu.memory_space<vmem>>[vector<16xi32>], vector<16xf32>,
      tpu.vector_store_idx %arg8[%convert_element_type3A_942], %broadcast_in_dim3A_975 masked %lt3A_58 {add = true} : memref<416xf32, #tpu.memory_space<vmem>>[vector<16xi32>], vector<16xf32>, vector<16xi1>
      %shift_right_arithmetic3A = arith.constant 5 : i32
      %shift_right_arithmetic3A_976 = vector.broadcast %shift_right_arithmetic3A : i32 to vector<16xi32>
      %shift_right_arithmetic3A_977 = arith.shrsi %convert_element_type3A_938, %shift_right_arithmetic3A_976 : vector<16xi32>
      tpu.vector_store_idx %arg9[%shift_right_arithmetic3A_977], %broadcast_in_dim3A_975 {add = true} : memref<16xf32, #tpu.memory_space<vmem>>[vector<16xi32>], vector<16xf32>,
      %shift_right_arithmetic3A_978 = arith.constant 5 : i32
      %shift_right_arithmetic3A_979 = vector.broadcast %shift_right_arithmetic3A_978 : i32 to vector<16xi32>
      %shift_right_arithmetic3A_980 = arith.shrsi %convert_element_type3A_942, %shift_right_arithmetic3A_979 : vector<16xi32>
      tpu.vector_store_idx %arg9[%shift_right_arithmetic3A_980], %broadcast_in_dim3A_975 masked %lt3A_58 {add = true} : memref<16xf32, #tpu.memory_space<vmem>>[vector<16xi32>], vector<16xf32>, vector<16xi1>
      %mul3A_981 = arith.constant 5.000000e-02 : f32
      %mul3A_982 = arith.mulf %mul3A_981, %add3A_974 : f32
      %get3A = arith.constant 0 : index
      %get3A_983 = tpu.vector_load %arg9[%get3A] {strides = array<i32>} : memref<16xf32, #tpu.memory_space<vmem>>, vector<16xf32>,
      %rev3A = arith.constant 15 : i32
      %rev3A_984 = vector.broadcast %rev3A : i32 to vector<16xi32>
      %rev3A_985 = tpu.iota {dimensions = array<i32: 0>} : vector<16xi32>
      %rev3A_986 = arith.subi %rev3A_984, %rev3A_985 : vector<16xi32>
      %rev3A_987 = tpu.dynamic_gather %get3A_983[%rev3A_986] in [0] : vector<16xf32>, vector<16xi32> -> vector<16xf32>
      %cumsum3A = arith.constant true
      %cumsum3A_988 = vector.broadcast %cumsum3A : i1 to vector<16xi1>
      %cumsum3A_989 = tpu.scan <sum>, %rev3A_987 masked %cumsum3A_988 : vector<16xf32>, vector<16xi1> -> vector<16xf32>
      %rev3A_990 = arith.constant 15 : i32
      %rev3A_991 = vector.broadcast %rev3A_990 : i32 to vector<16xi32>
      %rev3A_992 = tpu.iota {dimensions = array<i32: 0>} : vector<16xi32>
      %rev3A_993 = arith.subi %rev3A_991, %rev3A_992 : vector<16xi32>
      %rev3A_994 = tpu.dynamic_gather %cumsum3A_989[%rev3A_993] in [0] : vector<16xf32>, vector<16xi32> -> vector<16xf32>
      %le3A = vector.broadcast %mul3A_982 : f32 to vector<16xf32>
      %le3A_995 = arith.cmpf ole, %rev3A_994, %le3A : vector<16xf32>
      %all_reduce_population_count3A = tpu.all_reduce %le3A_995 {dim = 0 : i64, kind = #tpu.reduction_kind<sum>} : vector<16xi1> -> vector<16xi32>
      %sub3A_996 = arith.constant 16 : i32
      %sub3A_997 = vector.broadcast %sub3A_996 : i32 to vector<16xi32>
      %sub3A_998 = arith.subi %sub3A_997, %all_reduce_population_count3A : vector<16xi32>
      %broadcast_in_dim3A_999 = vector.shape_cast %sub3A_998 : vector<16xi32> to vector<16x1xi32>
      %gather3A_1000 = vector.shape_cast %broadcast_in_dim3A_999 : vector<16x1xi32> to vector<16xi32>
      %gather3A_1001 = tpu.dynamic_gather %rev3A_994[%gather3A_1000] in [0] : vector<16xf32>, vector<16xi32> -> vector<16xf32>
      %sub3A_1002 = arith.constant 15 : i32
      %sub3A_1003 = vector.broadcast %sub3A_1002 : i32 to vector<16xi32>
      %sub3A_1004 = arith.subi %sub3A_1003, %all_reduce_population_count3A : vector<16xi32>
      %mul3A_1005 = arith.constant 32 : i32
      %mul3A_1006 = vector.broadcast %mul3A_1005 : i32 to vector<16xi32>
      %mul3A_1007 = arith.muli %sub3A_1004, %mul3A_1006 : vector<16xi32>
      %add3A_1008 = arith.addi %iota3A, %mul3A_1007 : vector<16xi32>
      %gather3A_1009 = tpu.vector_load_idx %arg8[%add3A_1008] : memref<416xf32, #tpu.memory_space<vmem>>[vector<16xi32>], vector<16xf32>,
      %add3A_1010 = arith.constant 16 : i32
      %add3A_1011 = vector.broadcast %add3A_1010 : i32 to vector<16xi32>
      %add3A_1012 = arith.addi %mul3A_1007, %add3A_1011 : vector<16xi32>
      %add3A_1013 = arith.addi %iota3A, %add3A_1012 : vector<16xi32>
      %gather3A_1014 = tpu.vector_load_idx %arg8[%add3A_1013] : memref<416xf32, #tpu.memory_space<vmem>>[vector<16xi32>], vector<16xf32>,
      %rev3A_1015 = arith.constant 15 : i32
      %rev3A_1016 = vector.broadcast %rev3A_1015 : i32 to vector<16xi32>
      %rev3A_1017 = tpu.iota {dimensions = array<i32: 0>} : vector<16xi32>
      %rev3A_1018 = arith.subi %rev3A_1016, %rev3A_1017 : vector<16xi32>
      %rev3A_1019 = tpu.dynamic_gather %gather3A_1014[%rev3A_1018] in [0] : vector<16xf32>, vector<16xi32> -> vector<16xf32>
      %cumsum3A_1020 = arith.constant true
      %cumsum3A_1021 = vector.broadcast %cumsum3A_1020 : i1 to vector<16xi1>
      %cumsum3A_1022 = tpu.scan <sum>, %rev3A_1019 masked %cumsum3A_1021 : vector<16xf32>, vector<16xi1> -> vector<16xf32>
      %rev3A_1023 = arith.constant 15 : i32
      %rev3A_1024 = vector.broadcast %rev3A_1023 : i32 to vector<16xi32>
      %rev3A_1025 = tpu.iota {dimensions = array<i32: 0>} : vector<16xi32>
      %rev3A_1026 = arith.subi %rev3A_1024, %rev3A_1025 : vector<16xi32>
      %rev3A_1027 = tpu.dynamic_gather %gather3A_1009[%rev3A_1026] in [0] : vector<16xf32>, vector<16xi32> -> vector<16xf32>
      %cumsum3A_1028 = arith.constant true
      %cumsum3A_1029 = vector.broadcast %cumsum3A_1028 : i1 to vector<16xi1>
      %cumsum3A_1030 = tpu.scan <sum>, %rev3A_1027 masked %cumsum3A_1029 : vector<16xf32>, vector<16xi1> -> vector<16xf32>
      %rev3A_1031 = arith.constant 15 : i32
      %rev3A_1032 = vector.broadcast %rev3A_1031 : i32 to vector<16xi32>
      %rev3A_1033 = tpu.iota {dimensions = array<i32: 0>} : vector<16xi32>
      %rev3A_1034 = arith.subi %rev3A_1032, %rev3A_1033 : vector<16xi32>
      %rev3A_1035 = tpu.dynamic_gather %cumsum3A_1022[%rev3A_1034] in [0] : vector<16xf32>, vector<16xi32> -> vector<16xf32>
      %add3A_1036 = arith.addf %rev3A_1035, %gather3A_1001 : vector<16xf32>
      %rev3A_1037 = arith.constant 15 : i32
      %rev3A_1038 = vector.broadcast %rev3A_1037 : i32 to vector<16xi32>
      %rev3A_1039 = tpu.iota {dimensions = array<i32: 0>} : vector<16xi32>
      %rev3A_1040 = arith.subi %rev3A_1038, %rev3A_1039 : vector<16xi32>
      %rev3A_1041 = tpu.dynamic_gather %cumsum3A_1030[%rev3A_1040] in [0] : vector<16xf32>, vector<16xi32> -> vector<16xf32>
      %broadcast_in_dim3A_1042 = vector.shape_cast %broadcast_in_dim3A_55 : vector<16xi32> to vector<16x1xi32>
      %gather3A_1043 = vector.shape_cast %broadcast_in_dim3A_1042 : vector<16x1xi32> to vector<16xi32>
      %gather3A_1044 = tpu.dynamic_gather %add3A_1036[%gather3A_1043] in [0] : vector<16xf32>, vector<16xi32> -> vector<16xf32>
      %add3A_1045 = arith.addf %rev3A_1041, %gather3A_1044 : vector<16xf32>
      %le3A_1046 = vector.broadcast %mul3A_982 : f32 to vector<16xf32>
      %le3A_1047 = arith.cmpf ole, %add3A_1045, %le3A_1046 : vector<16xf32>
      %all_reduce_population_count3A_1048 = tpu.all_reduce %le3A_1047 {dim = 0 : i64, kind = #tpu.reduction_kind<sum>} : vector<16xi1> -> vector<16xi32>
      %le3A_1049 = vector.broadcast %mul3A_982 : f32 to vector<16xf32>
      %le3A_1050 = arith.cmpf ole, %add3A_1036, %le3A_1049 : vector<16xf32>
      %all_reduce_population_count3A_1051 = tpu.all_reduce %le3A_1050 {dim = 0 : i64, kind = #tpu.reduction_kind<sum>} : vector<16xi1> -> vector<16xi32>
      %add3A_1052 = arith.constant 31 : i32
      %add3A_1053 = vector.broadcast %add3A_1052 : i32 to vector<16xi32>
      %add3A_1054 = arith.addi %mul3A_1007, %add3A_1053 : vector<16xi32>
      %sub3A_1055 = arith.subi %add3A_1054, %all_reduce_population_count3A_1048 : vector<16xi32>
      %sub3A_1056 = arith.subi %sub3A_1055, %all_reduce_population_count3A_1051 : vector<16xi32>
      %gather3A_1057 = tpu.vector_load_idx %arg10[%sub3A_1056] : memref<400xf32, #tpu.memory_space<vmem>>[vector<16xi32>], vector<16xf32>,
      %mul3A_1058 = arith.constant 5.000000e-01 : f32
      %mul3A_1059 = vector.broadcast %mul3A_1058 : f32 to vector<16xf32>
      %mul3A_1060 = arith.mulf %gather3A_1057, %mul3A_1059 : vector<16xf32>
      %broadcast_in_dim3A_1061 = vector.broadcast %mul3A_914 : i32 to vector<16xi32>
      tpu.vector_store_idx %arg7[%broadcast_in_dim3A_1061], %mul3A_1060 masked %eq3A_61 : memref<2192xf32, #tpu.memory_space<vmem>>[vector<16xi32>], vector<16xf32>, vector<16xi1>
      %broadcast_in_dim3A_1062 = vector.broadcast %mul3A_958 : f32 to vector<16xf32>
      tpu.vector_store_idx %arg8[%convert_element_type3A_946], %broadcast_in_dim3A_1062 {add = true} : memref<416xf32, #tpu.memory_space<vmem>>[vector<16xi32>], vector<16xf32>,
      tpu.vector_store_idx %arg8[%convert_element_type3A_950], %broadcast_in_dim3A_1062 masked %lt3A_58 {add = true} : memref<416xf32, #tpu.memory_space<vmem>>[vector<16xi32>], vector<16xf32>, vector<16xi1>
      %shift_right_arithmetic3A_1063 = arith.constant 5 : i32
      %shift_right_arithmetic3A_1064 = vector.broadcast %shift_right_arithmetic3A_1063 : i32 to vector<16xi32>
      %shift_right_arithmetic3A_1065 = arith.shrsi %convert_element_type3A_946, %shift_right_arithmetic3A_1064 : vector<16xi32>
      tpu.vector_store_idx %arg9[%shift_right_arithmetic3A_1065], %broadcast_in_dim3A_1062 {add = true} : memref<16xf32, #tpu.memory_space<vmem>>[vector<16xi32>], vector<16xf32>,
      %shift_right_arithmetic3A_1066 = arith.constant 5 : i32
      %shift_right_arithmetic3A_1067 = vector.broadcast %shift_right_arithmetic3A_1066 : i32 to vector<16xi32>
      %shift_right_arithmetic3A_1068 = arith.shrsi %convert_element_type3A_950, %shift_right_arithmetic3A_1067 : vector<16xi32>
      tpu.vector_store_idx %arg9[%shift_right_arithmetic3A_1068], %broadcast_in_dim3A_1062 masked %lt3A_58 {add = true} : memref<16xf32, #tpu.memory_space<vmem>>[vector<16xi32>], vector<16xf32>, vector<16xi1>
      %add3A_1069 = arith.constant 1 : i32
      %add3A_1070 = arith.addi %mul3A_914, %add3A_1069 : i32
      %mul3A_1071 = arith.constant 5.000000e-02 : f32
      %mul3A_1072 = arith.mulf %mul3A_1071, %add3A_964 : f32
      %get3A_1073 = arith.constant 0 : index
      %get3A_1074 = tpu.vector_load %arg9[%get3A_1073] {strides = array<i32>} : memref<16xf32, #tpu.memory_space<vmem>>, vector<16xf32>,
      %rev3A_1075 = arith.constant 15 : i32
      %rev3A_1076 = vector.broadcast %rev3A_1075 : i32 to vector<16xi32>
      %rev3A_1077 = tpu.iota {dimensions = array<i32: 0>} : vector<16xi32>
      %rev3A_1078 = arith.subi %rev3A_1076, %rev3A_1077 : vector<16xi32>
      %rev3A_1079 = tpu.dynamic_gather %get3A_1074[%rev3A_1078] in [0] : vector<16xf32>, vector<16xi32> -> vector<16xf32>
      %cumsum3A_1080 = arith.constant true
      %cumsum3A_1081 = vector.broadcast %cumsum3A_1080 : i1 to vector<16xi1>
      %cumsum3A_1082 = tpu.scan <sum>, %rev3A_1079 masked %cumsum3A_1081 : vector<16xf32>, vector<16xi1> -> vector<16xf32>
      %rev3A_1083 = arith.constant 15 : i32
      %rev3A_1084 = vector.broadcast %rev3A_1083 : i32 to vector<16xi32>
      %rev3A_1085 = tpu.iota {dimensions = array<i32: 0>} : vector<16xi32>
      %rev3A_1086 = arith.subi %rev3A_1084, %rev3A_1085 : vector<16xi32>
      %rev3A_1087 = tpu.dynamic_gather %cumsum3A_1082[%rev3A_1086] in [0] : vector<16xf32>, vector<16xi32> -> vector<16xf32>
      %le3A_1088 = vector.broadcast %mul3A_1072 : f32 to vector<16xf32>
      %le3A_1089 = arith.cmpf ole, %rev3A_1087, %le3A_1088 : vector<16xf32>
      %all_reduce_population_count3A_1090 = tpu.all_reduce %le3A_1089 {dim = 0 : i64, kind = #tpu.reduction_kind<sum>} : vector<16xi1> -> vector<16xi32>
      %sub3A_1091 = arith.constant 16 : i32
      %sub3A_1092 = vector.broadcast %sub3A_1091 : i32 to vector<16xi32>
      %sub3A_1093 = arith.subi %sub3A_1092, %all_reduce_population_count3A_1090 : vector<16xi32>
      %broadcast_in_dim3A_1094 = vector.shape_cast %sub3A_1093 : vector<16xi32> to vector<16x1xi32>
      %gather3A_1095 = vector.shape_cast %broadcast_in_dim3A_1094 : vector<16x1xi32> to vector<16xi32>
      %gather3A_1096 = tpu.dynamic_gather %rev3A_1087[%gather3A_1095] in [0] : vector<16xf32>, vector<16xi32> -> vector<16xf32>
      %sub3A_1097 = arith.constant 15 : i32
      %sub3A_1098 = vector.broadcast %sub3A_1097 : i32 to vector<16xi32>
      %sub3A_1099 = arith.subi %sub3A_1098, %all_reduce_population_count3A_1090 : vector<16xi32>
      %mul3A_1100 = arith.constant 32 : i32
      %mul3A_1101 = vector.broadcast %mul3A_1100 : i32 to vector<16xi32>
      %mul3A_1102 = arith.muli %sub3A_1099, %mul3A_1101 : vector<16xi32>
      %add3A_1103 = arith.addi %iota3A, %mul3A_1102 : vector<16xi32>
      %gather3A_1104 = tpu.vector_load_idx %arg8[%add3A_1103] : memref<416xf32, #tpu.memory_space<vmem>>[vector<16xi32>], vector<16xf32>,
      %add3A_1105 = arith.constant 16 : i32
      %add3A_1106 = vector.broadcast %add3A_1105 : i32 to vector<16xi32>
      %add3A_1107 = arith.addi %mul3A_1102, %add3A_1106 : vector<16xi32>
      %add3A_1108 = arith.addi %iota3A, %add3A_1107 : vector<16xi32>
      %gather3A_1109 = tpu.vector_load_idx %arg8[%add3A_1108] : memref<416xf32, #tpu.memory_space<vmem>>[vector<16xi32>], vector<16xf32>,
      %rev3A_1110 = arith.constant 15 : i32
      %rev3A_1111 = vector.broadcast %rev3A_1110 : i32 to vector<16xi32>
      %rev3A_1112 = tpu.iota {dimensions = array<i32: 0>} : vector<16xi32>
      %rev3A_1113 = arith.subi %rev3A_1111, %rev3A_1112 : vector<16xi32>
      %rev3A_1114 = tpu.dynamic_gather %gather3A_1109[%rev3A_1113] in [0] : vector<16xf32>, vector<16xi32> -> vector<16xf32>
      %cumsum3A_1115 = arith.constant true
      %cumsum3A_1116 = vector.broadcast %cumsum3A_1115 : i1 to vector<16xi1>
      %cumsum3A_1117 = tpu.scan <sum>, %rev3A_1114 masked %cumsum3A_1116 : vector<16xf32>, vector<16xi1> -> vector<16xf32>
      %rev3A_1118 = arith.constant 15 : i32
      %rev3A_1119 = vector.broadcast %rev3A_1118 : i32 to vector<16xi32>
      %rev3A_1120 = tpu.iota {dimensions = array<i32: 0>} : vector<16xi32>
      %rev3A_1121 = arith.subi %rev3A_1119, %rev3A_1120 : vector<16xi32>
      %rev3A_1122 = tpu.dynamic_gather %gather3A_1104[%rev3A_1121] in [0] : vector<16xf32>, vector<16xi32> -> vector<16xf32>
      %cumsum3A_1123 = arith.constant true
      %cumsum3A_1124 = vector.broadcast %cumsum3A_1123 : i1 to vector<16xi1>
      %cumsum3A_1125 = tpu.scan <sum>, %rev3A_1122 masked %cumsum3A_1124 : vector<16xf32>, vector<16xi1> -> vector<16xf32>
      %rev3A_1126 = arith.constant 15 : i32
      %rev3A_1127 = vector.broadcast %rev3A_1126 : i32 to vector<16xi32>
      %rev3A_1128 = tpu.iota {dimensions = array<i32: 0>} : vector<16xi32>
      %rev3A_1129 = arith.subi %rev3A_1127, %rev3A_1128 : vector<16xi32>
      %rev3A_1130 = tpu.dynamic_gather %cumsum3A_1117[%rev3A_1129] in [0] : vector<16xf32>, vector<16xi32> -> vector<16xf32>
      %add3A_1131 = arith.addf %rev3A_1130, %gather3A_1096 : vector<16xf32>
      %rev3A_1132 = arith.constant 15 : i32
      %rev3A_1133 = vector.broadcast %rev3A_1132 : i32 to vector<16xi32>
      %rev3A_1134 = tpu.iota {dimensions = array<i32: 0>} : vector<16xi32>
      %rev3A_1135 = arith.subi %rev3A_1133, %rev3A_1134 : vector<16xi32>
      %rev3A_1136 = tpu.dynamic_gather %cumsum3A_1125[%rev3A_1135] in [0] : vector<16xf32>, vector<16xi32> -> vector<16xf32>
      %broadcast_in_dim3A_1137 = vector.shape_cast %broadcast_in_dim3A_55 : vector<16xi32> to vector<16x1xi32>
      %gather3A_1138 = vector.shape_cast %broadcast_in_dim3A_1137 : vector<16x1xi32> to vector<16xi32>
      %gather3A_1139 = tpu.dynamic_gather %add3A_1131[%gather3A_1138] in [0] : vector<16xf32>, vector<16xi32> -> vector<16xf32>
      %add3A_1140 = arith.addf %rev3A_1136, %gather3A_1139 : vector<16xf32>
      %le3A_1141 = vector.broadcast %mul3A_1072 : f32 to vector<16xf32>
      %le3A_1142 = arith.cmpf ole, %add3A_1140, %le3A_1141 : vector<16xf32>
      %all_reduce_population_count3A_1143 = tpu.all_reduce %le3A_1142 {dim = 0 : i64, kind = #tpu.reduction_kind<sum>} : vector<16xi1> -> vector<16xi32>
      %le3A_1144 = vector.broadcast %mul3A_1072 : f32 to vector<16xf32>
      %le3A_1145 = arith.cmpf ole, %add3A_1131, %le3A_1144 : vector<16xf32>
      %all_reduce_population_count3A_1146 = tpu.all_reduce %le3A_1145 {dim = 0 : i64, kind = #tpu.reduction_kind<sum>} : vector<16xi1> -> vector<16xi32>
      %add3A_1147 = arith.constant 31 : i32
      %add3A_1148 = vector.broadcast %add3A_1147 : i32 to vector<16xi32>
      %add3A_1149 = arith.addi %mul3A_1102, %add3A_1148 : vector<16xi32>
      %sub3A_1150 = arith.subi %add3A_1149, %all_reduce_population_count3A_1143 : vector<16xi32>
      %sub3A_1151 = arith.subi %sub3A_1150, %all_reduce_population_count3A_1146 : vector<16xi32>
      %gather3A_1152 = tpu.vector_load_idx %arg10[%sub3A_1151] : memref<400xf32, #tpu.memory_space<vmem>>[vector<16xi32>], vector<16xf32>,
      %mul3A_1153 = arith.constant 5.000000e-01 : f32
      %mul3A_1154 = vector.broadcast %mul3A_1153 : f32 to vector<16xf32>
      %mul3A_1155 = arith.mulf %gather3A_1152, %mul3A_1154 : vector<16xf32>
      %broadcast_in_dim3A_1156 = vector.broadcast %add3A_1070 : i32 to vector<16xi32>
      tpu.vector_store_idx %arg7[%broadcast_in_dim3A_1156], %mul3A_1155 masked %eq3A_61 : memref<2192xf32, #tpu.memory_space<vmem>>[vector<16xi32>], vector<16xf32>, vector<16xi1>
      %convert_element_type3A_1157 = arith.extui %eq3A_956 : i1 to i32
      %cond3A_1158 = arith.constant 0 : i32
      %cond3A_1159 = arith.cmpi ne, %convert_element_type3A_1157, %cond3A_1158 : i32
      scf.if %cond3A_1159 {
        %get3A_1160 = arith.constant 0 : index
        %get3A_1161 = tpu.vector_load %arg8[%get3A_1160] {strides = array<i32>} : memref<416xf32, #tpu.memory_space<vmem>>, vector<16xf32>,
        %mul3A_1162 = arith.constant 0.157490134 : f32
        %mul3A_1163 = vector.broadcast %mul3A_1162 : f32 to vector<16xf32>
        %mul3A_1164 = arith.mulf %get3A_1161, %mul3A_1163 : vector<16xf32>
        %swap3A_1165 = arith.constant 0 : index
        %swap3A_1166 = tpu.vector_load %arg8[%swap3A_1165] {strides = array<i32>} : memref<416xf32, #tpu.memory_space<vmem>>, vector<16xf32>,
        tpu.vector_store %arg8[%swap3A_1165], %mul3A_1164 {strides = array<i32>} : memref<416xf32, #tpu.memory_space<vmem>>, vector<16xf32>,
        %get3A_1167 = arith.constant 16 : index
        %get3A_1168 = tpu.vector_load %arg8[%get3A_1167] {strides = array<i32>} : memref<416xf32, #tpu.memory_space<vmem>>, vector<16xf32>,
        %mul3A_1169 = arith.constant 0.157490134 : f32
        %mul3A_1170 = vector.broadcast %mul3A_1169 : f32 to vector<16xf32>
        %mul3A_1171 = arith.mulf %get3A_1168, %mul3A_1170 : vector<16xf32>
        %swap3A_1172 = arith.constant 16 : index
        %swap3A_1173 = tpu.vector_load %arg8[%swap3A_1172] {strides = array<i32>} : memref<416xf32, #tpu.memory_space<vmem>>, vector<16xf32>,
        tpu.vector_store %arg8[%swap3A_1172], %mul3A_1171 {strides = array<i32>} : memref<416xf32, #tpu.memory_space<vmem>>, vector<16xf32>,
        %get3A_1174 = arith.constant 32 : index
        %get3A_1175 = tpu.vector_load %arg8[%get3A_1174] {strides = array<i32>} : memref<416xf32, #tpu.memory_space<vmem>>, vector<16xf32>,
        %mul3A_1176 = arith.constant 0.157490134 : f32
        %mul3A_1177 = vector.broadcast %mul3A_1176 : f32 to vector<16xf32>
        %mul3A_1178 = arith.mulf %get3A_1175, %mul3A_1177 : vector<16xf32>
        %swap3A_1179 = arith.constant 32 : index
        %swap3A_1180 = tpu.vector_load %arg8[%swap3A_1179] {strides = array<i32>} : memref<416xf32, #tpu.memory_space<vmem>>, vector<16xf32>,
        tpu.vector_store %arg8[%swap3A_1179], %mul3A_1178 {strides = array<i32>} : memref<416xf32, #tpu.memory_space<vmem>>, vector<16xf32>,
        %get3A_1181 = arith.constant 48 : index
        %get3A_1182 = tpu.vector_load %arg8[%get3A_1181] {strides = array<i32>} : memref<416xf32, #tpu.memory_space<vmem>>, vector<16xf32>,
        %mul3A_1183 = arith.constant 0.157490134 : f32
        %mul3A_1184 = vector.broadcast %mul3A_1183 : f32 to vector<16xf32>
        %mul3A_1185 = arith.mulf %get3A_1182, %mul3A_1184 : vector<16xf32>
        %swap3A_1186 = arith.constant 48 : index
        %swap3A_1187 = tpu.vector_load %arg8[%swap3A_1186] {strides = array<i32>} : memref<416xf32, #tpu.memory_space<vmem>>, vector<16xf32>,
        tpu.vector_store %arg8[%swap3A_1186], %mul3A_1185 {strides = array<i32>} : memref<416xf32, #tpu.memory_space<vmem>>, vector<16xf32>,
        %get3A_1188 = arith.constant 64 : index
        %get3A_1189 = tpu.vector_load %arg8[%get3A_1188] {strides = array<i32>} : memref<416xf32, #tpu.memory_space<vmem>>, vector<16xf32>,
        %mul3A_1190 = arith.constant 0.157490134 : f32
        %mul3A_1191 = vector.broadcast %mul3A_1190 : f32 to vector<16xf32>
        %mul3A_1192 = arith.mulf %get3A_1189, %mul3A_1191 : vector<16xf32>
        %swap3A_1193 = arith.constant 64 : index
        %swap3A_1194 = tpu.vector_load %arg8[%swap3A_1193] {strides = array<i32>} : memref<416xf32, #tpu.memory_space<vmem>>, vector<16xf32>,
        tpu.vector_store %arg8[%swap3A_1193], %mul3A_1192 {strides = array<i32>} : memref<416xf32, #tpu.memory_space<vmem>>, vector<16xf32>,
        %get3A_1195 = arith.constant 80 : index
        %get3A_1196 = tpu.vector_load %arg8[%get3A_1195] {strides = array<i32>} : memref<416xf32, #tpu.memory_space<vmem>>, vector<16xf32>,
        %mul3A_1197 = arith.constant 0.157490134 : f32
        %mul3A_1198 = vector.broadcast %mul3A_1197 : f32 to vector<16xf32>
        %mul3A_1199 = arith.mulf %get3A_1196, %mul3A_1198 : vector<16xf32>
        %swap3A_1200 = arith.constant 80 : index
        %swap3A_1201 = tpu.vector_load %arg8[%swap3A_1200] {strides = array<i32>} : memref<416xf32, #tpu.memory_space<vmem>>, vector<16xf32>,
        tpu.vector_store %arg8[%swap3A_1200], %mul3A_1199 {strides = array<i32>} : memref<416xf32, #tpu.memory_space<vmem>>, vector<16xf32>,
        %get3A_1202 = arith.constant 96 : index
        %get3A_1203 = tpu.vector_load %arg8[%get3A_1202] {strides = array<i32>} : memref<416xf32, #tpu.memory_space<vmem>>, vector<16xf32>,
        %mul3A_1204 = arith.constant 0.157490134 : f32
        %mul3A_1205 = vector.broadcast %mul3A_1204 : f32 to vector<16xf32>
        %mul3A_1206 = arith.mulf %get3A_1203, %mul3A_1205 : vector<16xf32>
        %swap3A_1207 = arith.constant 96 : index
        %swap3A_1208 = tpu.vector_load %arg8[%swap3A_1207] {strides = array<i32>} : memref<416xf32, #tpu.memory_space<vmem>>, vector<16xf32>,
        tpu.vector_store %arg8[%swap3A_1207], %mul3A_1206 {strides = array<i32>} : memref<416xf32, #tpu.memory_space<vmem>>, vector<16xf32>,
        %get3A_1209 = arith.constant 112 : index
        %get3A_1210 = tpu.vector_load %arg8[%get3A_1209] {strides = array<i32>} : memref<416xf32, #tpu.memory_space<vmem>>, vector<16xf32>,
        %mul3A_1211 = arith.constant 0.157490134 : f32
        %mul3A_1212 = vector.broadcast %mul3A_1211 : f32 to vector<16xf32>
        %mul3A_1213 = arith.mulf %get3A_1210, %mul3A_1212 : vector<16xf32>
        %swap3A_1214 = arith.constant 112 : index
        %swap3A_1215 = tpu.vector_load %arg8[%swap3A_1214] {strides = array<i32>} : memref<416xf32, #tpu.memory_space<vmem>>, vector<16xf32>,
        tpu.vector_store %arg8[%swap3A_1214], %mul3A_1213 {strides = array<i32>} : memref<416xf32, #tpu.memory_space<vmem>>, vector<16xf32>,
        %get3A_1216 = arith.constant 128 : index
        %get3A_1217 = tpu.vector_load %arg8[%get3A_1216] {strides = array<i32>} : memref<416xf32, #tpu.memory_space<vmem>>, vector<16xf32>,
        %mul3A_1218 = arith.constant 0.157490134 : f32
        %mul3A_1219 = vector.broadcast %mul3A_1218 : f32 to vector<16xf32>
        %mul3A_1220 = arith.mulf %get3A_1217, %mul3A_1219 : vector<16xf32>
        %swap3A_1221 = arith.constant 128 : index
        %swap3A_1222 = tpu.vector_load %arg8[%swap3A_1221] {strides = array<i32>} : memref<416xf32, #tpu.memory_space<vmem>>, vector<16xf32>,
        tpu.vector_store %arg8[%swap3A_1221], %mul3A_1220 {strides = array<i32>} : memref<416xf32, #tpu.memory_space<vmem>>, vector<16xf32>,
        %get3A_1223 = arith.constant 144 : index
        %get3A_1224 = tpu.vector_load %arg8[%get3A_1223] {strides = array<i32>} : memref<416xf32, #tpu.memory_space<vmem>>, vector<16xf32>,
        %mul3A_1225 = arith.constant 0.157490134 : f32
        %mul3A_1226 = vector.broadcast %mul3A_1225 : f32 to vector<16xf32>
        %mul3A_1227 = arith.mulf %get3A_1224, %mul3A_1226 : vector<16xf32>
        %swap3A_1228 = arith.constant 144 : index
        %swap3A_1229 = tpu.vector_load %arg8[%swap3A_1228] {strides = array<i32>} : memref<416xf32, #tpu.memory_space<vmem>>, vector<16xf32>,
        tpu.vector_store %arg8[%swap3A_1228], %mul3A_1227 {strides = array<i32>} : memref<416xf32, #tpu.memory_space<vmem>>, vector<16xf32>,
        %get3A_1230 = arith.constant 160 : index
        %get3A_1231 = tpu.vector_load %arg8[%get3A_1230] {strides = array<i32>} : memref<416xf32, #tpu.memory_space<vmem>>, vector<16xf32>,
        %mul3A_1232 = arith.constant 0.157490134 : f32
        %mul3A_1233 = vector.broadcast %mul3A_1232 : f32 to vector<16xf32>
        %mul3A_1234 = arith.mulf %get3A_1231, %mul3A_1233 : vector<16xf32>
        %swap3A_1235 = arith.constant 160 : index
        %swap3A_1236 = tpu.vector_load %arg8[%swap3A_1235] {strides = array<i32>} : memref<416xf32, #tpu.memory_space<vmem>>, vector<16xf32>,
        tpu.vector_store %arg8[%swap3A_1235], %mul3A_1234 {strides = array<i32>} : memref<416xf32, #tpu.memory_space<vmem>>, vector<16xf32>,
        %get3A_1237 = arith.constant 176 : index
        %get3A_1238 = tpu.vector_load %arg8[%get3A_1237] {strides = array<i32>} : memref<416xf32, #tpu.memory_space<vmem>>, vector<16xf32>,
        %mul3A_1239 = arith.constant 0.157490134 : f32
        %mul3A_1240 = vector.broadcast %mul3A_1239 : f32 to vector<16xf32>
        %mul3A_1241 = arith.mulf %get3A_1238, %mul3A_1240 : vector<16xf32>
        %swap3A_1242 = arith.constant 176 : index
        %swap3A_1243 = tpu.vector_load %arg8[%swap3A_1242] {strides = array<i32>} : memref<416xf32, #tpu.memory_space<vmem>>, vector<16xf32>,
        tpu.vector_store %arg8[%swap3A_1242], %mul3A_1241 {strides = array<i32>} : memref<416xf32, #tpu.memory_space<vmem>>, vector<16xf32>,
        %get3A_1244 = arith.constant 192 : index
        %get3A_1245 = tpu.vector_load %arg8[%get3A_1244] {strides = array<i32>} : memref<416xf32, #tpu.memory_space<vmem>>, vector<16xf32>,
        %mul3A_1246 = arith.constant 0.157490134 : f32
        %mul3A_1247 = vector.broadcast %mul3A_1246 : f32 to vector<16xf32>
        %mul3A_1248 = arith.mulf %get3A_1245, %mul3A_1247 : vector<16xf32>
        %swap3A_1249 = arith.constant 192 : index
        %swap3A_1250 = tpu.vector_load %arg8[%swap3A_1249] {strides = array<i32>} : memref<416xf32, #tpu.memory_space<vmem>>, vector<16xf32>,
        tpu.vector_store %arg8[%swap3A_1249], %mul3A_1248 {strides = array<i32>} : memref<416xf32, #tpu.memory_space<vmem>>, vector<16xf32>,
        %get3A_1251 = arith.constant 208 : index
        %get3A_1252 = tpu.vector_load %arg8[%get3A_1251] {strides = array<i32>} : memref<416xf32, #tpu.memory_space<vmem>>, vector<16xf32>,
        %mul3A_1253 = arith.constant 0.157490134 : f32
        %mul3A_1254 = vector.broadcast %mul3A_1253 : f32 to vector<16xf32>
        %mul3A_1255 = arith.mulf %get3A_1252, %mul3A_1254 : vector<16xf32>
        %swap3A_1256 = arith.constant 208 : index
        %swap3A_1257 = tpu.vector_load %arg8[%swap3A_1256] {strides = array<i32>} : memref<416xf32, #tpu.memory_space<vmem>>, vector<16xf32>,
        tpu.vector_store %arg8[%swap3A_1256], %mul3A_1255 {strides = array<i32>} : memref<416xf32, #tpu.memory_space<vmem>>, vector<16xf32>,
        %get3A_1258 = arith.constant 224 : index
        %get3A_1259 = tpu.vector_load %arg8[%get3A_1258] {strides = array<i32>} : memref<416xf32, #tpu.memory_space<vmem>>, vector<16xf32>,
        %mul3A_1260 = arith.constant 0.157490134 : f32
        %mul3A_1261 = vector.broadcast %mul3A_1260 : f32 to vector<16xf32>
        %mul3A_1262 = arith.mulf %get3A_1259, %mul3A_1261 : vector<16xf32>
        %swap3A_1263 = arith.constant 224 : index
        %swap3A_1264 = tpu.vector_load %arg8[%swap3A_1263] {strides = array<i32>} : memref<416xf32, #tpu.memory_space<vmem>>, vector<16xf32>,
        tpu.vector_store %arg8[%swap3A_1263], %mul3A_1262 {strides = array<i32>} : memref<416xf32, #tpu.memory_space<vmem>>, vector<16xf32>,
        %get3A_1265 = arith.constant 240 : index
        %get3A_1266 = tpu.vector_load %arg8[%get3A_1265] {strides = array<i32>} : memref<416xf32, #tpu.memory_space<vmem>>, vector<16xf32>,
        %mul3A_1267 = arith.constant 0.157490134 : f32
        %mul3A_1268 = vector.broadcast %mul3A_1267 : f32 to vector<16xf32>
        %mul3A_1269 = arith.mulf %get3A_1266, %mul3A_1268 : vector<16xf32>
        %swap3A_1270 = arith.constant 240 : index
        %swap3A_1271 = tpu.vector_load %arg8[%swap3A_1270] {strides = array<i32>} : memref<416xf32, #tpu.memory_space<vmem>>, vector<16xf32>,
        tpu.vector_store %arg8[%swap3A_1270], %mul3A_1269 {strides = array<i32>} : memref<416xf32, #tpu.memory_space<vmem>>, vector<16xf32>,
        %get3A_1272 = arith.constant 256 : index
        %get3A_1273 = tpu.vector_load %arg8[%get3A_1272] {strides = array<i32>} : memref<416xf32, #tpu.memory_space<vmem>>, vector<16xf32>,
        %mul3A_1274 = arith.constant 0.157490134 : f32
        %mul3A_1275 = vector.broadcast %mul3A_1274 : f32 to vector<16xf32>
        %mul3A_1276 = arith.mulf %get3A_1273, %mul3A_1275 : vector<16xf32>
        %swap3A_1277 = arith.constant 256 : index
        %swap3A_1278 = tpu.vector_load %arg8[%swap3A_1277] {strides = array<i32>} : memref<416xf32, #tpu.memory_space<vmem>>, vector<16xf32>,
        tpu.vector_store %arg8[%swap3A_1277], %mul3A_1276 {strides = array<i32>} : memref<416xf32, #tpu.memory_space<vmem>>, vector<16xf32>,
        %get3A_1279 = arith.constant 272 : index
        %get3A_1280 = tpu.vector_load %arg8[%get3A_1279] {strides = array<i32>} : memref<416xf32, #tpu.memory_space<vmem>>, vector<16xf32>,
        %mul3A_1281 = arith.constant 0.157490134 : f32
        %mul3A_1282 = vector.broadcast %mul3A_1281 : f32 to vector<16xf32>
        %mul3A_1283 = arith.mulf %get3A_1280, %mul3A_1282 : vector<16xf32>
        %swap3A_1284 = arith.constant 272 : index
        %swap3A_1285 = tpu.vector_load %arg8[%swap3A_1284] {strides = array<i32>} : memref<416xf32, #tpu.memory_space<vmem>>, vector<16xf32>,
        tpu.vector_store %arg8[%swap3A_1284], %mul3A_1283 {strides = array<i32>} : memref<416xf32, #tpu.memory_space<vmem>>, vector<16xf32>,
        %get3A_1286 = arith.constant 288 : index
        %get3A_1287 = tpu.vector_load %arg8[%get3A_1286] {strides = array<i32>} : memref<416xf32, #tpu.memory_space<vmem>>, vector<16xf32>,
        %mul3A_1288 = arith.constant 0.157490134 : f32
        %mul3A_1289 = vector.broadcast %mul3A_1288 : f32 to vector<16xf32>
        %mul3A_1290 = arith.mulf %get3A_1287, %mul3A_1289 : vector<16xf32>
        %swap3A_1291 = arith.constant 288 : index
        %swap3A_1292 = tpu.vector_load %arg8[%swap3A_1291] {strides = array<i32>} : memref<416xf32, #tpu.memory_space<vmem>>, vector<16xf32>,
        tpu.vector_store %arg8[%swap3A_1291], %mul3A_1290 {strides = array<i32>} : memref<416xf32, #tpu.memory_space<vmem>>, vector<16xf32>,
        %get3A_1293 = arith.constant 304 : index
        %get3A_1294 = tpu.vector_load %arg8[%get3A_1293] {strides = array<i32>} : memref<416xf32, #tpu.memory_space<vmem>>, vector<16xf32>,
        %mul3A_1295 = arith.constant 0.157490134 : f32
        %mul3A_1296 = vector.broadcast %mul3A_1295 : f32 to vector<16xf32>
        %mul3A_1297 = arith.mulf %get3A_1294, %mul3A_1296 : vector<16xf32>
        %swap3A_1298 = arith.constant 304 : index
        %swap3A_1299 = tpu.vector_load %arg8[%swap3A_1298] {strides = array<i32>} : memref<416xf32, #tpu.memory_space<vmem>>, vector<16xf32>,
        tpu.vector_store %arg8[%swap3A_1298], %mul3A_1297 {strides = array<i32>} : memref<416xf32, #tpu.memory_space<vmem>>, vector<16xf32>,
        %get3A_1300 = arith.constant 320 : index
        %get3A_1301 = tpu.vector_load %arg8[%get3A_1300] {strides = array<i32>} : memref<416xf32, #tpu.memory_space<vmem>>, vector<16xf32>,
        %mul3A_1302 = arith.constant 0.157490134 : f32
        %mul3A_1303 = vector.broadcast %mul3A_1302 : f32 to vector<16xf32>
        %mul3A_1304 = arith.mulf %get3A_1301, %mul3A_1303 : vector<16xf32>
        %swap3A_1305 = arith.constant 320 : index
        %swap3A_1306 = tpu.vector_load %arg8[%swap3A_1305] {strides = array<i32>} : memref<416xf32, #tpu.memory_space<vmem>>, vector<16xf32>,
        tpu.vector_store %arg8[%swap3A_1305], %mul3A_1304 {strides = array<i32>} : memref<416xf32, #tpu.memory_space<vmem>>, vector<16xf32>,
        %get3A_1307 = arith.constant 336 : index
        %get3A_1308 = tpu.vector_load %arg8[%get3A_1307] {strides = array<i32>} : memref<416xf32, #tpu.memory_space<vmem>>, vector<16xf32>,
        %mul3A_1309 = arith.constant 0.157490134 : f32
        %mul3A_1310 = vector.broadcast %mul3A_1309 : f32 to vector<16xf32>
        %mul3A_1311 = arith.mulf %get3A_1308, %mul3A_1310 : vector<16xf32>
        %swap3A_1312 = arith.constant 336 : index
        %swap3A_1313 = tpu.vector_load %arg8[%swap3A_1312] {strides = array<i32>} : memref<416xf32, #tpu.memory_space<vmem>>, vector<16xf32>,
        tpu.vector_store %arg8[%swap3A_1312], %mul3A_1311 {strides = array<i32>} : memref<416xf32, #tpu.memory_space<vmem>>, vector<16xf32>,
        %get3A_1314 = arith.constant 352 : index
        %get3A_1315 = tpu.vector_load %arg8[%get3A_1314] {strides = array<i32>} : memref<416xf32, #tpu.memory_space<vmem>>, vector<16xf32>,
        %mul3A_1316 = arith.constant 0.157490134 : f32
        %mul3A_1317 = vector.broadcast %mul3A_1316 : f32 to vector<16xf32>
        %mul3A_1318 = arith.mulf %get3A_1315, %mul3A_1317 : vector<16xf32>
        %swap3A_1319 = arith.constant 352 : index
        %swap3A_1320 = tpu.vector_load %arg8[%swap3A_1319] {strides = array<i32>} : memref<416xf32, #tpu.memory_space<vmem>>, vector<16xf32>,
        tpu.vector_store %arg8[%swap3A_1319], %mul3A_1318 {strides = array<i32>} : memref<416xf32, #tpu.memory_space<vmem>>, vector<16xf32>,
        %get3A_1321 = arith.constant 368 : index
        %get3A_1322 = tpu.vector_load %arg8[%get3A_1321] {strides = array<i32>} : memref<416xf32, #tpu.memory_space<vmem>>, vector<16xf32>,
        %mul3A_1323 = arith.constant 0.157490134 : f32
        %mul3A_1324 = vector.broadcast %mul3A_1323 : f32 to vector<16xf32>
        %mul3A_1325 = arith.mulf %get3A_1322, %mul3A_1324 : vector<16xf32>
        %swap3A_1326 = arith.constant 368 : index
        %swap3A_1327 = tpu.vector_load %arg8[%swap3A_1326] {strides = array<i32>} : memref<416xf32, #tpu.memory_space<vmem>>, vector<16xf32>,
        tpu.vector_store %arg8[%swap3A_1326], %mul3A_1325 {strides = array<i32>} : memref<416xf32, #tpu.memory_space<vmem>>, vector<16xf32>,
        %get3A_1328 = arith.constant 384 : index
        %get3A_1329 = tpu.vector_load %arg8[%get3A_1328] {strides = array<i32>} : memref<416xf32, #tpu.memory_space<vmem>>, vector<16xf32>,
        %mul3A_1330 = arith.constant 0.157490134 : f32
        %mul3A_1331 = vector.broadcast %mul3A_1330 : f32 to vector<16xf32>
        %mul3A_1332 = arith.mulf %get3A_1329, %mul3A_1331 : vector<16xf32>
        %swap3A_1333 = arith.constant 384 : index
        %swap3A_1334 = tpu.vector_load %arg8[%swap3A_1333] {strides = array<i32>} : memref<416xf32, #tpu.memory_space<vmem>>, vector<16xf32>,
        tpu.vector_store %arg8[%swap3A_1333], %mul3A_1332 {strides = array<i32>} : memref<416xf32, #tpu.memory_space<vmem>>, vector<16xf32>,
        %get3A_1335 = arith.constant 0 : index
        %get3A_1336 = tpu.vector_load %arg9[%get3A_1335] {strides = array<i32>} : memref<16xf32, #tpu.memory_space<vmem>>, vector<16xf32>,
        %mul3A_1337 = arith.constant 0.157490134 : f32
        %mul3A_1338 = vector.broadcast %mul3A_1337 : f32 to vector<16xf32>
        %mul3A_1339 = arith.mulf %get3A_1336, %mul3A_1338 : vector<16xf32>
        %swap3A_1340 = arith.constant 0 : index
        %swap3A_1341 = tpu.vector_load %arg9[%swap3A_1340] {strides = array<i32>} : memref<16xf32, #tpu.memory_space<vmem>>, vector<16xf32>,
        tpu.vector_store %arg9[%swap3A_1340], %mul3A_1339 {strides = array<i32>} : memref<16xf32, #tpu.memory_space<vmem>>, vector<16xf32>,
      } else {
      }
      scf.yield %select_n3A_968, %select_n3A_971 : f32, f32
    }
    %while3A_184 = arith.constant 1 : i32
    %while3A_185:2 = scf.for %while3A_910 = %while3A_181 to %while3A_177 step %while3A_184 iter_args(%while3A_911 = %while3A_183#0, %while3A_912 = %while3A_183#1) -> (f32, f32)  : i32 {
      %mul3A_913 = arith.constant 2 : i32
      %mul3A_914 = arith.muli %while3A_910, %mul3A_913 : i32
      %add3A_915 = arith.addi %select_n3A_35, %mul3A_914 : i32
      %mul3A_916 = arith.constant 20 : i32
      %mul3A_917 = arith.muli %add3A_915, %mul3A_916 : i32
      %add3A_918 = vector.broadcast %mul3A_917 : i32 to vector<16xi32>
      %add3A_919 = arith.addi %iota3A, %add3A_918 : vector<16xi32>
      %gather3A = tpu.vector_load_idx %arg5[%add3A_919] : memref<43856xf32, #tpu.memory_space<vmem>>[vector<16xi32>], vector<16xf32>,
      %add3A_920 = arith.constant 16 : i32
      %add3A_921 = arith.addi %mul3A_917, %add3A_920 : i32
      %add3A_922 = vector.broadcast %add3A_921 : i32 to vector<16xi32>
      %add3A_923 = arith.addi %iota3A, %add3A_922 : vector<16xi32>
      %gather3A_924 = tpu.vector_load_idx %arg5[%add3A_923] : memref<43856xf32, #tpu.memory_space<vmem>>[vector<16xi32>], vector<16xf32>,
      %add3A_925 = arith.constant 20 : i32
      %add3A_926 = arith.addi %mul3A_917, %add3A_925 : i32
      %add3A_927 = vector.broadcast %add3A_926 : i32 to vector<16xi32>
      %add3A_928 = arith.addi %iota3A, %add3A_927 : vector<16xi32>
      %gather3A_929 = tpu.vector_load_idx %arg5[%add3A_928] : memref<43856xf32, #tpu.memory_space<vmem>>[vector<16xi32>], vector<16xf32>,
      %add3A_930 = arith.constant 36 : i32
      %add3A_931 = arith.addi %mul3A_917, %add3A_930 : i32
      %add3A_932 = vector.broadcast %add3A_931 : i32 to vector<16xi32>
      %add3A_933 = arith.addi %iota3A, %add3A_932 : vector<16xi32>
      %gather3A_934 = tpu.vector_load_idx %arg5[%add3A_933] : memref<43856xf32, #tpu.memory_space<vmem>>[vector<16xi32>], vector<16xf32>,
      %mul3A_935 = arith.constant 4.000000e+02 : f32
      %mul3A_936 = vector.broadcast %mul3A_935 : f32 to vector<16xf32>
      %mul3A_937 = arith.mulf %gather3A, %mul3A_936 : vector<16xf32>
      %convert_element_type3A_938 = arith.fptosi %mul3A_937 : vector<16xf32> to vector<16xi32>
      %mul3A_939 = arith.constant 4.000000e+02 : f32
      %mul3A_940 = vector.broadcast %mul3A_939 : f32 to vector<16xf32>
      %mul3A_941 = arith.mulf %gather3A_924, %mul3A_940 : vector<16xf32>
      %convert_element_type3A_942 = arith.fptosi %mul3A_941 : vector<16xf32> to vector<16xi32>
      %mul3A_943 = arith.constant 4.000000e+02 : f32
      %mul3A_944 = vector.broadcast %mul3A_943 : f32 to vector<16xf32>
      %mul3A_945 = arith.mulf %gather3A_929, %mul3A_944 : vector<16xf32>
      %convert_element_type3A_946 = arith.fptosi %mul3A_945 : vector<16xf32> to vector<16xi32>
      %mul3A_947 = arith.constant 4.000000e+02 : f32
      %mul3A_948 = vector.broadcast %mul3A_947 : f32 to vector<16xf32>
      %mul3A_949 = arith.mulf %gather3A_934, %mul3A_948 : vector<16xf32>
      %convert_element_type3A_950 = arith.fptosi %mul3A_949 : vector<16xf32> to vector<16xi32>
      %add3A_951 = arith.constant 1 : i32
      %add3A_952 = arith.addi %mul3A_914, %add3A_951 : i32
      %and3A_953 = arith.constant 31 : i32
      %and3A_954 = arith.andi %add3A_952, %and3A_953 : i32
      %eq3A_955 = arith.constant 31 : i32
      %eq3A_956 = arith.cmpi eq, %and3A_954, %eq3A_955 : i32
      %mul3A_957 = arith.constant 1.05946314 : f32
      %mul3A_958 = arith.mulf %while3A_911, %mul3A_957 : f32
      %mul3A_959 = arith.constant 2.000000e+01 : f32
      %mul3A_960 = arith.mulf %mul3A_959, %while3A_911 : f32
      %add3A_961 = arith.addf %while3A_912, %mul3A_960 : f32
      %mul3A_962 = arith.constant 2.000000e+01 : f32
      %mul3A_963 = arith.mulf %mul3A_962, %mul3A_958 : f32
      %add3A_964 = arith.addf %add3A_961, %mul3A_963 : f32
      %mul3A_965 = arith.constant 1.05946314 : f32
      %mul3A_966 = arith.mulf %mul3A_958, %mul3A_965 : f32
      %jit3A_967 = arith.constant 1.000000e+00 : f32
      %select_n3A_968 = arith.select %eq3A_956, %jit3A_967, %mul3A_966 : f32
      %mul3A_969 = arith.constant 0.157490134 : f32
      %mul3A_970 = arith.mulf %add3A_964, %mul3A_969 : f32
      %select_n3A_971 = arith.select %eq3A_956, %mul3A_970, %add3A_964 : f32
      %mul3A_972 = arith.constant 2.000000e+01 : f32
      %mul3A_973 = arith.mulf %mul3A_972, %while3A_911 : f32
      %add3A_974 = arith.addf %while3A_912, %mul3A_973 : f32
      %broadcast_in_dim3A_975 = vector.broadcast %while3A_911 : f32 to vector<16xf32>
      tpu.vector_store_idx %arg8[%convert_element_type3A_938], %broadcast_in_dim3A_975 {add = true} : memref<416xf32, #tpu.memory_space<vmem>>[vector<16xi32>], vector<16xf32>,
      tpu.vector_store_idx %arg8[%convert_element_type3A_942], %broadcast_in_dim3A_975 masked %lt3A_58 {add = true} : memref<416xf32, #tpu.memory_space<vmem>>[vector<16xi32>], vector<16xf32>, vector<16xi1>
      %shift_right_arithmetic3A = arith.constant 5 : i32
      %shift_right_arithmetic3A_976 = vector.broadcast %shift_right_arithmetic3A : i32 to vector<16xi32>
      %shift_right_arithmetic3A_977 = arith.shrsi %convert_element_type3A_938, %shift_right_arithmetic3A_976 : vector<16xi32>
      tpu.vector_store_idx %arg9[%shift_right_arithmetic3A_977], %broadcast_in_dim3A_975 {add = true} : memref<16xf32, #tpu.memory_space<vmem>>[vector<16xi32>], vector<16xf32>,
      %shift_right_arithmetic3A_978 = arith.constant 5 : i32
      %shift_right_arithmetic3A_979 = vector.broadcast %shift_right_arithmetic3A_978 : i32 to vector<16xi32>
      %shift_right_arithmetic3A_980 = arith.shrsi %convert_element_type3A_942, %shift_right_arithmetic3A_979 : vector<16xi32>
      tpu.vector_store_idx %arg9[%shift_right_arithmetic3A_980], %broadcast_in_dim3A_975 masked %lt3A_58 {add = true} : memref<16xf32, #tpu.memory_space<vmem>>[vector<16xi32>], vector<16xf32>, vector<16xi1>
      %mul3A_981 = arith.constant 5.000000e-02 : f32
      %mul3A_982 = arith.mulf %mul3A_981, %add3A_974 : f32
      %get3A = arith.constant 0 : index
      %get3A_983 = tpu.vector_load %arg9[%get3A] {strides = array<i32>} : memref<16xf32, #tpu.memory_space<vmem>>, vector<16xf32>,
      %rev3A = arith.constant 15 : i32
      %rev3A_984 = vector.broadcast %rev3A : i32 to vector<16xi32>
      %rev3A_985 = tpu.iota {dimensions = array<i32: 0>} : vector<16xi32>
      %rev3A_986 = arith.subi %rev3A_984, %rev3A_985 : vector<16xi32>
      %rev3A_987 = tpu.dynamic_gather %get3A_983[%rev3A_986] in [0] : vector<16xf32>, vector<16xi32> -> vector<16xf32>
      %cumsum3A = arith.constant true
      %cumsum3A_988 = vector.broadcast %cumsum3A : i1 to vector<16xi1>
      %cumsum3A_989 = tpu.scan <sum>, %rev3A_987 masked %cumsum3A_988 : vector<16xf32>, vector<16xi1> -> vector<16xf32>
      %rev3A_990 = arith.constant 15 : i32
      %rev3A_991 = vector.broadcast %rev3A_990 : i32 to vector<16xi32>
      %rev3A_992 = tpu.iota {dimensions = array<i32: 0>} : vector<16xi32>
      %rev3A_993 = arith.subi %rev3A_991, %rev3A_992 : vector<16xi32>
      %rev3A_994 = tpu.dynamic_gather %cumsum3A_989[%rev3A_993] in [0] : vector<16xf32>, vector<16xi32> -> vector<16xf32>
      %le3A = vector.broadcast %mul3A_982 : f32 to vector<16xf32>
      %le3A_995 = arith.cmpf ole, %rev3A_994, %le3A : vector<16xf32>
      %all_reduce_population_count3A = tpu.all_reduce %le3A_995 {dim = 0 : i64, kind = #tpu.reduction_kind<sum>} : vector<16xi1> -> vector<16xi32>
      %sub3A_996 = arith.constant 16 : i32
      %sub3A_997 = vector.broadcast %sub3A_996 : i32 to vector<16xi32>
      %sub3A_998 = arith.subi %sub3A_997, %all_reduce_population_count3A : vector<16xi32>
      %broadcast_in_dim3A_999 = vector.shape_cast %sub3A_998 : vector<16xi32> to vector<16x1xi32>
      %gather3A_1000 = vector.shape_cast %broadcast_in_dim3A_999 : vector<16x1xi32> to vector<16xi32>
      %gather3A_1001 = tpu.dynamic_gather %rev3A_994[%gather3A_1000] in [0] : vector<16xf32>, vector<16xi32> -> vector<16xf32>
      %sub3A_1002 = arith.constant 15 : i32
      %sub3A_1003 = vector.broadcast %sub3A_1002 : i32 to vector<16xi32>
      %sub3A_1004 = arith.subi %sub3A_1003, %all_reduce_population_count3A : vector<16xi32>
      %mul3A_1005 = arith.constant 32 : i32
      %mul3A_1006 = vector.broadcast %mul3A_1005 : i32 to vector<16xi32>
      %mul3A_1007 = arith.muli %sub3A_1004, %mul3A_1006 : vector<16xi32>
      %add3A_1008 = arith.addi %iota3A, %mul3A_1007 : vector<16xi32>
      %gather3A_1009 = tpu.vector_load_idx %arg8[%add3A_1008] : memref<416xf32, #tpu.memory_space<vmem>>[vector<16xi32>], vector<16xf32>,
      %add3A_1010 = arith.constant 16 : i32
      %add3A_1011 = vector.broadcast %add3A_1010 : i32 to vector<16xi32>
      %add3A_1012 = arith.addi %mul3A_1007, %add3A_1011 : vector<16xi32>
      %add3A_1013 = arith.addi %iota3A, %add3A_1012 : vector<16xi32>
      %gather3A_1014 = tpu.vector_load_idx %arg8[%add3A_1013] : memref<416xf32, #tpu.memory_space<vmem>>[vector<16xi32>], vector<16xf32>,
      %rev3A_1015 = arith.constant 15 : i32
      %rev3A_1016 = vector.broadcast %rev3A_1015 : i32 to vector<16xi32>
      %rev3A_1017 = tpu.iota {dimensions = array<i32: 0>} : vector<16xi32>
      %rev3A_1018 = arith.subi %rev3A_1016, %rev3A_1017 : vector<16xi32>
      %rev3A_1019 = tpu.dynamic_gather %gather3A_1014[%rev3A_1018] in [0] : vector<16xf32>, vector<16xi32> -> vector<16xf32>
      %cumsum3A_1020 = arith.constant true
      %cumsum3A_1021 = vector.broadcast %cumsum3A_1020 : i1 to vector<16xi1>
      %cumsum3A_1022 = tpu.scan <sum>, %rev3A_1019 masked %cumsum3A_1021 : vector<16xf32>, vector<16xi1> -> vector<16xf32>
      %rev3A_1023 = arith.constant 15 : i32
      %rev3A_1024 = vector.broadcast %rev3A_1023 : i32 to vector<16xi32>
      %rev3A_1025 = tpu.iota {dimensions = array<i32: 0>} : vector<16xi32>
      %rev3A_1026 = arith.subi %rev3A_1024, %rev3A_1025 : vector<16xi32>
      %rev3A_1027 = tpu.dynamic_gather %gather3A_1009[%rev3A_1026] in [0] : vector<16xf32>, vector<16xi32> -> vector<16xf32>
      %cumsum3A_1028 = arith.constant true
      %cumsum3A_1029 = vector.broadcast %cumsum3A_1028 : i1 to vector<16xi1>
      %cumsum3A_1030 = tpu.scan <sum>, %rev3A_1027 masked %cumsum3A_1029 : vector<16xf32>, vector<16xi1> -> vector<16xf32>
      %rev3A_1031 = arith.constant 15 : i32
      %rev3A_1032 = vector.broadcast %rev3A_1031 : i32 to vector<16xi32>
      %rev3A_1033 = tpu.iota {dimensions = array<i32: 0>} : vector<16xi32>
      %rev3A_1034 = arith.subi %rev3A_1032, %rev3A_1033 : vector<16xi32>
      %rev3A_1035 = tpu.dynamic_gather %cumsum3A_1022[%rev3A_1034] in [0] : vector<16xf32>, vector<16xi32> -> vector<16xf32>
      %add3A_1036 = arith.addf %rev3A_1035, %gather3A_1001 : vector<16xf32>
      %rev3A_1037 = arith.constant 15 : i32
      %rev3A_1038 = vector.broadcast %rev3A_1037 : i32 to vector<16xi32>
      %rev3A_1039 = tpu.iota {dimensions = array<i32: 0>} : vector<16xi32>
      %rev3A_1040 = arith.subi %rev3A_1038, %rev3A_1039 : vector<16xi32>
      %rev3A_1041 = tpu.dynamic_gather %cumsum3A_1030[%rev3A_1040] in [0] : vector<16xf32>, vector<16xi32> -> vector<16xf32>
      %broadcast_in_dim3A_1042 = vector.shape_cast %broadcast_in_dim3A_55 : vector<16xi32> to vector<16x1xi32>
      %gather3A_1043 = vector.shape_cast %broadcast_in_dim3A_1042 : vector<16x1xi32> to vector<16xi32>
      %gather3A_1044 = tpu.dynamic_gather %add3A_1036[%gather3A_1043] in [0] : vector<16xf32>, vector<16xi32> -> vector<16xf32>
      %add3A_1045 = arith.addf %rev3A_1041, %gather3A_1044 : vector<16xf32>
      %le3A_1046 = vector.broadcast %mul3A_982 : f32 to vector<16xf32>
      %le3A_1047 = arith.cmpf ole, %add3A_1045, %le3A_1046 : vector<16xf32>
      %all_reduce_population_count3A_1048 = tpu.all_reduce %le3A_1047 {dim = 0 : i64, kind = #tpu.reduction_kind<sum>} : vector<16xi1> -> vector<16xi32>
      %le3A_1049 = vector.broadcast %mul3A_982 : f32 to vector<16xf32>
      %le3A_1050 = arith.cmpf ole, %add3A_1036, %le3A_1049 : vector<16xf32>
      %all_reduce_population_count3A_1051 = tpu.all_reduce %le3A_1050 {dim = 0 : i64, kind = #tpu.reduction_kind<sum>} : vector<16xi1> -> vector<16xi32>
      %add3A_1052 = arith.constant 31 : i32
      %add3A_1053 = vector.broadcast %add3A_1052 : i32 to vector<16xi32>
      %add3A_1054 = arith.addi %mul3A_1007, %add3A_1053 : vector<16xi32>
      %sub3A_1055 = arith.subi %add3A_1054, %all_reduce_population_count3A_1048 : vector<16xi32>
      %sub3A_1056 = arith.subi %sub3A_1055, %all_reduce_population_count3A_1051 : vector<16xi32>
      %gather3A_1057 = tpu.vector_load_idx %arg10[%sub3A_1056] : memref<400xf32, #tpu.memory_space<vmem>>[vector<16xi32>], vector<16xf32>,
      %mul3A_1058 = arith.constant 5.000000e-01 : f32
      %mul3A_1059 = vector.broadcast %mul3A_1058 : f32 to vector<16xf32>
      %mul3A_1060 = arith.mulf %gather3A_1057, %mul3A_1059 : vector<16xf32>
      %broadcast_in_dim3A_1061 = vector.broadcast %mul3A_914 : i32 to vector<16xi32>
      tpu.vector_store_idx %arg7[%broadcast_in_dim3A_1061], %mul3A_1060 masked %eq3A_61 : memref<2192xf32, #tpu.memory_space<vmem>>[vector<16xi32>], vector<16xf32>, vector<16xi1>
      %broadcast_in_dim3A_1062 = vector.broadcast %mul3A_958 : f32 to vector<16xf32>
      tpu.vector_store_idx %arg8[%convert_element_type3A_946], %broadcast_in_dim3A_1062 {add = true} : memref<416xf32, #tpu.memory_space<vmem>>[vector<16xi32>], vector<16xf32>,
      tpu.vector_store_idx %arg8[%convert_element_type3A_950], %broadcast_in_dim3A_1062 masked %lt3A_58 {add = true} : memref<416xf32, #tpu.memory_space<vmem>>[vector<16xi32>], vector<16xf32>, vector<16xi1>
      %shift_right_arithmetic3A_1063 = arith.constant 5 : i32
      %shift_right_arithmetic3A_1064 = vector.broadcast %shift_right_arithmetic3A_1063 : i32 to vector<16xi32>
      %shift_right_arithmetic3A_1065 = arith.shrsi %convert_element_type3A_946, %shift_right_arithmetic3A_1064 : vector<16xi32>
      tpu.vector_store_idx %arg9[%shift_right_arithmetic3A_1065], %broadcast_in_dim3A_1062 {add = true} : memref<16xf32, #tpu.memory_space<vmem>>[vector<16xi32>], vector<16xf32>,
      %shift_right_arithmetic3A_1066 = arith.constant 5 : i32
      %shift_right_arithmetic3A_1067 = vector.broadcast %shift_right_arithmetic3A_1066 : i32 to vector<16xi32>
      %shift_right_arithmetic3A_1068 = arith.shrsi %convert_element_type3A_950, %shift_right_arithmetic3A_1067 : vector<16xi32>
      tpu.vector_store_idx %arg9[%shift_right_arithmetic3A_1068], %broadcast_in_dim3A_1062 masked %lt3A_58 {add = true} : memref<16xf32, #tpu.memory_space<vmem>>[vector<16xi32>], vector<16xf32>, vector<16xi1>
      %add3A_1069 = arith.constant 1 : i32
      %add3A_1070 = arith.addi %mul3A_914, %add3A_1069 : i32
      %mul3A_1071 = arith.constant 5.000000e-02 : f32
      %mul3A_1072 = arith.mulf %mul3A_1071, %add3A_964 : f32
      %get3A_1073 = arith.constant 0 : index
      %get3A_1074 = tpu.vector_load %arg9[%get3A_1073] {strides = array<i32>} : memref<16xf32, #tpu.memory_space<vmem>>, vector<16xf32>,
      %rev3A_1075 = arith.constant 15 : i32
      %rev3A_1076 = vector.broadcast %rev3A_1075 : i32 to vector<16xi32>
      %rev3A_1077 = tpu.iota {dimensions = array<i32: 0>} : vector<16xi32>
      %rev3A_1078 = arith.subi %rev3A_1076, %rev3A_1077 : vector<16xi32>
      %rev3A_1079 = tpu.dynamic_gather %get3A_1074[%rev3A_1078] in [0] : vector<16xf32>, vector<16xi32> -> vector<16xf32>
      %cumsum3A_1080 = arith.constant true
      %cumsum3A_1081 = vector.broadcast %cumsum3A_1080 : i1 to vector<16xi1>
      %cumsum3A_1082 = tpu.scan <sum>, %rev3A_1079 masked %cumsum3A_1081 : vector<16xf32>, vector<16xi1> -> vector<16xf32>
      %rev3A_1083 = arith.constant 15 : i32
      %rev3A_1084 = vector.broadcast %rev3A_1083 : i32 to vector<16xi32>
      %rev3A_1085 = tpu.iota {dimensions = array<i32: 0>} : vector<16xi32>
      %rev3A_1086 = arith.subi %rev3A_1084, %rev3A_1085 : vector<16xi32>
      %rev3A_1087 = tpu.dynamic_gather %cumsum3A_1082[%rev3A_1086] in [0] : vector<16xf32>, vector<16xi32> -> vector<16xf32>
      %le3A_1088 = vector.broadcast %mul3A_1072 : f32 to vector<16xf32>
      %le3A_1089 = arith.cmpf ole, %rev3A_1087, %le3A_1088 : vector<16xf32>
      %all_reduce_population_count3A_1090 = tpu.all_reduce %le3A_1089 {dim = 0 : i64, kind = #tpu.reduction_kind<sum>} : vector<16xi1> -> vector<16xi32>
      %sub3A_1091 = arith.constant 16 : i32
      %sub3A_1092 = vector.broadcast %sub3A_1091 : i32 to vector<16xi32>
      %sub3A_1093 = arith.subi %sub3A_1092, %all_reduce_population_count3A_1090 : vector<16xi32>
      %broadcast_in_dim3A_1094 = vector.shape_cast %sub3A_1093 : vector<16xi32> to vector<16x1xi32>
      %gather3A_1095 = vector.shape_cast %broadcast_in_dim3A_1094 : vector<16x1xi32> to vector<16xi32>
      %gather3A_1096 = tpu.dynamic_gather %rev3A_1087[%gather3A_1095] in [0] : vector<16xf32>, vector<16xi32> -> vector<16xf32>
      %sub3A_1097 = arith.constant 15 : i32
      %sub3A_1098 = vector.broadcast %sub3A_1097 : i32 to vector<16xi32>
      %sub3A_1099 = arith.subi %sub3A_1098, %all_reduce_population_count3A_1090 : vector<16xi32>
      %mul3A_1100 = arith.constant 32 : i32
      %mul3A_1101 = vector.broadcast %mul3A_1100 : i32 to vector<16xi32>
      %mul3A_1102 = arith.muli %sub3A_1099, %mul3A_1101 : vector<16xi32>
      %add3A_1103 = arith.addi %iota3A, %mul3A_1102 : vector<16xi32>
      %gather3A_1104 = tpu.vector_load_idx %arg8[%add3A_1103] : memref<416xf32, #tpu.memory_space<vmem>>[vector<16xi32>], vector<16xf32>,
      %add3A_1105 = arith.constant 16 : i32
      %add3A_1106 = vector.broadcast %add3A_1105 : i32 to vector<16xi32>
      %add3A_1107 = arith.addi %mul3A_1102, %add3A_1106 : vector<16xi32>
      %add3A_1108 = arith.addi %iota3A, %add3A_1107 : vector<16xi32>
      %gather3A_1109 = tpu.vector_load_idx %arg8[%add3A_1108] : memref<416xf32, #tpu.memory_space<vmem>>[vector<16xi32>], vector<16xf32>,
      %rev3A_1110 = arith.constant 15 : i32
      %rev3A_1111 = vector.broadcast %rev3A_1110 : i32 to vector<16xi32>
      %rev3A_1112 = tpu.iota {dimensions = array<i32: 0>} : vector<16xi32>
      %rev3A_1113 = arith.subi %rev3A_1111, %rev3A_1112 : vector<16xi32>
      %rev3A_1114 = tpu.dynamic_gather %gather3A_1109[%rev3A_1113] in [0] : vector<16xf32>, vector<16xi32> -> vector<16xf32>
      %cumsum3A_1115 = arith.constant true
      %cumsum3A_1116 = vector.broadcast %cumsum3A_1115 : i1 to vector<16xi1>
      %cumsum3A_1117 = tpu.scan <sum>, %rev3A_1114 masked %cumsum3A_1116 : vector<16xf32>, vector<16xi1> -> vector<16xf32>
      %rev3A_1118 = arith.constant 15 : i32
      %rev3A_1119 = vector.broadcast %rev3A_1118 : i32 to vector<16xi32>
      %rev3A_1120 = tpu.iota {dimensions = array<i32: 0>} : vector<16xi32>
      %rev3A_1121 = arith.subi %rev3A_1119, %rev3A_1120 : vector<16xi32>
      %rev3A_1122 = tpu.dynamic_gather %gather3A_1104[%rev3A_1121] in [0] : vector<16xf32>, vector<16xi32> -> vector<16xf32>
      %cumsum3A_1123 = arith.constant true
      %cumsum3A_1124 = vector.broadcast %cumsum3A_1123 : i1 to vector<16xi1>
      %cumsum3A_1125 = tpu.scan <sum>, %rev3A_1122 masked %cumsum3A_1124 : vector<16xf32>, vector<16xi1> -> vector<16xf32>
      %rev3A_1126 = arith.constant 15 : i32
      %rev3A_1127 = vector.broadcast %rev3A_1126 : i32 to vector<16xi32>
      %rev3A_1128 = tpu.iota {dimensions = array<i32: 0>} : vector<16xi32>
      %rev3A_1129 = arith.subi %rev3A_1127, %rev3A_1128 : vector<16xi32>
      %rev3A_1130 = tpu.dynamic_gather %cumsum3A_1117[%rev3A_1129] in [0] : vector<16xf32>, vector<16xi32> -> vector<16xf32>
      %add3A_1131 = arith.addf %rev3A_1130, %gather3A_1096 : vector<16xf32>
      %rev3A_1132 = arith.constant 15 : i32
      %rev3A_1133 = vector.broadcast %rev3A_1132 : i32 to vector<16xi32>
      %rev3A_1134 = tpu.iota {dimensions = array<i32: 0>} : vector<16xi32>
      %rev3A_1135 = arith.subi %rev3A_1133, %rev3A_1134 : vector<16xi32>
      %rev3A_1136 = tpu.dynamic_gather %cumsum3A_1125[%rev3A_1135] in [0] : vector<16xf32>, vector<16xi32> -> vector<16xf32>
      %broadcast_in_dim3A_1137 = vector.shape_cast %broadcast_in_dim3A_55 : vector<16xi32> to vector<16x1xi32>
      %gather3A_1138 = vector.shape_cast %broadcast_in_dim3A_1137 : vector<16x1xi32> to vector<16xi32>
      %gather3A_1139 = tpu.dynamic_gather %add3A_1131[%gather3A_1138] in [0] : vector<16xf32>, vector<16xi32> -> vector<16xf32>
      %add3A_1140 = arith.addf %rev3A_1136, %gather3A_1139 : vector<16xf32>
      %le3A_1141 = vector.broadcast %mul3A_1072 : f32 to vector<16xf32>
      %le3A_1142 = arith.cmpf ole, %add3A_1140, %le3A_1141 : vector<16xf32>
      %all_reduce_population_count3A_1143 = tpu.all_reduce %le3A_1142 {dim = 0 : i64, kind = #tpu.reduction_kind<sum>} : vector<16xi1> -> vector<16xi32>
      %le3A_1144 = vector.broadcast %mul3A_1072 : f32 to vector<16xf32>
      %le3A_1145 = arith.cmpf ole, %add3A_1131, %le3A_1144 : vector<16xf32>
      %all_reduce_population_count3A_1146 = tpu.all_reduce %le3A_1145 {dim = 0 : i64, kind = #tpu.reduction_kind<sum>} : vector<16xi1> -> vector<16xi32>
      %add3A_1147 = arith.constant 31 : i32
      %add3A_1148 = vector.broadcast %add3A_1147 : i32 to vector<16xi32>
      %add3A_1149 = arith.addi %mul3A_1102, %add3A_1148 : vector<16xi32>
      %sub3A_1150 = arith.subi %add3A_1149, %all_reduce_population_count3A_1143 : vector<16xi32>
      %sub3A_1151 = arith.subi %sub3A_1150, %all_reduce_population_count3A_1146 : vector<16xi32>
      %gather3A_1152 = tpu.vector_load_idx %arg10[%sub3A_1151] : memref<400xf32, #tpu.memory_space<vmem>>[vector<16xi32>], vector<16xf32>,
      %mul3A_1153 = arith.constant 5.000000e-01 : f32
      %mul3A_1154 = vector.broadcast %mul3A_1153 : f32 to vector<16xf32>
      %mul3A_1155 = arith.mulf %gather3A_1152, %mul3A_1154 : vector<16xf32>
      %broadcast_in_dim3A_1156 = vector.broadcast %add3A_1070 : i32 to vector<16xi32>
      tpu.vector_store_idx %arg7[%broadcast_in_dim3A_1156], %mul3A_1155 masked %eq3A_61 : memref<2192xf32, #tpu.memory_space<vmem>>[vector<16xi32>], vector<16xf32>, vector<16xi1>
      %convert_element_type3A_1157 = arith.extui %eq3A_956 : i1 to i32
      %cond3A_1158 = arith.constant 0 : i32
      %cond3A_1159 = arith.cmpi ne, %convert_element_type3A_1157, %cond3A_1158 : i32
      scf.if %cond3A_1159 {
        %get3A_1160 = arith.constant 0 : index
        %get3A_1161 = tpu.vector_load %arg8[%get3A_1160] {strides = array<i32>} : memref<416xf32, #tpu.memory_space<vmem>>, vector<16xf32>,
        %mul3A_1162 = arith.constant 0.157490134 : f32
        %mul3A_1163 = vector.broadcast %mul3A_1162 : f32 to vector<16xf32>
        %mul3A_1164 = arith.mulf %get3A_1161, %mul3A_1163 : vector<16xf32>
        %swap3A_1165 = arith.constant 0 : index
        %swap3A_1166 = tpu.vector_load %arg8[%swap3A_1165] {strides = array<i32>} : memref<416xf32, #tpu.memory_space<vmem>>, vector<16xf32>,
        tpu.vector_store %arg8[%swap3A_1165], %mul3A_1164 {strides = array<i32>} : memref<416xf32, #tpu.memory_space<vmem>>, vector<16xf32>,
        %get3A_1167 = arith.constant 16 : index
        %get3A_1168 = tpu.vector_load %arg8[%get3A_1167] {strides = array<i32>} : memref<416xf32, #tpu.memory_space<vmem>>, vector<16xf32>,
        %mul3A_1169 = arith.constant 0.157490134 : f32
        %mul3A_1170 = vector.broadcast %mul3A_1169 : f32 to vector<16xf32>
        %mul3A_1171 = arith.mulf %get3A_1168, %mul3A_1170 : vector<16xf32>
        %swap3A_1172 = arith.constant 16 : index
        %swap3A_1173 = tpu.vector_load %arg8[%swap3A_1172] {strides = array<i32>} : memref<416xf32, #tpu.memory_space<vmem>>, vector<16xf32>,
        tpu.vector_store %arg8[%swap3A_1172], %mul3A_1171 {strides = array<i32>} : memref<416xf32, #tpu.memory_space<vmem>>, vector<16xf32>,
        %get3A_1174 = arith.constant 32 : index
        %get3A_1175 = tpu.vector_load %arg8[%get3A_1174] {strides = array<i32>} : memref<416xf32, #tpu.memory_space<vmem>>, vector<16xf32>,
        %mul3A_1176 = arith.constant 0.157490134 : f32
        %mul3A_1177 = vector.broadcast %mul3A_1176 : f32 to vector<16xf32>
        %mul3A_1178 = arith.mulf %get3A_1175, %mul3A_1177 : vector<16xf32>
        %swap3A_1179 = arith.constant 32 : index
        %swap3A_1180 = tpu.vector_load %arg8[%swap3A_1179] {strides = array<i32>} : memref<416xf32, #tpu.memory_space<vmem>>, vector<16xf32>,
        tpu.vector_store %arg8[%swap3A_1179], %mul3A_1178 {strides = array<i32>} : memref<416xf32, #tpu.memory_space<vmem>>, vector<16xf32>,
        %get3A_1181 = arith.constant 48 : index
        %get3A_1182 = tpu.vector_load %arg8[%get3A_1181] {strides = array<i32>} : memref<416xf32, #tpu.memory_space<vmem>>, vector<16xf32>,
        %mul3A_1183 = arith.constant 0.157490134 : f32
        %mul3A_1184 = vector.broadcast %mul3A_1183 : f32 to vector<16xf32>
        %mul3A_1185 = arith.mulf %get3A_1182, %mul3A_1184 : vector<16xf32>
        %swap3A_1186 = arith.constant 48 : index
        %swap3A_1187 = tpu.vector_load %arg8[%swap3A_1186] {strides = array<i32>} : memref<416xf32, #tpu.memory_space<vmem>>, vector<16xf32>,
        tpu.vector_store %arg8[%swap3A_1186], %mul3A_1185 {strides = array<i32>} : memref<416xf32, #tpu.memory_space<vmem>>, vector<16xf32>,
        %get3A_1188 = arith.constant 64 : index
        %get3A_1189 = tpu.vector_load %arg8[%get3A_1188] {strides = array<i32>} : memref<416xf32, #tpu.memory_space<vmem>>, vector<16xf32>,
        %mul3A_1190 = arith.constant 0.157490134 : f32
        %mul3A_1191 = vector.broadcast %mul3A_1190 : f32 to vector<16xf32>
        %mul3A_1192 = arith.mulf %get3A_1189, %mul3A_1191 : vector<16xf32>
        %swap3A_1193 = arith.constant 64 : index
        %swap3A_1194 = tpu.vector_load %arg8[%swap3A_1193] {strides = array<i32>} : memref<416xf32, #tpu.memory_space<vmem>>, vector<16xf32>,
        tpu.vector_store %arg8[%swap3A_1193], %mul3A_1192 {strides = array<i32>} : memref<416xf32, #tpu.memory_space<vmem>>, vector<16xf32>,
        %get3A_1195 = arith.constant 80 : index
        %get3A_1196 = tpu.vector_load %arg8[%get3A_1195] {strides = array<i32>} : memref<416xf32, #tpu.memory_space<vmem>>, vector<16xf32>,
        %mul3A_1197 = arith.constant 0.157490134 : f32
        %mul3A_1198 = vector.broadcast %mul3A_1197 : f32 to vector<16xf32>
        %mul3A_1199 = arith.mulf %get3A_1196, %mul3A_1198 : vector<16xf32>
        %swap3A_1200 = arith.constant 80 : index
        %swap3A_1201 = tpu.vector_load %arg8[%swap3A_1200] {strides = array<i32>} : memref<416xf32, #tpu.memory_space<vmem>>, vector<16xf32>,
        tpu.vector_store %arg8[%swap3A_1200], %mul3A_1199 {strides = array<i32>} : memref<416xf32, #tpu.memory_space<vmem>>, vector<16xf32>,
        %get3A_1202 = arith.constant 96 : index
        %get3A_1203 = tpu.vector_load %arg8[%get3A_1202] {strides = array<i32>} : memref<416xf32, #tpu.memory_space<vmem>>, vector<16xf32>,
        %mul3A_1204 = arith.constant 0.157490134 : f32
        %mul3A_1205 = vector.broadcast %mul3A_1204 : f32 to vector<16xf32>
        %mul3A_1206 = arith.mulf %get3A_1203, %mul3A_1205 : vector<16xf32>
        %swap3A_1207 = arith.constant 96 : index
        %swap3A_1208 = tpu.vector_load %arg8[%swap3A_1207] {strides = array<i32>} : memref<416xf32, #tpu.memory_space<vmem>>, vector<16xf32>,
        tpu.vector_store %arg8[%swap3A_1207], %mul3A_1206 {strides = array<i32>} : memref<416xf32, #tpu.memory_space<vmem>>, vector<16xf32>,
        %get3A_1209 = arith.constant 112 : index
        %get3A_1210 = tpu.vector_load %arg8[%get3A_1209] {strides = array<i32>} : memref<416xf32, #tpu.memory_space<vmem>>, vector<16xf32>,
        %mul3A_1211 = arith.constant 0.157490134 : f32
        %mul3A_1212 = vector.broadcast %mul3A_1211 : f32 to vector<16xf32>
        %mul3A_1213 = arith.mulf %get3A_1210, %mul3A_1212 : vector<16xf32>
        %swap3A_1214 = arith.constant 112 : index
        %swap3A_1215 = tpu.vector_load %arg8[%swap3A_1214] {strides = array<i32>} : memref<416xf32, #tpu.memory_space<vmem>>, vector<16xf32>,
        tpu.vector_store %arg8[%swap3A_1214], %mul3A_1213 {strides = array<i32>} : memref<416xf32, #tpu.memory_space<vmem>>, vector<16xf32>,
        %get3A_1216 = arith.constant 128 : index
        %get3A_1217 = tpu.vector_load %arg8[%get3A_1216] {strides = array<i32>} : memref<416xf32, #tpu.memory_space<vmem>>, vector<16xf32>,
        %mul3A_1218 = arith.constant 0.157490134 : f32
        %mul3A_1219 = vector.broadcast %mul3A_1218 : f32 to vector<16xf32>
        %mul3A_1220 = arith.mulf %get3A_1217, %mul3A_1219 : vector<16xf32>
        %swap3A_1221 = arith.constant 128 : index
        %swap3A_1222 = tpu.vector_load %arg8[%swap3A_1221] {strides = array<i32>} : memref<416xf32, #tpu.memory_space<vmem>>, vector<16xf32>,
        tpu.vector_store %arg8[%swap3A_1221], %mul3A_1220 {strides = array<i32>} : memref<416xf32, #tpu.memory_space<vmem>>, vector<16xf32>,
        %get3A_1223 = arith.constant 144 : index
        %get3A_1224 = tpu.vector_load %arg8[%get3A_1223] {strides = array<i32>} : memref<416xf32, #tpu.memory_space<vmem>>, vector<16xf32>,
        %mul3A_1225 = arith.constant 0.157490134 : f32
        %mul3A_1226 = vector.broadcast %mul3A_1225 : f32 to vector<16xf32>
        %mul3A_1227 = arith.mulf %get3A_1224, %mul3A_1226 : vector<16xf32>
        %swap3A_1228 = arith.constant 144 : index
        %swap3A_1229 = tpu.vector_load %arg8[%swap3A_1228] {strides = array<i32>} : memref<416xf32, #tpu.memory_space<vmem>>, vector<16xf32>,
        tpu.vector_store %arg8[%swap3A_1228], %mul3A_1227 {strides = array<i32>} : memref<416xf32, #tpu.memory_space<vmem>>, vector<16xf32>,
        %get3A_1230 = arith.constant 160 : index
        %get3A_1231 = tpu.vector_load %arg8[%get3A_1230] {strides = array<i32>} : memref<416xf32, #tpu.memory_space<vmem>>, vector<16xf32>,
        %mul3A_1232 = arith.constant 0.157490134 : f32
        %mul3A_1233 = vector.broadcast %mul3A_1232 : f32 to vector<16xf32>
        %mul3A_1234 = arith.mulf %get3A_1231, %mul3A_1233 : vector<16xf32>
        %swap3A_1235 = arith.constant 160 : index
        %swap3A_1236 = tpu.vector_load %arg8[%swap3A_1235] {strides = array<i32>} : memref<416xf32, #tpu.memory_space<vmem>>, vector<16xf32>,
        tpu.vector_store %arg8[%swap3A_1235], %mul3A_1234 {strides = array<i32>} : memref<416xf32, #tpu.memory_space<vmem>>, vector<16xf32>,
        %get3A_1237 = arith.constant 176 : index
        %get3A_1238 = tpu.vector_load %arg8[%get3A_1237] {strides = array<i32>} : memref<416xf32, #tpu.memory_space<vmem>>, vector<16xf32>,
        %mul3A_1239 = arith.constant 0.157490134 : f32
        %mul3A_1240 = vector.broadcast %mul3A_1239 : f32 to vector<16xf32>
        %mul3A_1241 = arith.mulf %get3A_1238, %mul3A_1240 : vector<16xf32>
        %swap3A_1242 = arith.constant 176 : index
        %swap3A_1243 = tpu.vector_load %arg8[%swap3A_1242] {strides = array<i32>} : memref<416xf32, #tpu.memory_space<vmem>>, vector<16xf32>,
        tpu.vector_store %arg8[%swap3A_1242], %mul3A_1241 {strides = array<i32>} : memref<416xf32, #tpu.memory_space<vmem>>, vector<16xf32>,
        %get3A_1244 = arith.constant 192 : index
        %get3A_1245 = tpu.vector_load %arg8[%get3A_1244] {strides = array<i32>} : memref<416xf32, #tpu.memory_space<vmem>>, vector<16xf32>,
        %mul3A_1246 = arith.constant 0.157490134 : f32
        %mul3A_1247 = vector.broadcast %mul3A_1246 : f32 to vector<16xf32>
        %mul3A_1248 = arith.mulf %get3A_1245, %mul3A_1247 : vector<16xf32>
        %swap3A_1249 = arith.constant 192 : index
        %swap3A_1250 = tpu.vector_load %arg8[%swap3A_1249] {strides = array<i32>} : memref<416xf32, #tpu.memory_space<vmem>>, vector<16xf32>,
        tpu.vector_store %arg8[%swap3A_1249], %mul3A_1248 {strides = array<i32>} : memref<416xf32, #tpu.memory_space<vmem>>, vector<16xf32>,
        %get3A_1251 = arith.constant 208 : index
        %get3A_1252 = tpu.vector_load %arg8[%get3A_1251] {strides = array<i32>} : memref<416xf32, #tpu.memory_space<vmem>>, vector<16xf32>,
        %mul3A_1253 = arith.constant 0.157490134 : f32
        %mul3A_1254 = vector.broadcast %mul3A_1253 : f32 to vector<16xf32>
        %mul3A_1255 = arith.mulf %get3A_1252, %mul3A_1254 : vector<16xf32>
        %swap3A_1256 = arith.constant 208 : index
        %swap3A_1257 = tpu.vector_load %arg8[%swap3A_1256] {strides = array<i32>} : memref<416xf32, #tpu.memory_space<vmem>>, vector<16xf32>,
        tpu.vector_store %arg8[%swap3A_1256], %mul3A_1255 {strides = array<i32>} : memref<416xf32, #tpu.memory_space<vmem>>, vector<16xf32>,
        %get3A_1258 = arith.constant 224 : index
        %get3A_1259 = tpu.vector_load %arg8[%get3A_1258] {strides = array<i32>} : memref<416xf32, #tpu.memory_space<vmem>>, vector<16xf32>,
        %mul3A_1260 = arith.constant 0.157490134 : f32
        %mul3A_1261 = vector.broadcast %mul3A_1260 : f32 to vector<16xf32>
        %mul3A_1262 = arith.mulf %get3A_1259, %mul3A_1261 : vector<16xf32>
        %swap3A_1263 = arith.constant 224 : index
        %swap3A_1264 = tpu.vector_load %arg8[%swap3A_1263] {strides = array<i32>} : memref<416xf32, #tpu.memory_space<vmem>>, vector<16xf32>,
        tpu.vector_store %arg8[%swap3A_1263], %mul3A_1262 {strides = array<i32>} : memref<416xf32, #tpu.memory_space<vmem>>, vector<16xf32>,
        %get3A_1265 = arith.constant 240 : index
        %get3A_1266 = tpu.vector_load %arg8[%get3A_1265] {strides = array<i32>} : memref<416xf32, #tpu.memory_space<vmem>>, vector<16xf32>,
        %mul3A_1267 = arith.constant 0.157490134 : f32
        %mul3A_1268 = vector.broadcast %mul3A_1267 : f32 to vector<16xf32>
        %mul3A_1269 = arith.mulf %get3A_1266, %mul3A_1268 : vector<16xf32>
        %swap3A_1270 = arith.constant 240 : index
        %swap3A_1271 = tpu.vector_load %arg8[%swap3A_1270] {strides = array<i32>} : memref<416xf32, #tpu.memory_space<vmem>>, vector<16xf32>,
        tpu.vector_store %arg8[%swap3A_1270], %mul3A_1269 {strides = array<i32>} : memref<416xf32, #tpu.memory_space<vmem>>, vector<16xf32>,
        %get3A_1272 = arith.constant 256 : index
        %get3A_1273 = tpu.vector_load %arg8[%get3A_1272] {strides = array<i32>} : memref<416xf32, #tpu.memory_space<vmem>>, vector<16xf32>,
        %mul3A_1274 = arith.constant 0.157490134 : f32
        %mul3A_1275 = vector.broadcast %mul3A_1274 : f32 to vector<16xf32>
        %mul3A_1276 = arith.mulf %get3A_1273, %mul3A_1275 : vector<16xf32>
        %swap3A_1277 = arith.constant 256 : index
        %swap3A_1278 = tpu.vector_load %arg8[%swap3A_1277] {strides = array<i32>} : memref<416xf32, #tpu.memory_space<vmem>>, vector<16xf32>,
        tpu.vector_store %arg8[%swap3A_1277], %mul3A_1276 {strides = array<i32>} : memref<416xf32, #tpu.memory_space<vmem>>, vector<16xf32>,
        %get3A_1279 = arith.constant 272 : index
        %get3A_1280 = tpu.vector_load %arg8[%get3A_1279] {strides = array<i32>} : memref<416xf32, #tpu.memory_space<vmem>>, vector<16xf32>,
        %mul3A_1281 = arith.constant 0.157490134 : f32
        %mul3A_1282 = vector.broadcast %mul3A_1281 : f32 to vector<16xf32>
        %mul3A_1283 = arith.mulf %get3A_1280, %mul3A_1282 : vector<16xf32>
        %swap3A_1284 = arith.constant 272 : index
        %swap3A_1285 = tpu.vector_load %arg8[%swap3A_1284] {strides = array<i32>} : memref<416xf32, #tpu.memory_space<vmem>>, vector<16xf32>,
        tpu.vector_store %arg8[%swap3A_1284], %mul3A_1283 {strides = array<i32>} : memref<416xf32, #tpu.memory_space<vmem>>, vector<16xf32>,
        %get3A_1286 = arith.constant 288 : index
        %get3A_1287 = tpu.vector_load %arg8[%get3A_1286] {strides = array<i32>} : memref<416xf32, #tpu.memory_space<vmem>>, vector<16xf32>,
        %mul3A_1288 = arith.constant 0.157490134 : f32
        %mul3A_1289 = vector.broadcast %mul3A_1288 : f32 to vector<16xf32>
        %mul3A_1290 = arith.mulf %get3A_1287, %mul3A_1289 : vector<16xf32>
        %swap3A_1291 = arith.constant 288 : index
        %swap3A_1292 = tpu.vector_load %arg8[%swap3A_1291] {strides = array<i32>} : memref<416xf32, #tpu.memory_space<vmem>>, vector<16xf32>,
        tpu.vector_store %arg8[%swap3A_1291], %mul3A_1290 {strides = array<i32>} : memref<416xf32, #tpu.memory_space<vmem>>, vector<16xf32>,
        %get3A_1293 = arith.constant 304 : index
        %get3A_1294 = tpu.vector_load %arg8[%get3A_1293] {strides = array<i32>} : memref<416xf32, #tpu.memory_space<vmem>>, vector<16xf32>,
        %mul3A_1295 = arith.constant 0.157490134 : f32
        %mul3A_1296 = vector.broadcast %mul3A_1295 : f32 to vector<16xf32>
        %mul3A_1297 = arith.mulf %get3A_1294, %mul3A_1296 : vector<16xf32>
        %swap3A_1298 = arith.constant 304 : index
        %swap3A_1299 = tpu.vector_load %arg8[%swap3A_1298] {strides = array<i32>} : memref<416xf32, #tpu.memory_space<vmem>>, vector<16xf32>,
        tpu.vector_store %arg8[%swap3A_1298], %mul3A_1297 {strides = array<i32>} : memref<416xf32, #tpu.memory_space<vmem>>, vector<16xf32>,
        %get3A_1300 = arith.constant 320 : index
        %get3A_1301 = tpu.vector_load %arg8[%get3A_1300] {strides = array<i32>} : memref<416xf32, #tpu.memory_space<vmem>>, vector<16xf32>,
        %mul3A_1302 = arith.constant 0.157490134 : f32
        %mul3A_1303 = vector.broadcast %mul3A_1302 : f32 to vector<16xf32>
        %mul3A_1304 = arith.mulf %get3A_1301, %mul3A_1303 : vector<16xf32>
        %swap3A_1305 = arith.constant 320 : index
        %swap3A_1306 = tpu.vector_load %arg8[%swap3A_1305] {strides = array<i32>} : memref<416xf32, #tpu.memory_space<vmem>>, vector<16xf32>,
        tpu.vector_store %arg8[%swap3A_1305], %mul3A_1304 {strides = array<i32>} : memref<416xf32, #tpu.memory_space<vmem>>, vector<16xf32>,
        %get3A_1307 = arith.constant 336 : index
        %get3A_1308 = tpu.vector_load %arg8[%get3A_1307] {strides = array<i32>} : memref<416xf32, #tpu.memory_space<vmem>>, vector<16xf32>,
        %mul3A_1309 = arith.constant 0.157490134 : f32
        %mul3A_1310 = vector.broadcast %mul3A_1309 : f32 to vector<16xf32>
        %mul3A_1311 = arith.mulf %get3A_1308, %mul3A_1310 : vector<16xf32>
        %swap3A_1312 = arith.constant 336 : index
        %swap3A_1313 = tpu.vector_load %arg8[%swap3A_1312] {strides = array<i32>} : memref<416xf32, #tpu.memory_space<vmem>>, vector<16xf32>,
        tpu.vector_store %arg8[%swap3A_1312], %mul3A_1311 {strides = array<i32>} : memref<416xf32, #tpu.memory_space<vmem>>, vector<16xf32>,
        %get3A_1314 = arith.constant 352 : index
        %get3A_1315 = tpu.vector_load %arg8[%get3A_1314] {strides = array<i32>} : memref<416xf32, #tpu.memory_space<vmem>>, vector<16xf32>,
        %mul3A_1316 = arith.constant 0.157490134 : f32
        %mul3A_1317 = vector.broadcast %mul3A_1316 : f32 to vector<16xf32>
        %mul3A_1318 = arith.mulf %get3A_1315, %mul3A_1317 : vector<16xf32>
        %swap3A_1319 = arith.constant 352 : index
        %swap3A_1320 = tpu.vector_load %arg8[%swap3A_1319] {strides = array<i32>} : memref<416xf32, #tpu.memory_space<vmem>>, vector<16xf32>,
        tpu.vector_store %arg8[%swap3A_1319], %mul3A_1318 {strides = array<i32>} : memref<416xf32, #tpu.memory_space<vmem>>, vector<16xf32>,
        %get3A_1321 = arith.constant 368 : index
        %get3A_1322 = tpu.vector_load %arg8[%get3A_1321] {strides = array<i32>} : memref<416xf32, #tpu.memory_space<vmem>>, vector<16xf32>,
        %mul3A_1323 = arith.constant 0.157490134 : f32
        %mul3A_1324 = vector.broadcast %mul3A_1323 : f32 to vector<16xf32>
        %mul3A_1325 = arith.mulf %get3A_1322, %mul3A_1324 : vector<16xf32>
        %swap3A_1326 = arith.constant 368 : index
        %swap3A_1327 = tpu.vector_load %arg8[%swap3A_1326] {strides = array<i32>} : memref<416xf32, #tpu.memory_space<vmem>>, vector<16xf32>,
        tpu.vector_store %arg8[%swap3A_1326], %mul3A_1325 {strides = array<i32>} : memref<416xf32, #tpu.memory_space<vmem>>, vector<16xf32>,
        %get3A_1328 = arith.constant 384 : index
        %get3A_1329 = tpu.vector_load %arg8[%get3A_1328] {strides = array<i32>} : memref<416xf32, #tpu.memory_space<vmem>>, vector<16xf32>,
        %mul3A_1330 = arith.constant 0.157490134 : f32
        %mul3A_1331 = vector.broadcast %mul3A_1330 : f32 to vector<16xf32>
        %mul3A_1332 = arith.mulf %get3A_1329, %mul3A_1331 : vector<16xf32>
        %swap3A_1333 = arith.constant 384 : index
        %swap3A_1334 = tpu.vector_load %arg8[%swap3A_1333] {strides = array<i32>} : memref<416xf32, #tpu.memory_space<vmem>>, vector<16xf32>,
        tpu.vector_store %arg8[%swap3A_1333], %mul3A_1332 {strides = array<i32>} : memref<416xf32, #tpu.memory_space<vmem>>, vector<16xf32>,
        %get3A_1335 = arith.constant 0 : index
        %get3A_1336 = tpu.vector_load %arg9[%get3A_1335] {strides = array<i32>} : memref<16xf32, #tpu.memory_space<vmem>>, vector<16xf32>,
        %mul3A_1337 = arith.constant 0.157490134 : f32
        %mul3A_1338 = vector.broadcast %mul3A_1337 : f32 to vector<16xf32>
        %mul3A_1339 = arith.mulf %get3A_1336, %mul3A_1338 : vector<16xf32>
        %swap3A_1340 = arith.constant 0 : index
        %swap3A_1341 = tpu.vector_load %arg9[%swap3A_1340] {strides = array<i32>} : memref<16xf32, #tpu.memory_space<vmem>>, vector<16xf32>,
        tpu.vector_store %arg9[%swap3A_1340], %mul3A_1339 {strides = array<i32>} : memref<16xf32, #tpu.memory_space<vmem>>, vector<16xf32>,
      } else {
      }
      scf.yield %select_n3A_968, %select_n3A_971 : f32, f32
    }
    %add3A_186 = arith.constant 0 : i32
    %add3A_187 = vector.broadcast %add3A_186 : i32 to vector<16xi32>
    %add3A_188 = arith.addi %iota3A, %add3A_187 : vector<16xi32>
    %jit3A_189 = arith.constant 20 : i32
    %div3A_190 = vector.broadcast %jit3A_189 : i32 to vector<16xi32>
    %div3A_191 = arith.divsi %add3A_188, %div3A_190 : vector<16xi32>
    %sign3A_192 = arith.constant 0 : i32
    %sign3A_193 = vector.broadcast %sign3A_192 : i32 to vector<16xi32>
    %sign3A_194 = arith.cmpi sgt, %add3A_188, %sign3A_193 : vector<16xi32>
    %sign3A_195 = arith.extui %sign3A_194 : vector<16xi1> to vector<16xi32>
    %sign3A_196 = arith.constant 0 : i32
    %sign3A_197 = vector.broadcast %sign3A_196 : i32 to vector<16xi32>
    %sign3A_198 = arith.cmpi slt, %add3A_188, %sign3A_197 : vector<16xi32>
    %sign3A_199 = arith.extui %sign3A_198 : vector<16xi1> to vector<16xi32>
    %sign3A_200 = arith.subi %sign3A_195, %sign3A_199 : vector<16xi32>
    %sign3A_201 = arith.constant 0 : i32
    %sign3A_202 = arith.cmpi sgt, %jit3A_189, %sign3A_201 : i32
    %sign3A_203 = arith.extui %sign3A_202 : i1 to i32
    %sign3A_204 = arith.constant 0 : i32
    %sign3A_205 = arith.cmpi slt, %jit3A_189, %sign3A_204 : i32
    %sign3A_206 = arith.extui %sign3A_205 : i1 to i32
    %sign3A_207 = arith.subi %sign3A_203, %sign3A_206 : i32
    %ne3A_208 = vector.broadcast %sign3A_207 : i32 to vector<16xi32>
    %ne3A_209 = arith.cmpi ne, %sign3A_200, %ne3A_208 : vector<16xi32>
    %rem3A_210 = vector.broadcast %jit3A_189 : i32 to vector<16xi32>
    %rem3A_211 = arith.remsi %add3A_188, %rem3A_210 : vector<16xi32>
    %ne3A_212 = arith.constant 0 : i32
    %ne3A_213 = vector.broadcast %ne3A_212 : i32 to vector<16xi32>
    %ne3A_214 = arith.cmpi ne, %rem3A_211, %ne3A_213 : vector<16xi32>
    %and3A_215 = arith.andi %ne3A_209, %ne3A_214 : vector<16xi1>
    %sub3A_216 = arith.constant 1 : i32
    %sub3A_217 = vector.broadcast %sub3A_216 : i32 to vector<16xi32>
    %sub3A_218 = arith.subi %div3A_191, %sub3A_217 : vector<16xi32>
    %select_n3A_219 = arith.select %and3A_215, %sub3A_218, %div3A_191 : vector<16xi1>, vector<16xi32>
    %add3A_220 = arith.constant 16 : i32
    %add3A_221 = vector.broadcast %add3A_220 : i32 to vector<16xi32>
    %add3A_222 = arith.addi %iota3A, %add3A_221 : vector<16xi32>
    %jit3A_223 = arith.constant 20 : i32
    %div3A_224 = vector.broadcast %jit3A_223 : i32 to vector<16xi32>
    %div3A_225 = arith.divsi %add3A_222, %div3A_224 : vector<16xi32>
    %sign3A_226 = arith.constant 0 : i32
    %sign3A_227 = vector.broadcast %sign3A_226 : i32 to vector<16xi32>
    %sign3A_228 = arith.cmpi sgt, %add3A_222, %sign3A_227 : vector<16xi32>
    %sign3A_229 = arith.extui %sign3A_228 : vector<16xi1> to vector<16xi32>
    %sign3A_230 = arith.constant 0 : i32
    %sign3A_231 = vector.broadcast %sign3A_230 : i32 to vector<16xi32>
    %sign3A_232 = arith.cmpi slt, %add3A_222, %sign3A_231 : vector<16xi32>
    %sign3A_233 = arith.extui %sign3A_232 : vector<16xi1> to vector<16xi32>
    %sign3A_234 = arith.subi %sign3A_229, %sign3A_233 : vector<16xi32>
    %sign3A_235 = arith.constant 0 : i32
    %sign3A_236 = arith.cmpi sgt, %jit3A_223, %sign3A_235 : i32
    %sign3A_237 = arith.extui %sign3A_236 : i1 to i32
    %sign3A_238 = arith.constant 0 : i32
    %sign3A_239 = arith.cmpi slt, %jit3A_223, %sign3A_238 : i32
    %sign3A_240 = arith.extui %sign3A_239 : i1 to i32
    %sign3A_241 = arith.subi %sign3A_237, %sign3A_240 : i32
    %ne3A_242 = vector.broadcast %sign3A_241 : i32 to vector<16xi32>
    %ne3A_243 = arith.cmpi ne, %sign3A_234, %ne3A_242 : vector<16xi32>
    %rem3A_244 = vector.broadcast %jit3A_223 : i32 to vector<16xi32>
    %rem3A_245 = arith.remsi %add3A_222, %rem3A_244 : vector<16xi32>
    %ne3A_246 = arith.constant 0 : i32
    %ne3A_247 = vector.broadcast %ne3A_246 : i32 to vector<16xi32>
    %ne3A_248 = arith.cmpi ne, %rem3A_245, %ne3A_247 : vector<16xi32>
    %and3A_249 = arith.andi %ne3A_243, %ne3A_248 : vector<16xi1>
    %sub3A_250 = arith.constant 1 : i32
    %sub3A_251 = vector.broadcast %sub3A_250 : i32 to vector<16xi32>
    %sub3A_252 = arith.subi %div3A_225, %sub3A_251 : vector<16xi32>
    %select_n3A_253 = arith.select %and3A_249, %sub3A_252, %div3A_225 : vector<16xi1>, vector<16xi32>
    %add3A_254 = arith.constant 32 : i32
    %add3A_255 = vector.broadcast %add3A_254 : i32 to vector<16xi32>
    %add3A_256 = arith.addi %iota3A, %add3A_255 : vector<16xi32>
    %jit3A_257 = arith.constant 20 : i32
    %div3A_258 = vector.broadcast %jit3A_257 : i32 to vector<16xi32>
    %div3A_259 = arith.divsi %add3A_256, %div3A_258 : vector<16xi32>
    %sign3A_260 = arith.constant 0 : i32
    %sign3A_261 = vector.broadcast %sign3A_260 : i32 to vector<16xi32>
    %sign3A_262 = arith.cmpi sgt, %add3A_256, %sign3A_261 : vector<16xi32>
    %sign3A_263 = arith.extui %sign3A_262 : vector<16xi1> to vector<16xi32>
    %sign3A_264 = arith.constant 0 : i32
    %sign3A_265 = vector.broadcast %sign3A_264 : i32 to vector<16xi32>
    %sign3A_266 = arith.cmpi slt, %add3A_256, %sign3A_265 : vector<16xi32>
    %sign3A_267 = arith.extui %sign3A_266 : vector<16xi1> to vector<16xi32>
    %sign3A_268 = arith.subi %sign3A_263, %sign3A_267 : vector<16xi32>
    %sign3A_269 = arith.constant 0 : i32
    %sign3A_270 = arith.cmpi sgt, %jit3A_257, %sign3A_269 : i32
    %sign3A_271 = arith.extui %sign3A_270 : i1 to i32
    %sign3A_272 = arith.constant 0 : i32
    %sign3A_273 = arith.cmpi slt, %jit3A_257, %sign3A_272 : i32
    %sign3A_274 = arith.extui %sign3A_273 : i1 to i32
    %sign3A_275 = arith.subi %sign3A_271, %sign3A_274 : i32
    %ne3A_276 = vector.broadcast %sign3A_275 : i32 to vector<16xi32>
    %ne3A_277 = arith.cmpi ne, %sign3A_268, %ne3A_276 : vector<16xi32>
    %rem3A_278 = vector.broadcast %jit3A_257 : i32 to vector<16xi32>
    %rem3A_279 = arith.remsi %add3A_256, %rem3A_278 : vector<16xi32>
    %ne3A_280 = arith.constant 0 : i32
    %ne3A_281 = vector.broadcast %ne3A_280 : i32 to vector<16xi32>
    %ne3A_282 = arith.cmpi ne, %rem3A_279, %ne3A_281 : vector<16xi32>
    %and3A_283 = arith.andi %ne3A_277, %ne3A_282 : vector<16xi1>
    %sub3A_284 = arith.constant 1 : i32
    %sub3A_285 = vector.broadcast %sub3A_284 : i32 to vector<16xi32>
    %sub3A_286 = arith.subi %div3A_259, %sub3A_285 : vector<16xi32>
    %select_n3A_287 = arith.select %and3A_283, %sub3A_286, %div3A_259 : vector<16xi1>, vector<16xi32>
    %add3A_288 = arith.constant 48 : i32
    %add3A_289 = vector.broadcast %add3A_288 : i32 to vector<16xi32>
    %add3A_290 = arith.addi %iota3A, %add3A_289 : vector<16xi32>
    %jit3A_291 = arith.constant 20 : i32
    %div3A_292 = vector.broadcast %jit3A_291 : i32 to vector<16xi32>
    %div3A_293 = arith.divsi %add3A_290, %div3A_292 : vector<16xi32>
    %sign3A_294 = arith.constant 0 : i32
    %sign3A_295 = vector.broadcast %sign3A_294 : i32 to vector<16xi32>
    %sign3A_296 = arith.cmpi sgt, %add3A_290, %sign3A_295 : vector<16xi32>
    %sign3A_297 = arith.extui %sign3A_296 : vector<16xi1> to vector<16xi32>
    %sign3A_298 = arith.constant 0 : i32
    %sign3A_299 = vector.broadcast %sign3A_298 : i32 to vector<16xi32>
    %sign3A_300 = arith.cmpi slt, %add3A_290, %sign3A_299 : vector<16xi32>
    %sign3A_301 = arith.extui %sign3A_300 : vector<16xi1> to vector<16xi32>
    %sign3A_302 = arith.subi %sign3A_297, %sign3A_301 : vector<16xi32>
    %sign3A_303 = arith.constant 0 : i32
    %sign3A_304 = arith.cmpi sgt, %jit3A_291, %sign3A_303 : i32
    %sign3A_305 = arith.extui %sign3A_304 : i1 to i32
    %sign3A_306 = arith.constant 0 : i32
    %sign3A_307 = arith.cmpi slt, %jit3A_291, %sign3A_306 : i32
    %sign3A_308 = arith.extui %sign3A_307 : i1 to i32
    %sign3A_309 = arith.subi %sign3A_305, %sign3A_308 : i32
    %ne3A_310 = vector.broadcast %sign3A_309 : i32 to vector<16xi32>
    %ne3A_311 = arith.cmpi ne, %sign3A_302, %ne3A_310 : vector<16xi32>
    %rem3A_312 = vector.broadcast %jit3A_291 : i32 to vector<16xi32>
    %rem3A_313 = arith.remsi %add3A_290, %rem3A_312 : vector<16xi32>
    %ne3A_314 = arith.constant 0 : i32
    %ne3A_315 = vector.broadcast %ne3A_314 : i32 to vector<16xi32>
    %ne3A_316 = arith.cmpi ne, %rem3A_313, %ne3A_315 : vector<16xi32>
    %and3A_317 = arith.andi %ne3A_311, %ne3A_316 : vector<16xi1>
    %sub3A_318 = arith.constant 1 : i32
    %sub3A_319 = vector.broadcast %sub3A_318 : i32 to vector<16xi32>
    %sub3A_320 = arith.subi %div3A_293, %sub3A_319 : vector<16xi32>
    %select_n3A_321 = arith.select %and3A_317, %sub3A_320, %div3A_293 : vector<16xi1>, vector<16xi32>
    %add3A_322 = arith.constant 64 : i32
    %add3A_323 = vector.broadcast %add3A_322 : i32 to vector<16xi32>
    %add3A_324 = arith.addi %iota3A, %add3A_323 : vector<16xi32>
    %jit3A_325 = arith.constant 20 : i32
    %div3A_326 = vector.broadcast %jit3A_325 : i32 to vector<16xi32>
    %div3A_327 = arith.divsi %add3A_324, %div3A_326 : vector<16xi32>
    %sign3A_328 = arith.constant 0 : i32
    %sign3A_329 = vector.broadcast %sign3A_328 : i32 to vector<16xi32>
    %sign3A_330 = arith.cmpi sgt, %add3A_324, %sign3A_329 : vector<16xi32>
    %sign3A_331 = arith.extui %sign3A_330 : vector<16xi1> to vector<16xi32>
    %sign3A_332 = arith.constant 0 : i32
    %sign3A_333 = vector.broadcast %sign3A_332 : i32 to vector<16xi32>
    %sign3A_334 = arith.cmpi slt, %add3A_324, %sign3A_333 : vector<16xi32>
    %sign3A_335 = arith.extui %sign3A_334 : vector<16xi1> to vector<16xi32>
    %sign3A_336 = arith.subi %sign3A_331, %sign3A_335 : vector<16xi32>
    %sign3A_337 = arith.constant 0 : i32
    %sign3A_338 = arith.cmpi sgt, %jit3A_325, %sign3A_337 : i32
    %sign3A_339 = arith.extui %sign3A_338 : i1 to i32
    %sign3A_340 = arith.constant 0 : i32
    %sign3A_341 = arith.cmpi slt, %jit3A_325, %sign3A_340 : i32
    %sign3A_342 = arith.extui %sign3A_341 : i1 to i32
    %sign3A_343 = arith.subi %sign3A_339, %sign3A_342 : i32
    %ne3A_344 = vector.broadcast %sign3A_343 : i32 to vector<16xi32>
    %ne3A_345 = arith.cmpi ne, %sign3A_336, %ne3A_344 : vector<16xi32>
    %rem3A_346 = vector.broadcast %jit3A_325 : i32 to vector<16xi32>
    %rem3A_347 = arith.remsi %add3A_324, %rem3A_346 : vector<16xi32>
    %ne3A_348 = arith.constant 0 : i32
    %ne3A_349 = vector.broadcast %ne3A_348 : i32 to vector<16xi32>
    %ne3A_350 = arith.cmpi ne, %rem3A_347, %ne3A_349 : vector<16xi32>
    %and3A_351 = arith.andi %ne3A_345, %ne3A_350 : vector<16xi1>
    %sub3A_352 = arith.constant 1 : i32
    %sub3A_353 = vector.broadcast %sub3A_352 : i32 to vector<16xi32>
    %sub3A_354 = arith.subi %div3A_327, %sub3A_353 : vector<16xi32>
    %select_n3A_355 = arith.select %and3A_351, %sub3A_354, %div3A_327 : vector<16xi1>, vector<16xi32>
    %add3A_356 = arith.constant 80 : i32
    %add3A_357 = vector.broadcast %add3A_356 : i32 to vector<16xi32>
    %add3A_358 = arith.addi %iota3A, %add3A_357 : vector<16xi32>
    %jit3A_359 = arith.constant 20 : i32
    %div3A_360 = vector.broadcast %jit3A_359 : i32 to vector<16xi32>
    %div3A_361 = arith.divsi %add3A_358, %div3A_360 : vector<16xi32>
    %sign3A_362 = arith.constant 0 : i32
    %sign3A_363 = vector.broadcast %sign3A_362 : i32 to vector<16xi32>
    %sign3A_364 = arith.cmpi sgt, %add3A_358, %sign3A_363 : vector<16xi32>
    %sign3A_365 = arith.extui %sign3A_364 : vector<16xi1> to vector<16xi32>
    %sign3A_366 = arith.constant 0 : i32
    %sign3A_367 = vector.broadcast %sign3A_366 : i32 to vector<16xi32>
    %sign3A_368 = arith.cmpi slt, %add3A_358, %sign3A_367 : vector<16xi32>
    %sign3A_369 = arith.extui %sign3A_368 : vector<16xi1> to vector<16xi32>
    %sign3A_370 = arith.subi %sign3A_365, %sign3A_369 : vector<16xi32>
    %sign3A_371 = arith.constant 0 : i32
    %sign3A_372 = arith.cmpi sgt, %jit3A_359, %sign3A_371 : i32
    %sign3A_373 = arith.extui %sign3A_372 : i1 to i32
    %sign3A_374 = arith.constant 0 : i32
    %sign3A_375 = arith.cmpi slt, %jit3A_359, %sign3A_374 : i32
    %sign3A_376 = arith.extui %sign3A_375 : i1 to i32
    %sign3A_377 = arith.subi %sign3A_373, %sign3A_376 : i32
    %ne3A_378 = vector.broadcast %sign3A_377 : i32 to vector<16xi32>
    %ne3A_379 = arith.cmpi ne, %sign3A_370, %ne3A_378 : vector<16xi32>
    %rem3A_380 = vector.broadcast %jit3A_359 : i32 to vector<16xi32>
    %rem3A_381 = arith.remsi %add3A_358, %rem3A_380 : vector<16xi32>
    %ne3A_382 = arith.constant 0 : i32
    %ne3A_383 = vector.broadcast %ne3A_382 : i32 to vector<16xi32>
    %ne3A_384 = arith.cmpi ne, %rem3A_381, %ne3A_383 : vector<16xi32>
    %and3A_385 = arith.andi %ne3A_379, %ne3A_384 : vector<16xi1>
    %sub3A_386 = arith.constant 1 : i32
    %sub3A_387 = vector.broadcast %sub3A_386 : i32 to vector<16xi32>
    %sub3A_388 = arith.subi %div3A_361, %sub3A_387 : vector<16xi32>
    %select_n3A_389 = arith.select %and3A_385, %sub3A_388, %div3A_361 : vector<16xi1>, vector<16xi32>
    %add3A_390 = arith.constant 96 : i32
    %add3A_391 = vector.broadcast %add3A_390 : i32 to vector<16xi32>
    %add3A_392 = arith.addi %iota3A, %add3A_391 : vector<16xi32>
    %jit3A_393 = arith.constant 20 : i32
    %div3A_394 = vector.broadcast %jit3A_393 : i32 to vector<16xi32>
    %div3A_395 = arith.divsi %add3A_392, %div3A_394 : vector<16xi32>
    %sign3A_396 = arith.constant 0 : i32
    %sign3A_397 = vector.broadcast %sign3A_396 : i32 to vector<16xi32>
    %sign3A_398 = arith.cmpi sgt, %add3A_392, %sign3A_397 : vector<16xi32>
    %sign3A_399 = arith.extui %sign3A_398 : vector<16xi1> to vector<16xi32>
    %sign3A_400 = arith.constant 0 : i32
    %sign3A_401 = vector.broadcast %sign3A_400 : i32 to vector<16xi32>
    %sign3A_402 = arith.cmpi slt, %add3A_392, %sign3A_401 : vector<16xi32>
    %sign3A_403 = arith.extui %sign3A_402 : vector<16xi1> to vector<16xi32>
    %sign3A_404 = arith.subi %sign3A_399, %sign3A_403 : vector<16xi32>
    %sign3A_405 = arith.constant 0 : i32
    %sign3A_406 = arith.cmpi sgt, %jit3A_393, %sign3A_405 : i32
    %sign3A_407 = arith.extui %sign3A_406 : i1 to i32
    %sign3A_408 = arith.constant 0 : i32
    %sign3A_409 = arith.cmpi slt, %jit3A_393, %sign3A_408 : i32
    %sign3A_410 = arith.extui %sign3A_409 : i1 to i32
    %sign3A_411 = arith.subi %sign3A_407, %sign3A_410 : i32
    %ne3A_412 = vector.broadcast %sign3A_411 : i32 to vector<16xi32>
    %ne3A_413 = arith.cmpi ne, %sign3A_404, %ne3A_412 : vector<16xi32>
    %rem3A_414 = vector.broadcast %jit3A_393 : i32 to vector<16xi32>
    %rem3A_415 = arith.remsi %add3A_392, %rem3A_414 : vector<16xi32>
    %ne3A_416 = arith.constant 0 : i32
    %ne3A_417 = vector.broadcast %ne3A_416 : i32 to vector<16xi32>
    %ne3A_418 = arith.cmpi ne, %rem3A_415, %ne3A_417 : vector<16xi32>
    %and3A_419 = arith.andi %ne3A_413, %ne3A_418 : vector<16xi1>
    %sub3A_420 = arith.constant 1 : i32
    %sub3A_421 = vector.broadcast %sub3A_420 : i32 to vector<16xi32>
    %sub3A_422 = arith.subi %div3A_395, %sub3A_421 : vector<16xi32>
    %select_n3A_423 = arith.select %and3A_419, %sub3A_422, %div3A_395 : vector<16xi1>, vector<16xi32>
    %add3A_424 = arith.constant 112 : i32
    %add3A_425 = vector.broadcast %add3A_424 : i32 to vector<16xi32>
    %add3A_426 = arith.addi %iota3A, %add3A_425 : vector<16xi32>
    %jit3A_427 = arith.constant 20 : i32
    %div3A_428 = vector.broadcast %jit3A_427 : i32 to vector<16xi32>
    %div3A_429 = arith.divsi %add3A_426, %div3A_428 : vector<16xi32>
    %sign3A_430 = arith.constant 0 : i32
    %sign3A_431 = vector.broadcast %sign3A_430 : i32 to vector<16xi32>
    %sign3A_432 = arith.cmpi sgt, %add3A_426, %sign3A_431 : vector<16xi32>
    %sign3A_433 = arith.extui %sign3A_432 : vector<16xi1> to vector<16xi32>
    %sign3A_434 = arith.constant 0 : i32
    %sign3A_435 = vector.broadcast %sign3A_434 : i32 to vector<16xi32>
    %sign3A_436 = arith.cmpi slt, %add3A_426, %sign3A_435 : vector<16xi32>
    %sign3A_437 = arith.extui %sign3A_436 : vector<16xi1> to vector<16xi32>
    %sign3A_438 = arith.subi %sign3A_433, %sign3A_437 : vector<16xi32>
    %sign3A_439 = arith.constant 0 : i32
    %sign3A_440 = arith.cmpi sgt, %jit3A_427, %sign3A_439 : i32
    %sign3A_441 = arith.extui %sign3A_440 : i1 to i32
    %sign3A_442 = arith.constant 0 : i32
    %sign3A_443 = arith.cmpi slt, %jit3A_427, %sign3A_442 : i32
    %sign3A_444 = arith.extui %sign3A_443 : i1 to i32
    %sign3A_445 = arith.subi %sign3A_441, %sign3A_444 : i32
    %ne3A_446 = vector.broadcast %sign3A_445 : i32 to vector<16xi32>
    %ne3A_447 = arith.cmpi ne, %sign3A_438, %ne3A_446 : vector<16xi32>
    %rem3A_448 = vector.broadcast %jit3A_427 : i32 to vector<16xi32>
    %rem3A_449 = arith.remsi %add3A_426, %rem3A_448 : vector<16xi32>
    %ne3A_450 = arith.constant 0 : i32
    %ne3A_451 = vector.broadcast %ne3A_450 : i32 to vector<16xi32>
    %ne3A_452 = arith.cmpi ne, %rem3A_449, %ne3A_451 : vector<16xi32>
    %and3A_453 = arith.andi %ne3A_447, %ne3A_452 : vector<16xi1>
    %sub3A_454 = arith.constant 1 : i32
    %sub3A_455 = vector.broadcast %sub3A_454 : i32 to vector<16xi32>
    %sub3A_456 = arith.subi %div3A_429, %sub3A_455 : vector<16xi32>
    %select_n3A_457 = arith.select %and3A_453, %sub3A_456, %div3A_429 : vector<16xi1>, vector<16xi32>
    %add3A_458 = arith.constant 128 : i32
    %add3A_459 = vector.broadcast %add3A_458 : i32 to vector<16xi32>
    %add3A_460 = arith.addi %iota3A, %add3A_459 : vector<16xi32>
    %jit3A_461 = arith.constant 20 : i32
    %div3A_462 = vector.broadcast %jit3A_461 : i32 to vector<16xi32>
    %div3A_463 = arith.divsi %add3A_460, %div3A_462 : vector<16xi32>
    %sign3A_464 = arith.constant 0 : i32
    %sign3A_465 = vector.broadcast %sign3A_464 : i32 to vector<16xi32>
    %sign3A_466 = arith.cmpi sgt, %add3A_460, %sign3A_465 : vector<16xi32>
    %sign3A_467 = arith.extui %sign3A_466 : vector<16xi1> to vector<16xi32>
    %sign3A_468 = arith.constant 0 : i32
    %sign3A_469 = vector.broadcast %sign3A_468 : i32 to vector<16xi32>
    %sign3A_470 = arith.cmpi slt, %add3A_460, %sign3A_469 : vector<16xi32>
    %sign3A_471 = arith.extui %sign3A_470 : vector<16xi1> to vector<16xi32>
    %sign3A_472 = arith.subi %sign3A_467, %sign3A_471 : vector<16xi32>
    %sign3A_473 = arith.constant 0 : i32
    %sign3A_474 = arith.cmpi sgt, %jit3A_461, %sign3A_473 : i32
    %sign3A_475 = arith.extui %sign3A_474 : i1 to i32
    %sign3A_476 = arith.constant 0 : i32
    %sign3A_477 = arith.cmpi slt, %jit3A_461, %sign3A_476 : i32
    %sign3A_478 = arith.extui %sign3A_477 : i1 to i32
    %sign3A_479 = arith.subi %sign3A_475, %sign3A_478 : i32
    %ne3A_480 = vector.broadcast %sign3A_479 : i32 to vector<16xi32>
    %ne3A_481 = arith.cmpi ne, %sign3A_472, %ne3A_480 : vector<16xi32>
    %rem3A_482 = vector.broadcast %jit3A_461 : i32 to vector<16xi32>
    %rem3A_483 = arith.remsi %add3A_460, %rem3A_482 : vector<16xi32>
    %ne3A_484 = arith.constant 0 : i32
    %ne3A_485 = vector.broadcast %ne3A_484 : i32 to vector<16xi32>
    %ne3A_486 = arith.cmpi ne, %rem3A_483, %ne3A_485 : vector<16xi32>
    %and3A_487 = arith.andi %ne3A_481, %ne3A_486 : vector<16xi1>
    %sub3A_488 = arith.constant 1 : i32
    %sub3A_489 = vector.broadcast %sub3A_488 : i32 to vector<16xi32>
    %sub3A_490 = arith.subi %div3A_463, %sub3A_489 : vector<16xi32>
    %select_n3A_491 = arith.select %and3A_487, %sub3A_490, %div3A_463 : vector<16xi1>, vector<16xi32>
    %add3A_492 = arith.constant 144 : i32
    %add3A_493 = vector.broadcast %add3A_492 : i32 to vector<16xi32>
    %add3A_494 = arith.addi %iota3A, %add3A_493 : vector<16xi32>
    %jit3A_495 = arith.constant 20 : i32
    %div3A_496 = vector.broadcast %jit3A_495 : i32 to vector<16xi32>
    %div3A_497 = arith.divsi %add3A_494, %div3A_496 : vector<16xi32>
    %sign3A_498 = arith.constant 0 : i32
    %sign3A_499 = vector.broadcast %sign3A_498 : i32 to vector<16xi32>
    %sign3A_500 = arith.cmpi sgt, %add3A_494, %sign3A_499 : vector<16xi32>
    %sign3A_501 = arith.extui %sign3A_500 : vector<16xi1> to vector<16xi32>
    %sign3A_502 = arith.constant 0 : i32
    %sign3A_503 = vector.broadcast %sign3A_502 : i32 to vector<16xi32>
    %sign3A_504 = arith.cmpi slt, %add3A_494, %sign3A_503 : vector<16xi32>
    %sign3A_505 = arith.extui %sign3A_504 : vector<16xi1> to vector<16xi32>
    %sign3A_506 = arith.subi %sign3A_501, %sign3A_505 : vector<16xi32>
    %sign3A_507 = arith.constant 0 : i32
    %sign3A_508 = arith.cmpi sgt, %jit3A_495, %sign3A_507 : i32
    %sign3A_509 = arith.extui %sign3A_508 : i1 to i32
    %sign3A_510 = arith.constant 0 : i32
    %sign3A_511 = arith.cmpi slt, %jit3A_495, %sign3A_510 : i32
    %sign3A_512 = arith.extui %sign3A_511 : i1 to i32
    %sign3A_513 = arith.subi %sign3A_509, %sign3A_512 : i32
    %ne3A_514 = vector.broadcast %sign3A_513 : i32 to vector<16xi32>
    %ne3A_515 = arith.cmpi ne, %sign3A_506, %ne3A_514 : vector<16xi32>
    %rem3A_516 = vector.broadcast %jit3A_495 : i32 to vector<16xi32>
    %rem3A_517 = arith.remsi %add3A_494, %rem3A_516 : vector<16xi32>
    %ne3A_518 = arith.constant 0 : i32
    %ne3A_519 = vector.broadcast %ne3A_518 : i32 to vector<16xi32>
    %ne3A_520 = arith.cmpi ne, %rem3A_517, %ne3A_519 : vector<16xi32>
    %and3A_521 = arith.andi %ne3A_515, %ne3A_520 : vector<16xi1>
    %sub3A_522 = arith.constant 1 : i32
    %sub3A_523 = vector.broadcast %sub3A_522 : i32 to vector<16xi32>
    %sub3A_524 = arith.subi %div3A_497, %sub3A_523 : vector<16xi32>
    %select_n3A_525 = arith.select %and3A_521, %sub3A_524, %div3A_497 : vector<16xi1>, vector<16xi32>
    %add3A_526 = arith.constant 160 : i32
    %add3A_527 = vector.broadcast %add3A_526 : i32 to vector<16xi32>
    %add3A_528 = arith.addi %iota3A, %add3A_527 : vector<16xi32>
    %jit3A_529 = arith.constant 20 : i32
    %div3A_530 = vector.broadcast %jit3A_529 : i32 to vector<16xi32>
    %div3A_531 = arith.divsi %add3A_528, %div3A_530 : vector<16xi32>
    %sign3A_532 = arith.constant 0 : i32
    %sign3A_533 = vector.broadcast %sign3A_532 : i32 to vector<16xi32>
    %sign3A_534 = arith.cmpi sgt, %add3A_528, %sign3A_533 : vector<16xi32>
    %sign3A_535 = arith.extui %sign3A_534 : vector<16xi1> to vector<16xi32>
    %sign3A_536 = arith.constant 0 : i32
    %sign3A_537 = vector.broadcast %sign3A_536 : i32 to vector<16xi32>
    %sign3A_538 = arith.cmpi slt, %add3A_528, %sign3A_537 : vector<16xi32>
    %sign3A_539 = arith.extui %sign3A_538 : vector<16xi1> to vector<16xi32>
    %sign3A_540 = arith.subi %sign3A_535, %sign3A_539 : vector<16xi32>
    %sign3A_541 = arith.constant 0 : i32
    %sign3A_542 = arith.cmpi sgt, %jit3A_529, %sign3A_541 : i32
    %sign3A_543 = arith.extui %sign3A_542 : i1 to i32
    %sign3A_544 = arith.constant 0 : i32
    %sign3A_545 = arith.cmpi slt, %jit3A_529, %sign3A_544 : i32
    %sign3A_546 = arith.extui %sign3A_545 : i1 to i32
    %sign3A_547 = arith.subi %sign3A_543, %sign3A_546 : i32
    %ne3A_548 = vector.broadcast %sign3A_547 : i32 to vector<16xi32>
    %ne3A_549 = arith.cmpi ne, %sign3A_540, %ne3A_548 : vector<16xi32>
    %rem3A_550 = vector.broadcast %jit3A_529 : i32 to vector<16xi32>
    %rem3A_551 = arith.remsi %add3A_528, %rem3A_550 : vector<16xi32>
    %ne3A_552 = arith.constant 0 : i32
    %ne3A_553 = vector.broadcast %ne3A_552 : i32 to vector<16xi32>
    %ne3A_554 = arith.cmpi ne, %rem3A_551, %ne3A_553 : vector<16xi32>
    %and3A_555 = arith.andi %ne3A_549, %ne3A_554 : vector<16xi1>
    %sub3A_556 = arith.constant 1 : i32
    %sub3A_557 = vector.broadcast %sub3A_556 : i32 to vector<16xi32>
    %sub3A_558 = arith.subi %div3A_531, %sub3A_557 : vector<16xi32>
    %select_n3A_559 = arith.select %and3A_555, %sub3A_558, %div3A_531 : vector<16xi1>, vector<16xi32>
    %add3A_560 = arith.constant 176 : i32
    %add3A_561 = vector.broadcast %add3A_560 : i32 to vector<16xi32>
    %add3A_562 = arith.addi %iota3A, %add3A_561 : vector<16xi32>
    %jit3A_563 = arith.constant 20 : i32
    %div3A_564 = vector.broadcast %jit3A_563 : i32 to vector<16xi32>
    %div3A_565 = arith.divsi %add3A_562, %div3A_564 : vector<16xi32>
    %sign3A_566 = arith.constant 0 : i32
    %sign3A_567 = vector.broadcast %sign3A_566 : i32 to vector<16xi32>
    %sign3A_568 = arith.cmpi sgt, %add3A_562, %sign3A_567 : vector<16xi32>
    %sign3A_569 = arith.extui %sign3A_568 : vector<16xi1> to vector<16xi32>
    %sign3A_570 = arith.constant 0 : i32
    %sign3A_571 = vector.broadcast %sign3A_570 : i32 to vector<16xi32>
    %sign3A_572 = arith.cmpi slt, %add3A_562, %sign3A_571 : vector<16xi32>
    %sign3A_573 = arith.extui %sign3A_572 : vector<16xi1> to vector<16xi32>
    %sign3A_574 = arith.subi %sign3A_569, %sign3A_573 : vector<16xi32>
    %sign3A_575 = arith.constant 0 : i32
    %sign3A_576 = arith.cmpi sgt, %jit3A_563, %sign3A_575 : i32
    %sign3A_577 = arith.extui %sign3A_576 : i1 to i32
    %sign3A_578 = arith.constant 0 : i32
    %sign3A_579 = arith.cmpi slt, %jit3A_563, %sign3A_578 : i32
    %sign3A_580 = arith.extui %sign3A_579 : i1 to i32
    %sign3A_581 = arith.subi %sign3A_577, %sign3A_580 : i32
    %ne3A_582 = vector.broadcast %sign3A_581 : i32 to vector<16xi32>
    %ne3A_583 = arith.cmpi ne, %sign3A_574, %ne3A_582 : vector<16xi32>
    %rem3A_584 = vector.broadcast %jit3A_563 : i32 to vector<16xi32>
    %rem3A_585 = arith.remsi %add3A_562, %rem3A_584 : vector<16xi32>
    %ne3A_586 = arith.constant 0 : i32
    %ne3A_587 = vector.broadcast %ne3A_586 : i32 to vector<16xi32>
    %ne3A_588 = arith.cmpi ne, %rem3A_585, %ne3A_587 : vector<16xi32>
    %and3A_589 = arith.andi %ne3A_583, %ne3A_588 : vector<16xi1>
    %sub3A_590 = arith.constant 1 : i32
    %sub3A_591 = vector.broadcast %sub3A_590 : i32 to vector<16xi32>
    %sub3A_592 = arith.subi %div3A_565, %sub3A_591 : vector<16xi32>
    %select_n3A_593 = arith.select %and3A_589, %sub3A_592, %div3A_565 : vector<16xi1>, vector<16xi32>
    %add3A_594 = arith.constant 192 : i32
    %add3A_595 = vector.broadcast %add3A_594 : i32 to vector<16xi32>
    %add3A_596 = arith.addi %iota3A, %add3A_595 : vector<16xi32>
    %jit3A_597 = arith.constant 20 : i32
    %div3A_598 = vector.broadcast %jit3A_597 : i32 to vector<16xi32>
    %div3A_599 = arith.divsi %add3A_596, %div3A_598 : vector<16xi32>
    %sign3A_600 = arith.constant 0 : i32
    %sign3A_601 = vector.broadcast %sign3A_600 : i32 to vector<16xi32>
    %sign3A_602 = arith.cmpi sgt, %add3A_596, %sign3A_601 : vector<16xi32>
    %sign3A_603 = arith.extui %sign3A_602 : vector<16xi1> to vector<16xi32>
    %sign3A_604 = arith.constant 0 : i32
    %sign3A_605 = vector.broadcast %sign3A_604 : i32 to vector<16xi32>
    %sign3A_606 = arith.cmpi slt, %add3A_596, %sign3A_605 : vector<16xi32>
    %sign3A_607 = arith.extui %sign3A_606 : vector<16xi1> to vector<16xi32>
    %sign3A_608 = arith.subi %sign3A_603, %sign3A_607 : vector<16xi32>
    %sign3A_609 = arith.constant 0 : i32
    %sign3A_610 = arith.cmpi sgt, %jit3A_597, %sign3A_609 : i32
    %sign3A_611 = arith.extui %sign3A_610 : i1 to i32
    %sign3A_612 = arith.constant 0 : i32
    %sign3A_613 = arith.cmpi slt, %jit3A_597, %sign3A_612 : i32
    %sign3A_614 = arith.extui %sign3A_613 : i1 to i32
    %sign3A_615 = arith.subi %sign3A_611, %sign3A_614 : i32
    %ne3A_616 = vector.broadcast %sign3A_615 : i32 to vector<16xi32>
    %ne3A_617 = arith.cmpi ne, %sign3A_608, %ne3A_616 : vector<16xi32>
    %rem3A_618 = vector.broadcast %jit3A_597 : i32 to vector<16xi32>
    %rem3A_619 = arith.remsi %add3A_596, %rem3A_618 : vector<16xi32>
    %ne3A_620 = arith.constant 0 : i32
    %ne3A_621 = vector.broadcast %ne3A_620 : i32 to vector<16xi32>
    %ne3A_622 = arith.cmpi ne, %rem3A_619, %ne3A_621 : vector<16xi32>
    %and3A_623 = arith.andi %ne3A_617, %ne3A_622 : vector<16xi1>
    %sub3A_624 = arith.constant 1 : i32
    %sub3A_625 = vector.broadcast %sub3A_624 : i32 to vector<16xi32>
    %sub3A_626 = arith.subi %div3A_599, %sub3A_625 : vector<16xi32>
    %select_n3A_627 = arith.select %and3A_623, %sub3A_626, %div3A_599 : vector<16xi1>, vector<16xi32>
    %add3A_628 = arith.constant 208 : i32
    %add3A_629 = vector.broadcast %add3A_628 : i32 to vector<16xi32>
    %add3A_630 = arith.addi %iota3A, %add3A_629 : vector<16xi32>
    %jit3A_631 = arith.constant 20 : i32
    %div3A_632 = vector.broadcast %jit3A_631 : i32 to vector<16xi32>
    %div3A_633 = arith.divsi %add3A_630, %div3A_632 : vector<16xi32>
    %sign3A_634 = arith.constant 0 : i32
    %sign3A_635 = vector.broadcast %sign3A_634 : i32 to vector<16xi32>
    %sign3A_636 = arith.cmpi sgt, %add3A_630, %sign3A_635 : vector<16xi32>
    %sign3A_637 = arith.extui %sign3A_636 : vector<16xi1> to vector<16xi32>
    %sign3A_638 = arith.constant 0 : i32
    %sign3A_639 = vector.broadcast %sign3A_638 : i32 to vector<16xi32>
    %sign3A_640 = arith.cmpi slt, %add3A_630, %sign3A_639 : vector<16xi32>
    %sign3A_641 = arith.extui %sign3A_640 : vector<16xi1> to vector<16xi32>
    %sign3A_642 = arith.subi %sign3A_637, %sign3A_641 : vector<16xi32>
    %sign3A_643 = arith.constant 0 : i32
    %sign3A_644 = arith.cmpi sgt, %jit3A_631, %sign3A_643 : i32
    %sign3A_645 = arith.extui %sign3A_644 : i1 to i32
    %sign3A_646 = arith.constant 0 : i32
    %sign3A_647 = arith.cmpi slt, %jit3A_631, %sign3A_646 : i32
    %sign3A_648 = arith.extui %sign3A_647 : i1 to i32
    %sign3A_649 = arith.subi %sign3A_645, %sign3A_648 : i32
    %ne3A_650 = vector.broadcast %sign3A_649 : i32 to vector<16xi32>
    %ne3A_651 = arith.cmpi ne, %sign3A_642, %ne3A_650 : vector<16xi32>
    %rem3A_652 = vector.broadcast %jit3A_631 : i32 to vector<16xi32>
    %rem3A_653 = arith.remsi %add3A_630, %rem3A_652 : vector<16xi32>
    %ne3A_654 = arith.constant 0 : i32
    %ne3A_655 = vector.broadcast %ne3A_654 : i32 to vector<16xi32>
    %ne3A_656 = arith.cmpi ne, %rem3A_653, %ne3A_655 : vector<16xi32>
    %and3A_657 = arith.andi %ne3A_651, %ne3A_656 : vector<16xi1>
    %sub3A_658 = arith.constant 1 : i32
    %sub3A_659 = vector.broadcast %sub3A_658 : i32 to vector<16xi32>
    %sub3A_660 = arith.subi %div3A_633, %sub3A_659 : vector<16xi32>
    %select_n3A_661 = arith.select %and3A_657, %sub3A_660, %div3A_633 : vector<16xi1>, vector<16xi32>
    %add3A_662 = arith.constant 224 : i32
    %add3A_663 = vector.broadcast %add3A_662 : i32 to vector<16xi32>
    %add3A_664 = arith.addi %iota3A, %add3A_663 : vector<16xi32>
    %jit3A_665 = arith.constant 20 : i32
    %div3A_666 = vector.broadcast %jit3A_665 : i32 to vector<16xi32>
    %div3A_667 = arith.divsi %add3A_664, %div3A_666 : vector<16xi32>
    %sign3A_668 = arith.constant 0 : i32
    %sign3A_669 = vector.broadcast %sign3A_668 : i32 to vector<16xi32>
    %sign3A_670 = arith.cmpi sgt, %add3A_664, %sign3A_669 : vector<16xi32>
    %sign3A_671 = arith.extui %sign3A_670 : vector<16xi1> to vector<16xi32>
    %sign3A_672 = arith.constant 0 : i32
    %sign3A_673 = vector.broadcast %sign3A_672 : i32 to vector<16xi32>
    %sign3A_674 = arith.cmpi slt, %add3A_664, %sign3A_673 : vector<16xi32>
    %sign3A_675 = arith.extui %sign3A_674 : vector<16xi1> to vector<16xi32>
    %sign3A_676 = arith.subi %sign3A_671, %sign3A_675 : vector<16xi32>
    %sign3A_677 = arith.constant 0 : i32
    %sign3A_678 = arith.cmpi sgt, %jit3A_665, %sign3A_677 : i32
    %sign3A_679 = arith.extui %sign3A_678 : i1 to i32
    %sign3A_680 = arith.constant 0 : i32
    %sign3A_681 = arith.cmpi slt, %jit3A_665, %sign3A_680 : i32
    %sign3A_682 = arith.extui %sign3A_681 : i1 to i32
    %sign3A_683 = arith.subi %sign3A_679, %sign3A_682 : i32
    %ne3A_684 = vector.broadcast %sign3A_683 : i32 to vector<16xi32>
    %ne3A_685 = arith.cmpi ne, %sign3A_676, %ne3A_684 : vector<16xi32>
    %rem3A_686 = vector.broadcast %jit3A_665 : i32 to vector<16xi32>
    %rem3A_687 = arith.remsi %add3A_664, %rem3A_686 : vector<16xi32>
    %ne3A_688 = arith.constant 0 : i32
    %ne3A_689 = vector.broadcast %ne3A_688 : i32 to vector<16xi32>
    %ne3A_690 = arith.cmpi ne, %rem3A_687, %ne3A_689 : vector<16xi32>
    %and3A_691 = arith.andi %ne3A_685, %ne3A_690 : vector<16xi1>
    %sub3A_692 = arith.constant 1 : i32
    %sub3A_693 = vector.broadcast %sub3A_692 : i32 to vector<16xi32>
    %sub3A_694 = arith.subi %div3A_667, %sub3A_693 : vector<16xi32>
    %select_n3A_695 = arith.select %and3A_691, %sub3A_694, %div3A_667 : vector<16xi1>, vector<16xi32>
    %add3A_696 = arith.constant 240 : i32
    %add3A_697 = vector.broadcast %add3A_696 : i32 to vector<16xi32>
    %add3A_698 = arith.addi %iota3A, %add3A_697 : vector<16xi32>
    %jit3A_699 = arith.constant 20 : i32
    %div3A_700 = vector.broadcast %jit3A_699 : i32 to vector<16xi32>
    %div3A_701 = arith.divsi %add3A_698, %div3A_700 : vector<16xi32>
    %sign3A_702 = arith.constant 0 : i32
    %sign3A_703 = vector.broadcast %sign3A_702 : i32 to vector<16xi32>
    %sign3A_704 = arith.cmpi sgt, %add3A_698, %sign3A_703 : vector<16xi32>
    %sign3A_705 = arith.extui %sign3A_704 : vector<16xi1> to vector<16xi32>
    %sign3A_706 = arith.constant 0 : i32
    %sign3A_707 = vector.broadcast %sign3A_706 : i32 to vector<16xi32>
    %sign3A_708 = arith.cmpi slt, %add3A_698, %sign3A_707 : vector<16xi32>
    %sign3A_709 = arith.extui %sign3A_708 : vector<16xi1> to vector<16xi32>
    %sign3A_710 = arith.subi %sign3A_705, %sign3A_709 : vector<16xi32>
    %sign3A_711 = arith.constant 0 : i32
    %sign3A_712 = arith.cmpi sgt, %jit3A_699, %sign3A_711 : i32
    %sign3A_713 = arith.extui %sign3A_712 : i1 to i32
    %sign3A_714 = arith.constant 0 : i32
    %sign3A_715 = arith.cmpi slt, %jit3A_699, %sign3A_714 : i32
    %sign3A_716 = arith.extui %sign3A_715 : i1 to i32
    %sign3A_717 = arith.subi %sign3A_713, %sign3A_716 : i32
    %ne3A_718 = vector.broadcast %sign3A_717 : i32 to vector<16xi32>
    %ne3A_719 = arith.cmpi ne, %sign3A_710, %ne3A_718 : vector<16xi32>
    %rem3A_720 = vector.broadcast %jit3A_699 : i32 to vector<16xi32>
    %rem3A_721 = arith.remsi %add3A_698, %rem3A_720 : vector<16xi32>
    %ne3A_722 = arith.constant 0 : i32
    %ne3A_723 = vector.broadcast %ne3A_722 : i32 to vector<16xi32>
    %ne3A_724 = arith.cmpi ne, %rem3A_721, %ne3A_723 : vector<16xi32>
    %and3A_725 = arith.andi %ne3A_719, %ne3A_724 : vector<16xi1>
    %sub3A_726 = arith.constant 1 : i32
    %sub3A_727 = vector.broadcast %sub3A_726 : i32 to vector<16xi32>
    %sub3A_728 = arith.subi %div3A_701, %sub3A_727 : vector<16xi32>
    %select_n3A_729 = arith.select %and3A_725, %sub3A_728, %div3A_701 : vector<16xi1>, vector<16xi32>
    %add3A_730 = arith.constant 256 : i32
    %add3A_731 = vector.broadcast %add3A_730 : i32 to vector<16xi32>
    %add3A_732 = arith.addi %iota3A, %add3A_731 : vector<16xi32>
    %jit3A_733 = arith.constant 20 : i32
    %div3A_734 = vector.broadcast %jit3A_733 : i32 to vector<16xi32>
    %div3A_735 = arith.divsi %add3A_732, %div3A_734 : vector<16xi32>
    %sign3A_736 = arith.constant 0 : i32
    %sign3A_737 = vector.broadcast %sign3A_736 : i32 to vector<16xi32>
    %sign3A_738 = arith.cmpi sgt, %add3A_732, %sign3A_737 : vector<16xi32>
    %sign3A_739 = arith.extui %sign3A_738 : vector<16xi1> to vector<16xi32>
    %sign3A_740 = arith.constant 0 : i32
    %sign3A_741 = vector.broadcast %sign3A_740 : i32 to vector<16xi32>
    %sign3A_742 = arith.cmpi slt, %add3A_732, %sign3A_741 : vector<16xi32>
    %sign3A_743 = arith.extui %sign3A_742 : vector<16xi1> to vector<16xi32>
    %sign3A_744 = arith.subi %sign3A_739, %sign3A_743 : vector<16xi32>
    %sign3A_745 = arith.constant 0 : i32
    %sign3A_746 = arith.cmpi sgt, %jit3A_733, %sign3A_745 : i32
    %sign3A_747 = arith.extui %sign3A_746 : i1 to i32
    %sign3A_748 = arith.constant 0 : i32
    %sign3A_749 = arith.cmpi slt, %jit3A_733, %sign3A_748 : i32
    %sign3A_750 = arith.extui %sign3A_749 : i1 to i32
    %sign3A_751 = arith.subi %sign3A_747, %sign3A_750 : i32
    %ne3A_752 = vector.broadcast %sign3A_751 : i32 to vector<16xi32>
    %ne3A_753 = arith.cmpi ne, %sign3A_744, %ne3A_752 : vector<16xi32>
    %rem3A_754 = vector.broadcast %jit3A_733 : i32 to vector<16xi32>
    %rem3A_755 = arith.remsi %add3A_732, %rem3A_754 : vector<16xi32>
    %ne3A_756 = arith.constant 0 : i32
    %ne3A_757 = vector.broadcast %ne3A_756 : i32 to vector<16xi32>
    %ne3A_758 = arith.cmpi ne, %rem3A_755, %ne3A_757 : vector<16xi32>
    %and3A_759 = arith.andi %ne3A_753, %ne3A_758 : vector<16xi1>
    %sub3A_760 = arith.constant 1 : i32
    %sub3A_761 = vector.broadcast %sub3A_760 : i32 to vector<16xi32>
    %sub3A_762 = arith.subi %div3A_735, %sub3A_761 : vector<16xi32>
    %select_n3A_763 = arith.select %and3A_759, %sub3A_762, %div3A_735 : vector<16xi1>, vector<16xi32>
    %add3A_764 = arith.constant 272 : i32
    %add3A_765 = vector.broadcast %add3A_764 : i32 to vector<16xi32>
    %add3A_766 = arith.addi %iota3A, %add3A_765 : vector<16xi32>
    %jit3A_767 = arith.constant 20 : i32
    %div3A_768 = vector.broadcast %jit3A_767 : i32 to vector<16xi32>
    %div3A_769 = arith.divsi %add3A_766, %div3A_768 : vector<16xi32>
    %sign3A_770 = arith.constant 0 : i32
    %sign3A_771 = vector.broadcast %sign3A_770 : i32 to vector<16xi32>
    %sign3A_772 = arith.cmpi sgt, %add3A_766, %sign3A_771 : vector<16xi32>
    %sign3A_773 = arith.extui %sign3A_772 : vector<16xi1> to vector<16xi32>
    %sign3A_774 = arith.constant 0 : i32
    %sign3A_775 = vector.broadcast %sign3A_774 : i32 to vector<16xi32>
    %sign3A_776 = arith.cmpi slt, %add3A_766, %sign3A_775 : vector<16xi32>
    %sign3A_777 = arith.extui %sign3A_776 : vector<16xi1> to vector<16xi32>
    %sign3A_778 = arith.subi %sign3A_773, %sign3A_777 : vector<16xi32>
    %sign3A_779 = arith.constant 0 : i32
    %sign3A_780 = arith.cmpi sgt, %jit3A_767, %sign3A_779 : i32
    %sign3A_781 = arith.extui %sign3A_780 : i1 to i32
    %sign3A_782 = arith.constant 0 : i32
    %sign3A_783 = arith.cmpi slt, %jit3A_767, %sign3A_782 : i32
    %sign3A_784 = arith.extui %sign3A_783 : i1 to i32
    %sign3A_785 = arith.subi %sign3A_781, %sign3A_784 : i32
    %ne3A_786 = vector.broadcast %sign3A_785 : i32 to vector<16xi32>
    %ne3A_787 = arith.cmpi ne, %sign3A_778, %ne3A_786 : vector<16xi32>
    %rem3A_788 = vector.broadcast %jit3A_767 : i32 to vector<16xi32>
    %rem3A_789 = arith.remsi %add3A_766, %rem3A_788 : vector<16xi32>
    %ne3A_790 = arith.constant 0 : i32
    %ne3A_791 = vector.broadcast %ne3A_790 : i32 to vector<16xi32>
    %ne3A_792 = arith.cmpi ne, %rem3A_789, %ne3A_791 : vector<16xi32>
    %and3A_793 = arith.andi %ne3A_787, %ne3A_792 : vector<16xi1>
    %sub3A_794 = arith.constant 1 : i32
    %sub3A_795 = vector.broadcast %sub3A_794 : i32 to vector<16xi32>
    %sub3A_796 = arith.subi %div3A_769, %sub3A_795 : vector<16xi32>
    %select_n3A_797 = arith.select %and3A_793, %sub3A_796, %div3A_769 : vector<16xi1>, vector<16xi32>
    %add3A_798 = arith.constant 288 : i32
    %add3A_799 = vector.broadcast %add3A_798 : i32 to vector<16xi32>
    %add3A_800 = arith.addi %iota3A, %add3A_799 : vector<16xi32>
    %jit3A_801 = arith.constant 20 : i32
    %div3A_802 = vector.broadcast %jit3A_801 : i32 to vector<16xi32>
    %div3A_803 = arith.divsi %add3A_800, %div3A_802 : vector<16xi32>
    %sign3A_804 = arith.constant 0 : i32
    %sign3A_805 = vector.broadcast %sign3A_804 : i32 to vector<16xi32>
    %sign3A_806 = arith.cmpi sgt, %add3A_800, %sign3A_805 : vector<16xi32>
    %sign3A_807 = arith.extui %sign3A_806 : vector<16xi1> to vector<16xi32>
    %sign3A_808 = arith.constant 0 : i32
    %sign3A_809 = vector.broadcast %sign3A_808 : i32 to vector<16xi32>
    %sign3A_810 = arith.cmpi slt, %add3A_800, %sign3A_809 : vector<16xi32>
    %sign3A_811 = arith.extui %sign3A_810 : vector<16xi1> to vector<16xi32>
    %sign3A_812 = arith.subi %sign3A_807, %sign3A_811 : vector<16xi32>
    %sign3A_813 = arith.constant 0 : i32
    %sign3A_814 = arith.cmpi sgt, %jit3A_801, %sign3A_813 : i32
    %sign3A_815 = arith.extui %sign3A_814 : i1 to i32
    %sign3A_816 = arith.constant 0 : i32
    %sign3A_817 = arith.cmpi slt, %jit3A_801, %sign3A_816 : i32
    %sign3A_818 = arith.extui %sign3A_817 : i1 to i32
    %sign3A_819 = arith.subi %sign3A_815, %sign3A_818 : i32
    %ne3A_820 = vector.broadcast %sign3A_819 : i32 to vector<16xi32>
    %ne3A_821 = arith.cmpi ne, %sign3A_812, %ne3A_820 : vector<16xi32>
    %rem3A_822 = vector.broadcast %jit3A_801 : i32 to vector<16xi32>
    %rem3A_823 = arith.remsi %add3A_800, %rem3A_822 : vector<16xi32>
    %ne3A_824 = arith.constant 0 : i32
    %ne3A_825 = vector.broadcast %ne3A_824 : i32 to vector<16xi32>
    %ne3A_826 = arith.cmpi ne, %rem3A_823, %ne3A_825 : vector<16xi32>
    %and3A_827 = arith.andi %ne3A_821, %ne3A_826 : vector<16xi1>
    %sub3A_828 = arith.constant 1 : i32
    %sub3A_829 = vector.broadcast %sub3A_828 : i32 to vector<16xi32>
    %sub3A_830 = arith.subi %div3A_803, %sub3A_829 : vector<16xi32>
    %select_n3A_831 = arith.select %and3A_827, %sub3A_830, %div3A_803 : vector<16xi1>, vector<16xi32>
    %add3A_832 = arith.constant 304 : i32
    %add3A_833 = vector.broadcast %add3A_832 : i32 to vector<16xi32>
    %add3A_834 = arith.addi %iota3A, %add3A_833 : vector<16xi32>
    %jit3A_835 = arith.constant 20 : i32
    %div3A_836 = vector.broadcast %jit3A_835 : i32 to vector<16xi32>
    %div3A_837 = arith.divsi %add3A_834, %div3A_836 : vector<16xi32>
    %sign3A_838 = arith.constant 0 : i32
    %sign3A_839 = vector.broadcast %sign3A_838 : i32 to vector<16xi32>
    %sign3A_840 = arith.cmpi sgt, %add3A_834, %sign3A_839 : vector<16xi32>
    %sign3A_841 = arith.extui %sign3A_840 : vector<16xi1> to vector<16xi32>
    %sign3A_842 = arith.constant 0 : i32
    %sign3A_843 = vector.broadcast %sign3A_842 : i32 to vector<16xi32>
    %sign3A_844 = arith.cmpi slt, %add3A_834, %sign3A_843 : vector<16xi32>
    %sign3A_845 = arith.extui %sign3A_844 : vector<16xi1> to vector<16xi32>
    %sign3A_846 = arith.subi %sign3A_841, %sign3A_845 : vector<16xi32>
    %sign3A_847 = arith.constant 0 : i32
    %sign3A_848 = arith.cmpi sgt, %jit3A_835, %sign3A_847 : i32
    %sign3A_849 = arith.extui %sign3A_848 : i1 to i32
    %sign3A_850 = arith.constant 0 : i32
    %sign3A_851 = arith.cmpi slt, %jit3A_835, %sign3A_850 : i32
    %sign3A_852 = arith.extui %sign3A_851 : i1 to i32
    %sign3A_853 = arith.subi %sign3A_849, %sign3A_852 : i32
    %ne3A_854 = vector.broadcast %sign3A_853 : i32 to vector<16xi32>
    %ne3A_855 = arith.cmpi ne, %sign3A_846, %ne3A_854 : vector<16xi32>
    %rem3A_856 = vector.broadcast %jit3A_835 : i32 to vector<16xi32>
    %rem3A_857 = arith.remsi %add3A_834, %rem3A_856 : vector<16xi32>
    %ne3A_858 = arith.constant 0 : i32
    %ne3A_859 = vector.broadcast %ne3A_858 : i32 to vector<16xi32>
    %ne3A_860 = arith.cmpi ne, %rem3A_857, %ne3A_859 : vector<16xi32>
    %and3A_861 = arith.andi %ne3A_855, %ne3A_860 : vector<16xi1>
    %sub3A_862 = arith.constant 1 : i32
    %sub3A_863 = vector.broadcast %sub3A_862 : i32 to vector<16xi32>
    %sub3A_864 = arith.subi %div3A_837, %sub3A_863 : vector<16xi32>
    %select_n3A_865 = arith.select %and3A_861, %sub3A_864, %div3A_837 : vector<16xi1>, vector<16xi32>
    %jit3A_866 = arith.constant 16 : i32
    %div3A_867 = arith.divsi %select_n3A_38, %jit3A_866 : i32
    %sign3A_868 = arith.constant 0 : i32
    %sign3A_869 = arith.cmpi sgt, %select_n3A_38, %sign3A_868 : i32
    %sign3A_870 = arith.extui %sign3A_869 : i1 to i32
    %sign3A_871 = arith.constant 0 : i32
    %sign3A_872 = arith.cmpi slt, %select_n3A_38, %sign3A_871 : i32
    %sign3A_873 = arith.extui %sign3A_872 : i1 to i32
    %sign3A_874 = arith.subi %sign3A_870, %sign3A_873 : i32
    %sign3A_875 = arith.constant 0 : i32
    %sign3A_876 = arith.cmpi sgt, %jit3A_866, %sign3A_875 : i32
    %sign3A_877 = arith.extui %sign3A_876 : i1 to i32
    %sign3A_878 = arith.constant 0 : i32
    %sign3A_879 = arith.cmpi slt, %jit3A_866, %sign3A_878 : i32
    %sign3A_880 = arith.extui %sign3A_879 : i1 to i32
    %sign3A_881 = arith.subi %sign3A_877, %sign3A_880 : i32
    %ne3A_882 = arith.cmpi ne, %sign3A_874, %sign3A_881 : i32
    %rem3A_883 = arith.remsi %select_n3A_38, %jit3A_866 : i32
    %ne3A_884 = arith.constant 0 : i32
    %ne3A_885 = arith.cmpi ne, %rem3A_883, %ne3A_884 : i32
    %and3A_886 = arith.andi %ne3A_882, %ne3A_885 : i1
    %sub3A_887 = arith.constant 1 : i32
    %sub3A_888 = arith.subi %div3A_867, %sub3A_887 : i32
    %select_n3A_889 = arith.select %and3A_886, %sub3A_888, %div3A_867 : i32
    %while3A_890 = arith.constant 0 : i32
    %while3A_891 = arith.constant 0 : i32
    %while3A_892 = arith.subi %select_n3A_889, %while3A_891 : i32
    %while3A_893 = arith.addi %while3A_891, %while3A_892 : i32
    %while3A_894 = arith.constant 1 : i32
    %while3A_895 = arith.divsi %while3A_892, %while3A_894 : i32
    %while3A_896 = arith.muli %while3A_895, %while3A_894 : i32
    %while3A_897 = arith.addi %while3A_891, %while3A_896 : i32
    %while3A_898 = arith.constant 1 : i32
    scf.for %while3A_910 = %while3A_891 to %while3A_897 step %while3A_898  : i32 {
      %mul3A_911 = arith.constant 16 : i32
      %mul3A_912 = arith.muli %while3A_910, %mul3A_911 : i32
      %add3A_913 = vector.broadcast %mul3A_912 : i32 to vector<16xi32>
      %add3A_914 = arith.addi %select_n3A_219, %add3A_913 : vector<16xi32>
      %gather3A = tpu.vector_load_idx %arg7[%add3A_914] : memref<2192xf32, #tpu.memory_space<vmem>>[vector<16xi32>], vector<16xf32>,
      %mul3A_915 = arith.constant 320 : i32
      %mul3A_916 = arith.muli %while3A_910, %mul3A_915 : i32
      %add3A_917 = arith.constant 0 : i32
      %add3A_918 = arith.addi %mul3A_916, %add3A_917 : i32
      %add3A_919 = vector.broadcast %add3A_918 : i32 to vector<16xi32>
      %add3A_920 = arith.addi %iota3A, %add3A_919 : vector<16xi32>
      tpu.vector_store_idx %arg6[%add3A_920], %gather3A : memref<43840xf32, #tpu.memory_space<vmem>>[vector<16xi32>], vector<16xf32>,
      %mul3A_921 = arith.constant 16 : i32
      %mul3A_922 = arith.muli %while3A_910, %mul3A_921 : i32
      %add3A_923 = vector.broadcast %mul3A_922 : i32 to vector<16xi32>
      %add3A_924 = arith.addi %select_n3A_253, %add3A_923 : vector<16xi32>
      %gather3A_925 = tpu.vector_load_idx %arg7[%add3A_924] : memref<2192xf32, #tpu.memory_space<vmem>>[vector<16xi32>], vector<16xf32>,
      %mul3A_926 = arith.constant 320 : i32
      %mul3A_927 = arith.muli %while3A_910, %mul3A_926 : i32
      %add3A_928 = arith.constant 16 : i32
      %add3A_929 = arith.addi %mul3A_927, %add3A_928 : i32
      %add3A_930 = vector.broadcast %add3A_929 : i32 to vector<16xi32>
      %add3A_931 = arith.addi %iota3A, %add3A_930 : vector<16xi32>
      tpu.vector_store_idx %arg6[%add3A_931], %gather3A_925 : memref<43840xf32, #tpu.memory_space<vmem>>[vector<16xi32>], vector<16xf32>,
      %mul3A_932 = arith.constant 16 : i32
      %mul3A_933 = arith.muli %while3A_910, %mul3A_932 : i32
      %add3A_934 = vector.broadcast %mul3A_933 : i32 to vector<16xi32>
      %add3A_935 = arith.addi %select_n3A_287, %add3A_934 : vector<16xi32>
      %gather3A_936 = tpu.vector_load_idx %arg7[%add3A_935] : memref<2192xf32, #tpu.memory_space<vmem>>[vector<16xi32>], vector<16xf32>,
      %mul3A_937 = arith.constant 320 : i32
      %mul3A_938 = arith.muli %while3A_910, %mul3A_937 : i32
      %add3A_939 = arith.constant 32 : i32
      %add3A_940 = arith.addi %mul3A_938, %add3A_939 : i32
      %add3A_941 = vector.broadcast %add3A_940 : i32 to vector<16xi32>
      %add3A_942 = arith.addi %iota3A, %add3A_941 : vector<16xi32>
      tpu.vector_store_idx %arg6[%add3A_942], %gather3A_936 : memref<43840xf32, #tpu.memory_space<vmem>>[vector<16xi32>], vector<16xf32>,
      %mul3A_943 = arith.constant 16 : i32
      %mul3A_944 = arith.muli %while3A_910, %mul3A_943 : i32
      %add3A_945 = vector.broadcast %mul3A_944 : i32 to vector<16xi32>
      %add3A_946 = arith.addi %select_n3A_321, %add3A_945 : vector<16xi32>
      %gather3A_947 = tpu.vector_load_idx %arg7[%add3A_946] : memref<2192xf32, #tpu.memory_space<vmem>>[vector<16xi32>], vector<16xf32>,
      %mul3A_948 = arith.constant 320 : i32
      %mul3A_949 = arith.muli %while3A_910, %mul3A_948 : i32
      %add3A_950 = arith.constant 48 : i32
      %add3A_951 = arith.addi %mul3A_949, %add3A_950 : i32
      %add3A_952 = vector.broadcast %add3A_951 : i32 to vector<16xi32>
      %add3A_953 = arith.addi %iota3A, %add3A_952 : vector<16xi32>
      tpu.vector_store_idx %arg6[%add3A_953], %gather3A_947 : memref<43840xf32, #tpu.memory_space<vmem>>[vector<16xi32>], vector<16xf32>,
      %mul3A_954 = arith.constant 16 : i32
      %mul3A_955 = arith.muli %while3A_910, %mul3A_954 : i32
      %add3A_956 = vector.broadcast %mul3A_955 : i32 to vector<16xi32>
      %add3A_957 = arith.addi %select_n3A_355, %add3A_956 : vector<16xi32>
      %gather3A_958 = tpu.vector_load_idx %arg7[%add3A_957] : memref<2192xf32, #tpu.memory_space<vmem>>[vector<16xi32>], vector<16xf32>,
      %mul3A_959 = arith.constant 320 : i32
      %mul3A_960 = arith.muli %while3A_910, %mul3A_959 : i32
      %add3A_961 = arith.constant 64 : i32
      %add3A_962 = arith.addi %mul3A_960, %add3A_961 : i32
      %add3A_963 = vector.broadcast %add3A_962 : i32 to vector<16xi32>
      %add3A_964 = arith.addi %iota3A, %add3A_963 : vector<16xi32>
      tpu.vector_store_idx %arg6[%add3A_964], %gather3A_958 : memref<43840xf32, #tpu.memory_space<vmem>>[vector<16xi32>], vector<16xf32>,
      %mul3A_965 = arith.constant 16 : i32
      %mul3A_966 = arith.muli %while3A_910, %mul3A_965 : i32
      %add3A_967 = vector.broadcast %mul3A_966 : i32 to vector<16xi32>
      %add3A_968 = arith.addi %select_n3A_389, %add3A_967 : vector<16xi32>
      %gather3A_969 = tpu.vector_load_idx %arg7[%add3A_968] : memref<2192xf32, #tpu.memory_space<vmem>>[vector<16xi32>], vector<16xf32>,
      %mul3A_970 = arith.constant 320 : i32
      %mul3A_971 = arith.muli %while3A_910, %mul3A_970 : i32
      %add3A_972 = arith.constant 80 : i32
      %add3A_973 = arith.addi %mul3A_971, %add3A_972 : i32
      %add3A_974 = vector.broadcast %add3A_973 : i32 to vector<16xi32>
      %add3A_975 = arith.addi %iota3A, %add3A_974 : vector<16xi32>
      tpu.vector_store_idx %arg6[%add3A_975], %gather3A_969 : memref<43840xf32, #tpu.memory_space<vmem>>[vector<16xi32>], vector<16xf32>,
      %mul3A_976 = arith.constant 16 : i32
      %mul3A_977 = arith.muli %while3A_910, %mul3A_976 : i32
      %add3A_978 = vector.broadcast %mul3A_977 : i32 to vector<16xi32>
      %add3A_979 = arith.addi %select_n3A_423, %add3A_978 : vector<16xi32>
      %gather3A_980 = tpu.vector_load_idx %arg7[%add3A_979] : memref<2192xf32, #tpu.memory_space<vmem>>[vector<16xi32>], vector<16xf32>,
      %mul3A_981 = arith.constant 320 : i32
      %mul3A_982 = arith.muli %while3A_910, %mul3A_981 : i32
      %add3A_983 = arith.constant 96 : i32
      %add3A_984 = arith.addi %mul3A_982, %add3A_983 : i32
      %add3A_985 = vector.broadcast %add3A_984 : i32 to vector<16xi32>
      %add3A_986 = arith.addi %iota3A, %add3A_985 : vector<16xi32>
      tpu.vector_store_idx %arg6[%add3A_986], %gather3A_980 : memref<43840xf32, #tpu.memory_space<vmem>>[vector<16xi32>], vector<16xf32>,
      %mul3A_987 = arith.constant 16 : i32
      %mul3A_988 = arith.muli %while3A_910, %mul3A_987 : i32
      %add3A_989 = vector.broadcast %mul3A_988 : i32 to vector<16xi32>
      %add3A_990 = arith.addi %select_n3A_457, %add3A_989 : vector<16xi32>
      %gather3A_991 = tpu.vector_load_idx %arg7[%add3A_990] : memref<2192xf32, #tpu.memory_space<vmem>>[vector<16xi32>], vector<16xf32>,
      %mul3A_992 = arith.constant 320 : i32
      %mul3A_993 = arith.muli %while3A_910, %mul3A_992 : i32
      %add3A_994 = arith.constant 112 : i32
      %add3A_995 = arith.addi %mul3A_993, %add3A_994 : i32
      %add3A_996 = vector.broadcast %add3A_995 : i32 to vector<16xi32>
      %add3A_997 = arith.addi %iota3A, %add3A_996 : vector<16xi32>
      tpu.vector_store_idx %arg6[%add3A_997], %gather3A_991 : memref<43840xf32, #tpu.memory_space<vmem>>[vector<16xi32>], vector<16xf32>,
      %mul3A_998 = arith.constant 16 : i32
      %mul3A_999 = arith.muli %while3A_910, %mul3A_998 : i32
      %add3A_1000 = vector.broadcast %mul3A_999 : i32 to vector<16xi32>
      %add3A_1001 = arith.addi %select_n3A_491, %add3A_1000 : vector<16xi32>
      %gather3A_1002 = tpu.vector_load_idx %arg7[%add3A_1001] : memref<2192xf32, #tpu.memory_space<vmem>>[vector<16xi32>], vector<16xf32>,
      %mul3A_1003 = arith.constant 320 : i32
      %mul3A_1004 = arith.muli %while3A_910, %mul3A_1003 : i32
      %add3A_1005 = arith.constant 128 : i32
      %add3A_1006 = arith.addi %mul3A_1004, %add3A_1005 : i32
      %add3A_1007 = vector.broadcast %add3A_1006 : i32 to vector<16xi32>
      %add3A_1008 = arith.addi %iota3A, %add3A_1007 : vector<16xi32>
      tpu.vector_store_idx %arg6[%add3A_1008], %gather3A_1002 : memref<43840xf32, #tpu.memory_space<vmem>>[vector<16xi32>], vector<16xf32>,
      %mul3A_1009 = arith.constant 16 : i32
      %mul3A_1010 = arith.muli %while3A_910, %mul3A_1009 : i32
      %add3A_1011 = vector.broadcast %mul3A_1010 : i32 to vector<16xi32>
      %add3A_1012 = arith.addi %select_n3A_525, %add3A_1011 : vector<16xi32>
      %gather3A_1013 = tpu.vector_load_idx %arg7[%add3A_1012] : memref<2192xf32, #tpu.memory_space<vmem>>[vector<16xi32>], vector<16xf32>,
      %mul3A_1014 = arith.constant 320 : i32
      %mul3A_1015 = arith.muli %while3A_910, %mul3A_1014 : i32
      %add3A_1016 = arith.constant 144 : i32
      %add3A_1017 = arith.addi %mul3A_1015, %add3A_1016 : i32
      %add3A_1018 = vector.broadcast %add3A_1017 : i32 to vector<16xi32>
      %add3A_1019 = arith.addi %iota3A, %add3A_1018 : vector<16xi32>
      tpu.vector_store_idx %arg6[%add3A_1019], %gather3A_1013 : memref<43840xf32, #tpu.memory_space<vmem>>[vector<16xi32>], vector<16xf32>,
      %mul3A_1020 = arith.constant 16 : i32
      %mul3A_1021 = arith.muli %while3A_910, %mul3A_1020 : i32
      %add3A_1022 = vector.broadcast %mul3A_1021 : i32 to vector<16xi32>
      %add3A_1023 = arith.addi %select_n3A_559, %add3A_1022 : vector<16xi32>
      %gather3A_1024 = tpu.vector_load_idx %arg7[%add3A_1023] : memref<2192xf32, #tpu.memory_space<vmem>>[vector<16xi32>], vector<16xf32>,
      %mul3A_1025 = arith.constant 320 : i32
      %mul3A_1026 = arith.muli %while3A_910, %mul3A_1025 : i32
      %add3A_1027 = arith.constant 160 : i32
      %add3A_1028 = arith.addi %mul3A_1026, %add3A_1027 : i32
      %add3A_1029 = vector.broadcast %add3A_1028 : i32 to vector<16xi32>
      %add3A_1030 = arith.addi %iota3A, %add3A_1029 : vector<16xi32>
      tpu.vector_store_idx %arg6[%add3A_1030], %gather3A_1024 : memref<43840xf32, #tpu.memory_space<vmem>>[vector<16xi32>], vector<16xf32>,
      %mul3A_1031 = arith.constant 16 : i32
      %mul3A_1032 = arith.muli %while3A_910, %mul3A_1031 : i32
      %add3A_1033 = vector.broadcast %mul3A_1032 : i32 to vector<16xi32>
      %add3A_1034 = arith.addi %select_n3A_593, %add3A_1033 : vector<16xi32>
      %gather3A_1035 = tpu.vector_load_idx %arg7[%add3A_1034] : memref<2192xf32, #tpu.memory_space<vmem>>[vector<16xi32>], vector<16xf32>,
      %mul3A_1036 = arith.constant 320 : i32
      %mul3A_1037 = arith.muli %while3A_910, %mul3A_1036 : i32
      %add3A_1038 = arith.constant 176 : i32
      %add3A_1039 = arith.addi %mul3A_1037, %add3A_1038 : i32
      %add3A_1040 = vector.broadcast %add3A_1039 : i32 to vector<16xi32>
      %add3A_1041 = arith.addi %iota3A, %add3A_1040 : vector<16xi32>
      tpu.vector_store_idx %arg6[%add3A_1041], %gather3A_1035 : memref<43840xf32, #tpu.memory_space<vmem>>[vector<16xi32>], vector<16xf32>,
      %mul3A_1042 = arith.constant 16 : i32
      %mul3A_1043 = arith.muli %while3A_910, %mul3A_1042 : i32
      %add3A_1044 = vector.broadcast %mul3A_1043 : i32 to vector<16xi32>
      %add3A_1045 = arith.addi %select_n3A_627, %add3A_1044 : vector<16xi32>
      %gather3A_1046 = tpu.vector_load_idx %arg7[%add3A_1045] : memref<2192xf32, #tpu.memory_space<vmem>>[vector<16xi32>], vector<16xf32>,
      %mul3A_1047 = arith.constant 320 : i32
      %mul3A_1048 = arith.muli %while3A_910, %mul3A_1047 : i32
      %add3A_1049 = arith.constant 192 : i32
      %add3A_1050 = arith.addi %mul3A_1048, %add3A_1049 : i32
      %add3A_1051 = vector.broadcast %add3A_1050 : i32 to vector<16xi32>
      %add3A_1052 = arith.addi %iota3A, %add3A_1051 : vector<16xi32>
      tpu.vector_store_idx %arg6[%add3A_1052], %gather3A_1046 : memref<43840xf32, #tpu.memory_space<vmem>>[vector<16xi32>], vector<16xf32>,
      %mul3A_1053 = arith.constant 16 : i32
      %mul3A_1054 = arith.muli %while3A_910, %mul3A_1053 : i32
      %add3A_1055 = vector.broadcast %mul3A_1054 : i32 to vector<16xi32>
      %add3A_1056 = arith.addi %select_n3A_661, %add3A_1055 : vector<16xi32>
      %gather3A_1057 = tpu.vector_load_idx %arg7[%add3A_1056] : memref<2192xf32, #tpu.memory_space<vmem>>[vector<16xi32>], vector<16xf32>,
      %mul3A_1058 = arith.constant 320 : i32
      %mul3A_1059 = arith.muli %while3A_910, %mul3A_1058 : i32
      %add3A_1060 = arith.constant 208 : i32
      %add3A_1061 = arith.addi %mul3A_1059, %add3A_1060 : i32
      %add3A_1062 = vector.broadcast %add3A_1061 : i32 to vector<16xi32>
      %add3A_1063 = arith.addi %iota3A, %add3A_1062 : vector<16xi32>
      tpu.vector_store_idx %arg6[%add3A_1063], %gather3A_1057 : memref<43840xf32, #tpu.memory_space<vmem>>[vector<16xi32>], vector<16xf32>,
      %mul3A_1064 = arith.constant 16 : i32
      %mul3A_1065 = arith.muli %while3A_910, %mul3A_1064 : i32
      %add3A_1066 = vector.broadcast %mul3A_1065 : i32 to vector<16xi32>
      %add3A_1067 = arith.addi %select_n3A_695, %add3A_1066 : vector<16xi32>
      %gather3A_1068 = tpu.vector_load_idx %arg7[%add3A_1067] : memref<2192xf32, #tpu.memory_space<vmem>>[vector<16xi32>], vector<16xf32>,
      %mul3A_1069 = arith.constant 320 : i32
      %mul3A_1070 = arith.muli %while3A_910, %mul3A_1069 : i32
      %add3A_1071 = arith.constant 224 : i32
      %add3A_1072 = arith.addi %mul3A_1070, %add3A_1071 : i32
      %add3A_1073 = vector.broadcast %add3A_1072 : i32 to vector<16xi32>
      %add3A_1074 = arith.addi %iota3A, %add3A_1073 : vector<16xi32>
      tpu.vector_store_idx %arg6[%add3A_1074], %gather3A_1068 : memref<43840xf32, #tpu.memory_space<vmem>>[vector<16xi32>], vector<16xf32>,
      %mul3A_1075 = arith.constant 16 : i32
      %mul3A_1076 = arith.muli %while3A_910, %mul3A_1075 : i32
      %add3A_1077 = vector.broadcast %mul3A_1076 : i32 to vector<16xi32>
      %add3A_1078 = arith.addi %select_n3A_729, %add3A_1077 : vector<16xi32>
      %gather3A_1079 = tpu.vector_load_idx %arg7[%add3A_1078] : memref<2192xf32, #tpu.memory_space<vmem>>[vector<16xi32>], vector<16xf32>,
      %mul3A_1080 = arith.constant 320 : i32
      %mul3A_1081 = arith.muli %while3A_910, %mul3A_1080 : i32
      %add3A_1082 = arith.constant 240 : i32
      %add3A_1083 = arith.addi %mul3A_1081, %add3A_1082 : i32
      %add3A_1084 = vector.broadcast %add3A_1083 : i32 to vector<16xi32>
      %add3A_1085 = arith.addi %iota3A, %add3A_1084 : vector<16xi32>
      tpu.vector_store_idx %arg6[%add3A_1085], %gather3A_1079 : memref<43840xf32, #tpu.memory_space<vmem>>[vector<16xi32>], vector<16xf32>,
      %mul3A_1086 = arith.constant 16 : i32
      %mul3A_1087 = arith.muli %while3A_910, %mul3A_1086 : i32
      %add3A_1088 = vector.broadcast %mul3A_1087 : i32 to vector<16xi32>
      %add3A_1089 = arith.addi %select_n3A_763, %add3A_1088 : vector<16xi32>
      %gather3A_1090 = tpu.vector_load_idx %arg7[%add3A_1089] : memref<2192xf32, #tpu.memory_space<vmem>>[vector<16xi32>], vector<16xf32>,
      %mul3A_1091 = arith.constant 320 : i32
      %mul3A_1092 = arith.muli %while3A_910, %mul3A_1091 : i32
      %add3A_1093 = arith.constant 256 : i32
      %add3A_1094 = arith.addi %mul3A_1092, %add3A_1093 : i32
      %add3A_1095 = vector.broadcast %add3A_1094 : i32 to vector<16xi32>
      %add3A_1096 = arith.addi %iota3A, %add3A_1095 : vector<16xi32>
      tpu.vector_store_idx %arg6[%add3A_1096], %gather3A_1090 : memref<43840xf32, #tpu.memory_space<vmem>>[vector<16xi32>], vector<16xf32>,
      %mul3A_1097 = arith.constant 16 : i32
      %mul3A_1098 = arith.muli %while3A_910, %mul3A_1097 : i32
      %add3A_1099 = vector.broadcast %mul3A_1098 : i32 to vector<16xi32>
      %add3A_1100 = arith.addi %select_n3A_797, %add3A_1099 : vector<16xi32>
      %gather3A_1101 = tpu.vector_load_idx %arg7[%add3A_1100] : memref<2192xf32, #tpu.memory_space<vmem>>[vector<16xi32>], vector<16xf32>,
      %mul3A_1102 = arith.constant 320 : i32
      %mul3A_1103 = arith.muli %while3A_910, %mul3A_1102 : i32
      %add3A_1104 = arith.constant 272 : i32
      %add3A_1105 = arith.addi %mul3A_1103, %add3A_1104 : i32
      %add3A_1106 = vector.broadcast %add3A_1105 : i32 to vector<16xi32>
      %add3A_1107 = arith.addi %iota3A, %add3A_1106 : vector<16xi32>
      tpu.vector_store_idx %arg6[%add3A_1107], %gather3A_1101 : memref<43840xf32, #tpu.memory_space<vmem>>[vector<16xi32>], vector<16xf32>,
      %mul3A_1108 = arith.constant 16 : i32
      %mul3A_1109 = arith.muli %while3A_910, %mul3A_1108 : i32
      %add3A_1110 = vector.broadcast %mul3A_1109 : i32 to vector<16xi32>
      %add3A_1111 = arith.addi %select_n3A_831, %add3A_1110 : vector<16xi32>
      %gather3A_1112 = tpu.vector_load_idx %arg7[%add3A_1111] : memref<2192xf32, #tpu.memory_space<vmem>>[vector<16xi32>], vector<16xf32>,
      %mul3A_1113 = arith.constant 320 : i32
      %mul3A_1114 = arith.muli %while3A_910, %mul3A_1113 : i32
      %add3A_1115 = arith.constant 288 : i32
      %add3A_1116 = arith.addi %mul3A_1114, %add3A_1115 : i32
      %add3A_1117 = vector.broadcast %add3A_1116 : i32 to vector<16xi32>
      %add3A_1118 = arith.addi %iota3A, %add3A_1117 : vector<16xi32>
      tpu.vector_store_idx %arg6[%add3A_1118], %gather3A_1112 : memref<43840xf32, #tpu.memory_space<vmem>>[vector<16xi32>], vector<16xf32>,
      %mul3A_1119 = arith.constant 16 : i32
      %mul3A_1120 = arith.muli %while3A_910, %mul3A_1119 : i32
      %add3A_1121 = vector.broadcast %mul3A_1120 : i32 to vector<16xi32>
      %add3A_1122 = arith.addi %select_n3A_865, %add3A_1121 : vector<16xi32>
      %gather3A_1123 = tpu.vector_load_idx %arg7[%add3A_1122] : memref<2192xf32, #tpu.memory_space<vmem>>[vector<16xi32>], vector<16xf32>,
      %mul3A_1124 = arith.constant 320 : i32
      %mul3A_1125 = arith.muli %while3A_910, %mul3A_1124 : i32
      %add3A_1126 = arith.constant 304 : i32
      %add3A_1127 = arith.addi %mul3A_1125, %add3A_1126 : i32
      %add3A_1128 = vector.broadcast %add3A_1127 : i32 to vector<16xi32>
      %add3A_1129 = arith.addi %iota3A, %add3A_1128 : vector<16xi32>
      tpu.vector_store_idx %arg6[%add3A_1129], %gather3A_1123 : memref<43840xf32, #tpu.memory_space<vmem>>[vector<16xi32>], vector<16xf32>,
    }
    %while3A_899 = arith.constant 1 : i32
    scf.for %while3A_910 = %while3A_897 to %while3A_893 step %while3A_899  : i32 {
      %mul3A_911 = arith.constant 16 : i32
      %mul3A_912 = arith.muli %while3A_910, %mul3A_911 : i32
      %add3A_913 = vector.broadcast %mul3A_912 : i32 to vector<16xi32>
      %add3A_914 = arith.addi %select_n3A_219, %add3A_913 : vector<16xi32>
      %gather3A = tpu.vector_load_idx %arg7[%add3A_914] : memref<2192xf32, #tpu.memory_space<vmem>>[vector<16xi32>], vector<16xf32>,
      %mul3A_915 = arith.constant 320 : i32
      %mul3A_916 = arith.muli %while3A_910, %mul3A_915 : i32
      %add3A_917 = arith.constant 0 : i32
      %add3A_918 = arith.addi %mul3A_916, %add3A_917 : i32
      %add3A_919 = vector.broadcast %add3A_918 : i32 to vector<16xi32>
      %add3A_920 = arith.addi %iota3A, %add3A_919 : vector<16xi32>
      tpu.vector_store_idx %arg6[%add3A_920], %gather3A : memref<43840xf32, #tpu.memory_space<vmem>>[vector<16xi32>], vector<16xf32>,
      %mul3A_921 = arith.constant 16 : i32
      %mul3A_922 = arith.muli %while3A_910, %mul3A_921 : i32
      %add3A_923 = vector.broadcast %mul3A_922 : i32 to vector<16xi32>
      %add3A_924 = arith.addi %select_n3A_253, %add3A_923 : vector<16xi32>
      %gather3A_925 = tpu.vector_load_idx %arg7[%add3A_924] : memref<2192xf32, #tpu.memory_space<vmem>>[vector<16xi32>], vector<16xf32>,
      %mul3A_926 = arith.constant 320 : i32
      %mul3A_927 = arith.muli %while3A_910, %mul3A_926 : i32
      %add3A_928 = arith.constant 16 : i32
      %add3A_929 = arith.addi %mul3A_927, %add3A_928 : i32
      %add3A_930 = vector.broadcast %add3A_929 : i32 to vector<16xi32>
      %add3A_931 = arith.addi %iota3A, %add3A_930 : vector<16xi32>
      tpu.vector_store_idx %arg6[%add3A_931], %gather3A_925 : memref<43840xf32, #tpu.memory_space<vmem>>[vector<16xi32>], vector<16xf32>,
      %mul3A_932 = arith.constant 16 : i32
      %mul3A_933 = arith.muli %while3A_910, %mul3A_932 : i32
      %add3A_934 = vector.broadcast %mul3A_933 : i32 to vector<16xi32>
      %add3A_935 = arith.addi %select_n3A_287, %add3A_934 : vector<16xi32>
      %gather3A_936 = tpu.vector_load_idx %arg7[%add3A_935] : memref<2192xf32, #tpu.memory_space<vmem>>[vector<16xi32>], vector<16xf32>,
      %mul3A_937 = arith.constant 320 : i32
      %mul3A_938 = arith.muli %while3A_910, %mul3A_937 : i32
      %add3A_939 = arith.constant 32 : i32
      %add3A_940 = arith.addi %mul3A_938, %add3A_939 : i32
      %add3A_941 = vector.broadcast %add3A_940 : i32 to vector<16xi32>
      %add3A_942 = arith.addi %iota3A, %add3A_941 : vector<16xi32>
      tpu.vector_store_idx %arg6[%add3A_942], %gather3A_936 : memref<43840xf32, #tpu.memory_space<vmem>>[vector<16xi32>], vector<16xf32>,
      %mul3A_943 = arith.constant 16 : i32
      %mul3A_944 = arith.muli %while3A_910, %mul3A_943 : i32
      %add3A_945 = vector.broadcast %mul3A_944 : i32 to vector<16xi32>
      %add3A_946 = arith.addi %select_n3A_321, %add3A_945 : vector<16xi32>
      %gather3A_947 = tpu.vector_load_idx %arg7[%add3A_946] : memref<2192xf32, #tpu.memory_space<vmem>>[vector<16xi32>], vector<16xf32>,
      %mul3A_948 = arith.constant 320 : i32
      %mul3A_949 = arith.muli %while3A_910, %mul3A_948 : i32
      %add3A_950 = arith.constant 48 : i32
      %add3A_951 = arith.addi %mul3A_949, %add3A_950 : i32
      %add3A_952 = vector.broadcast %add3A_951 : i32 to vector<16xi32>
      %add3A_953 = arith.addi %iota3A, %add3A_952 : vector<16xi32>
      tpu.vector_store_idx %arg6[%add3A_953], %gather3A_947 : memref<43840xf32, #tpu.memory_space<vmem>>[vector<16xi32>], vector<16xf32>,
      %mul3A_954 = arith.constant 16 : i32
      %mul3A_955 = arith.muli %while3A_910, %mul3A_954 : i32
      %add3A_956 = vector.broadcast %mul3A_955 : i32 to vector<16xi32>
      %add3A_957 = arith.addi %select_n3A_355, %add3A_956 : vector<16xi32>
      %gather3A_958 = tpu.vector_load_idx %arg7[%add3A_957] : memref<2192xf32, #tpu.memory_space<vmem>>[vector<16xi32>], vector<16xf32>,
      %mul3A_959 = arith.constant 320 : i32
      %mul3A_960 = arith.muli %while3A_910, %mul3A_959 : i32
      %add3A_961 = arith.constant 64 : i32
      %add3A_962 = arith.addi %mul3A_960, %add3A_961 : i32
      %add3A_963 = vector.broadcast %add3A_962 : i32 to vector<16xi32>
      %add3A_964 = arith.addi %iota3A, %add3A_963 : vector<16xi32>
      tpu.vector_store_idx %arg6[%add3A_964], %gather3A_958 : memref<43840xf32, #tpu.memory_space<vmem>>[vector<16xi32>], vector<16xf32>,
      %mul3A_965 = arith.constant 16 : i32
      %mul3A_966 = arith.muli %while3A_910, %mul3A_965 : i32
      %add3A_967 = vector.broadcast %mul3A_966 : i32 to vector<16xi32>
      %add3A_968 = arith.addi %select_n3A_389, %add3A_967 : vector<16xi32>
      %gather3A_969 = tpu.vector_load_idx %arg7[%add3A_968] : memref<2192xf32, #tpu.memory_space<vmem>>[vector<16xi32>], vector<16xf32>,
      %mul3A_970 = arith.constant 320 : i32
      %mul3A_971 = arith.muli %while3A_910, %mul3A_970 : i32
      %add3A_972 = arith.constant 80 : i32
      %add3A_973 = arith.addi %mul3A_971, %add3A_972 : i32
      %add3A_974 = vector.broadcast %add3A_973 : i32 to vector<16xi32>
      %add3A_975 = arith.addi %iota3A, %add3A_974 : vector<16xi32>
      tpu.vector_store_idx %arg6[%add3A_975], %gather3A_969 : memref<43840xf32, #tpu.memory_space<vmem>>[vector<16xi32>], vector<16xf32>,
      %mul3A_976 = arith.constant 16 : i32
      %mul3A_977 = arith.muli %while3A_910, %mul3A_976 : i32
      %add3A_978 = vector.broadcast %mul3A_977 : i32 to vector<16xi32>
      %add3A_979 = arith.addi %select_n3A_423, %add3A_978 : vector<16xi32>
      %gather3A_980 = tpu.vector_load_idx %arg7[%add3A_979] : memref<2192xf32, #tpu.memory_space<vmem>>[vector<16xi32>], vector<16xf32>,
      %mul3A_981 = arith.constant 320 : i32
      %mul3A_982 = arith.muli %while3A_910, %mul3A_981 : i32
      %add3A_983 = arith.constant 96 : i32
      %add3A_984 = arith.addi %mul3A_982, %add3A_983 : i32
      %add3A_985 = vector.broadcast %add3A_984 : i32 to vector<16xi32>
      %add3A_986 = arith.addi %iota3A, %add3A_985 : vector<16xi32>
      tpu.vector_store_idx %arg6[%add3A_986], %gather3A_980 : memref<43840xf32, #tpu.memory_space<vmem>>[vector<16xi32>], vector<16xf32>,
      %mul3A_987 = arith.constant 16 : i32
      %mul3A_988 = arith.muli %while3A_910, %mul3A_987 : i32
      %add3A_989 = vector.broadcast %mul3A_988 : i32 to vector<16xi32>
      %add3A_990 = arith.addi %select_n3A_457, %add3A_989 : vector<16xi32>
      %gather3A_991 = tpu.vector_load_idx %arg7[%add3A_990] : memref<2192xf32, #tpu.memory_space<vmem>>[vector<16xi32>], vector<16xf32>,
      %mul3A_992 = arith.constant 320 : i32
      %mul3A_993 = arith.muli %while3A_910, %mul3A_992 : i32
      %add3A_994 = arith.constant 112 : i32
      %add3A_995 = arith.addi %mul3A_993, %add3A_994 : i32
      %add3A_996 = vector.broadcast %add3A_995 : i32 to vector<16xi32>
      %add3A_997 = arith.addi %iota3A, %add3A_996 : vector<16xi32>
      tpu.vector_store_idx %arg6[%add3A_997], %gather3A_991 : memref<43840xf32, #tpu.memory_space<vmem>>[vector<16xi32>], vector<16xf32>,
      %mul3A_998 = arith.constant 16 : i32
      %mul3A_999 = arith.muli %while3A_910, %mul3A_998 : i32
      %add3A_1000 = vector.broadcast %mul3A_999 : i32 to vector<16xi32>
      %add3A_1001 = arith.addi %select_n3A_491, %add3A_1000 : vector<16xi32>
      %gather3A_1002 = tpu.vector_load_idx %arg7[%add3A_1001] : memref<2192xf32, #tpu.memory_space<vmem>>[vector<16xi32>], vector<16xf32>,
      %mul3A_1003 = arith.constant 320 : i32
      %mul3A_1004 = arith.muli %while3A_910, %mul3A_1003 : i32
      %add3A_1005 = arith.constant 128 : i32
      %add3A_1006 = arith.addi %mul3A_1004, %add3A_1005 : i32
      %add3A_1007 = vector.broadcast %add3A_1006 : i32 to vector<16xi32>
      %add3A_1008 = arith.addi %iota3A, %add3A_1007 : vector<16xi32>
      tpu.vector_store_idx %arg6[%add3A_1008], %gather3A_1002 : memref<43840xf32, #tpu.memory_space<vmem>>[vector<16xi32>], vector<16xf32>,
      %mul3A_1009 = arith.constant 16 : i32
      %mul3A_1010 = arith.muli %while3A_910, %mul3A_1009 : i32
      %add3A_1011 = vector.broadcast %mul3A_1010 : i32 to vector<16xi32>
      %add3A_1012 = arith.addi %select_n3A_525, %add3A_1011 : vector<16xi32>
      %gather3A_1013 = tpu.vector_load_idx %arg7[%add3A_1012] : memref<2192xf32, #tpu.memory_space<vmem>>[vector<16xi32>], vector<16xf32>,
      %mul3A_1014 = arith.constant 320 : i32
      %mul3A_1015 = arith.muli %while3A_910, %mul3A_1014 : i32
      %add3A_1016 = arith.constant 144 : i32
      %add3A_1017 = arith.addi %mul3A_1015, %add3A_1016 : i32
      %add3A_1018 = vector.broadcast %add3A_1017 : i32 to vector<16xi32>
      %add3A_1019 = arith.addi %iota3A, %add3A_1018 : vector<16xi32>
      tpu.vector_store_idx %arg6[%add3A_1019], %gather3A_1013 : memref<43840xf32, #tpu.memory_space<vmem>>[vector<16xi32>], vector<16xf32>,
      %mul3A_1020 = arith.constant 16 : i32
      %mul3A_1021 = arith.muli %while3A_910, %mul3A_1020 : i32
      %add3A_1022 = vector.broadcast %mul3A_1021 : i32 to vector<16xi32>
      %add3A_1023 = arith.addi %select_n3A_559, %add3A_1022 : vector<16xi32>
      %gather3A_1024 = tpu.vector_load_idx %arg7[%add3A_1023] : memref<2192xf32, #tpu.memory_space<vmem>>[vector<16xi32>], vector<16xf32>,
      %mul3A_1025 = arith.constant 320 : i32
      %mul3A_1026 = arith.muli %while3A_910, %mul3A_1025 : i32
      %add3A_1027 = arith.constant 160 : i32
      %add3A_1028 = arith.addi %mul3A_1026, %add3A_1027 : i32
      %add3A_1029 = vector.broadcast %add3A_1028 : i32 to vector<16xi32>
      %add3A_1030 = arith.addi %iota3A, %add3A_1029 : vector<16xi32>
      tpu.vector_store_idx %arg6[%add3A_1030], %gather3A_1024 : memref<43840xf32, #tpu.memory_space<vmem>>[vector<16xi32>], vector<16xf32>,
      %mul3A_1031 = arith.constant 16 : i32
      %mul3A_1032 = arith.muli %while3A_910, %mul3A_1031 : i32
      %add3A_1033 = vector.broadcast %mul3A_1032 : i32 to vector<16xi32>
      %add3A_1034 = arith.addi %select_n3A_593, %add3A_1033 : vector<16xi32>
      %gather3A_1035 = tpu.vector_load_idx %arg7[%add3A_1034] : memref<2192xf32, #tpu.memory_space<vmem>>[vector<16xi32>], vector<16xf32>,
      %mul3A_1036 = arith.constant 320 : i32
      %mul3A_1037 = arith.muli %while3A_910, %mul3A_1036 : i32
      %add3A_1038 = arith.constant 176 : i32
      %add3A_1039 = arith.addi %mul3A_1037, %add3A_1038 : i32
      %add3A_1040 = vector.broadcast %add3A_1039 : i32 to vector<16xi32>
      %add3A_1041 = arith.addi %iota3A, %add3A_1040 : vector<16xi32>
      tpu.vector_store_idx %arg6[%add3A_1041], %gather3A_1035 : memref<43840xf32, #tpu.memory_space<vmem>>[vector<16xi32>], vector<16xf32>,
      %mul3A_1042 = arith.constant 16 : i32
      %mul3A_1043 = arith.muli %while3A_910, %mul3A_1042 : i32
      %add3A_1044 = vector.broadcast %mul3A_1043 : i32 to vector<16xi32>
      %add3A_1045 = arith.addi %select_n3A_627, %add3A_1044 : vector<16xi32>
      %gather3A_1046 = tpu.vector_load_idx %arg7[%add3A_1045] : memref<2192xf32, #tpu.memory_space<vmem>>[vector<16xi32>], vector<16xf32>,
      %mul3A_1047 = arith.constant 320 : i32
      %mul3A_1048 = arith.muli %while3A_910, %mul3A_1047 : i32
      %add3A_1049 = arith.constant 192 : i32
      %add3A_1050 = arith.addi %mul3A_1048, %add3A_1049 : i32
      %add3A_1051 = vector.broadcast %add3A_1050 : i32 to vector<16xi32>
      %add3A_1052 = arith.addi %iota3A, %add3A_1051 : vector<16xi32>
      tpu.vector_store_idx %arg6[%add3A_1052], %gather3A_1046 : memref<43840xf32, #tpu.memory_space<vmem>>[vector<16xi32>], vector<16xf32>,
      %mul3A_1053 = arith.constant 16 : i32
      %mul3A_1054 = arith.muli %while3A_910, %mul3A_1053 : i32
      %add3A_1055 = vector.broadcast %mul3A_1054 : i32 to vector<16xi32>
      %add3A_1056 = arith.addi %select_n3A_661, %add3A_1055 : vector<16xi32>
      %gather3A_1057 = tpu.vector_load_idx %arg7[%add3A_1056] : memref<2192xf32, #tpu.memory_space<vmem>>[vector<16xi32>], vector<16xf32>,
      %mul3A_1058 = arith.constant 320 : i32
      %mul3A_1059 = arith.muli %while3A_910, %mul3A_1058 : i32
      %add3A_1060 = arith.constant 208 : i32
      %add3A_1061 = arith.addi %mul3A_1059, %add3A_1060 : i32
      %add3A_1062 = vector.broadcast %add3A_1061 : i32 to vector<16xi32>
      %add3A_1063 = arith.addi %iota3A, %add3A_1062 : vector<16xi32>
      tpu.vector_store_idx %arg6[%add3A_1063], %gather3A_1057 : memref<43840xf32, #tpu.memory_space<vmem>>[vector<16xi32>], vector<16xf32>,
      %mul3A_1064 = arith.constant 16 : i32
      %mul3A_1065 = arith.muli %while3A_910, %mul3A_1064 : i32
      %add3A_1066 = vector.broadcast %mul3A_1065 : i32 to vector<16xi32>
      %add3A_1067 = arith.addi %select_n3A_695, %add3A_1066 : vector<16xi32>
      %gather3A_1068 = tpu.vector_load_idx %arg7[%add3A_1067] : memref<2192xf32, #tpu.memory_space<vmem>>[vector<16xi32>], vector<16xf32>,
      %mul3A_1069 = arith.constant 320 : i32
      %mul3A_1070 = arith.muli %while3A_910, %mul3A_1069 : i32
      %add3A_1071 = arith.constant 224 : i32
      %add3A_1072 = arith.addi %mul3A_1070, %add3A_1071 : i32
      %add3A_1073 = vector.broadcast %add3A_1072 : i32 to vector<16xi32>
      %add3A_1074 = arith.addi %iota3A, %add3A_1073 : vector<16xi32>
      tpu.vector_store_idx %arg6[%add3A_1074], %gather3A_1068 : memref<43840xf32, #tpu.memory_space<vmem>>[vector<16xi32>], vector<16xf32>,
      %mul3A_1075 = arith.constant 16 : i32
      %mul3A_1076 = arith.muli %while3A_910, %mul3A_1075 : i32
      %add3A_1077 = vector.broadcast %mul3A_1076 : i32 to vector<16xi32>
      %add3A_1078 = arith.addi %select_n3A_729, %add3A_1077 : vector<16xi32>
      %gather3A_1079 = tpu.vector_load_idx %arg7[%add3A_1078] : memref<2192xf32, #tpu.memory_space<vmem>>[vector<16xi32>], vector<16xf32>,
      %mul3A_1080 = arith.constant 320 : i32
      %mul3A_1081 = arith.muli %while3A_910, %mul3A_1080 : i32
      %add3A_1082 = arith.constant 240 : i32
      %add3A_1083 = arith.addi %mul3A_1081, %add3A_1082 : i32
      %add3A_1084 = vector.broadcast %add3A_1083 : i32 to vector<16xi32>
      %add3A_1085 = arith.addi %iota3A, %add3A_1084 : vector<16xi32>
      tpu.vector_store_idx %arg6[%add3A_1085], %gather3A_1079 : memref<43840xf32, #tpu.memory_space<vmem>>[vector<16xi32>], vector<16xf32>,
      %mul3A_1086 = arith.constant 16 : i32
      %mul3A_1087 = arith.muli %while3A_910, %mul3A_1086 : i32
      %add3A_1088 = vector.broadcast %mul3A_1087 : i32 to vector<16xi32>
      %add3A_1089 = arith.addi %select_n3A_763, %add3A_1088 : vector<16xi32>
      %gather3A_1090 = tpu.vector_load_idx %arg7[%add3A_1089] : memref<2192xf32, #tpu.memory_space<vmem>>[vector<16xi32>], vector<16xf32>,
      %mul3A_1091 = arith.constant 320 : i32
      %mul3A_1092 = arith.muli %while3A_910, %mul3A_1091 : i32
      %add3A_1093 = arith.constant 256 : i32
      %add3A_1094 = arith.addi %mul3A_1092, %add3A_1093 : i32
      %add3A_1095 = vector.broadcast %add3A_1094 : i32 to vector<16xi32>
      %add3A_1096 = arith.addi %iota3A, %add3A_1095 : vector<16xi32>
      tpu.vector_store_idx %arg6[%add3A_1096], %gather3A_1090 : memref<43840xf32, #tpu.memory_space<vmem>>[vector<16xi32>], vector<16xf32>,
      %mul3A_1097 = arith.constant 16 : i32
      %mul3A_1098 = arith.muli %while3A_910, %mul3A_1097 : i32
      %add3A_1099 = vector.broadcast %mul3A_1098 : i32 to vector<16xi32>
      %add3A_1100 = arith.addi %select_n3A_797, %add3A_1099 : vector<16xi32>
      %gather3A_1101 = tpu.vector_load_idx %arg7[%add3A_1100] : memref<2192xf32, #tpu.memory_space<vmem>>[vector<16xi32>], vector<16xf32>,
      %mul3A_1102 = arith.constant 320 : i32
      %mul3A_1103 = arith.muli %while3A_910, %mul3A_1102 : i32
      %add3A_1104 = arith.constant 272 : i32
      %add3A_1105 = arith.addi %mul3A_1103, %add3A_1104 : i32
      %add3A_1106 = vector.broadcast %add3A_1105 : i32 to vector<16xi32>
      %add3A_1107 = arith.addi %iota3A, %add3A_1106 : vector<16xi32>
      tpu.vector_store_idx %arg6[%add3A_1107], %gather3A_1101 : memref<43840xf32, #tpu.memory_space<vmem>>[vector<16xi32>], vector<16xf32>,
      %mul3A_1108 = arith.constant 16 : i32
      %mul3A_1109 = arith.muli %while3A_910, %mul3A_1108 : i32
      %add3A_1110 = vector.broadcast %mul3A_1109 : i32 to vector<16xi32>
      %add3A_1111 = arith.addi %select_n3A_831, %add3A_1110 : vector<16xi32>
      %gather3A_1112 = tpu.vector_load_idx %arg7[%add3A_1111] : memref<2192xf32, #tpu.memory_space<vmem>>[vector<16xi32>], vector<16xf32>,
      %mul3A_1113 = arith.constant 320 : i32
      %mul3A_1114 = arith.muli %while3A_910, %mul3A_1113 : i32
      %add3A_1115 = arith.constant 288 : i32
      %add3A_1116 = arith.addi %mul3A_1114, %add3A_1115 : i32
      %add3A_1117 = vector.broadcast %add3A_1116 : i32 to vector<16xi32>
      %add3A_1118 = arith.addi %iota3A, %add3A_1117 : vector<16xi32>
      tpu.vector_store_idx %arg6[%add3A_1118], %gather3A_1112 : memref<43840xf32, #tpu.memory_space<vmem>>[vector<16xi32>], vector<16xf32>,
      %mul3A_1119 = arith.constant 16 : i32
      %mul3A_1120 = arith.muli %while3A_910, %mul3A_1119 : i32
      %add3A_1121 = vector.broadcast %mul3A_1120 : i32 to vector<16xi32>
      %add3A_1122 = arith.addi %select_n3A_865, %add3A_1121 : vector<16xi32>
      %gather3A_1123 = tpu.vector_load_idx %arg7[%add3A_1122] : memref<2192xf32, #tpu.memory_space<vmem>>[vector<16xi32>], vector<16xf32>,
      %mul3A_1124 = arith.constant 320 : i32
      %mul3A_1125 = arith.muli %while3A_910, %mul3A_1124 : i32
      %add3A_1126 = arith.constant 304 : i32
      %add3A_1127 = arith.addi %mul3A_1125, %add3A_1126 : i32
      %add3A_1128 = vector.broadcast %add3A_1127 : i32 to vector<16xi32>
      %add3A_1129 = arith.addi %iota3A, %add3A_1128 : vector<16xi32>
      tpu.vector_store_idx %arg6[%add3A_1129], %gather3A_1123 : memref<43840xf32, #tpu.memory_space<vmem>>[vector<16xi32>], vector<16xf32>,
    }
    %mul3A_900 = arith.constant 160000 : i32
    %mul3A_901 = arith.muli %select_n3A, %mul3A_900 : i32
    %mul3A_902 = arith.constant 20 : i32
    %mul3A_903 = arith.muli %select_n3A_46, %mul3A_902 : i32
    %add3A_904 = arith.addi %mul3A_901, %mul3A_903 : i32
    %convert_element_type3A = arith.extui %eq3A_32 : i1 to i32
    %cond3A = arith.constant 0 : i32
    %cond3A_905 = arith.cmpi ne, %convert_element_type3A, %cond3A : i32
    scf.if %cond3A_905 {
      "tpu.region"() ({
        %run_scoped3A = tpu.sem_alloc : memref<!tpu.dma_semaphore, #tpu.memory_space<semaphore_mem>>
        %dma_start3A = arith.constant 0 : i32
        %dma_start3A_910 = tpu.memref_slice %arg6[%dma_start3A] : memref<43840xf32, #tpu.memory_space<vmem>> -> memref<43840xf32, #tpu.memory_space<vmem>>
        %dma_start3A_911 = tpu.memref_slice %arg4[%add3A_904] : memref<1280000xf32, #tpu.memory_space<hbm>> -> memref<43840xf32, #tpu.memory_space<hbm>>
        %dma_start3A_912 = tpu.memref_slice %arg4[%add3A_904] : memref<1280000xf32, #tpu.memory_space<hbm>> -> memref<43840xf32, #tpu.memory_space<hbm>>
        %dma_start3A_913 = arith.constant 0 : i32
        %dma_start3A_914 = tpu.memref_slice %arg6[%dma_start3A_913] : memref<43840xf32, #tpu.memory_space<vmem>> -> memref<43840xf32, #tpu.memory_space<vmem>>
        tpu.enqueue_dma source(%dma_start3A_914 : memref<43840xf32, #tpu.memory_space<vmem>>) target(%dma_start3A_912 : memref<43840xf32, #tpu.memory_space<hbm>>) target_semaphore(%run_scoped3A : memref<!tpu.dma_semaphore, #tpu.memory_space<semaphore_mem>>)
        %dma_wait3A = arith.constant 0 : i32
        %dma_wait3A_915 = tpu.memref_slice %arg6[%dma_wait3A] : memref<43840xf32, #tpu.memory_space<vmem>> -> memref<43840xf32, #tpu.memory_space<vmem>>
        %dma_wait3A_916 = tpu.memref_slice %arg4[%add3A_904] : memref<1280000xf32, #tpu.memory_space<hbm>> -> memref<43840xf32, #tpu.memory_space<hbm>>
        %dma_wait3A_917 = tpu.memref_slice %arg4[%add3A_904] : memref<1280000xf32, #tpu.memory_space<hbm>> -> memref<43840xf32, #tpu.memory_space<hbm>>
        %dma_wait3A_918 = arith.constant 0 : i32
        %dma_wait3A_919 = tpu.memref_slice %arg6[%dma_wait3A_918] : memref<43840xf32, #tpu.memory_space<vmem>> -> memref<43840xf32, #tpu.memory_space<vmem>>
        tpu.wait_dma2 semaphore(%run_scoped3A : memref<!tpu.dma_semaphore, #tpu.memory_space<semaphore_mem>>) src(%dma_wait3A_919 : memref<43840xf32, #tpu.memory_space<vmem>>) dst(%dma_wait3A_917 : memref<43840xf32, #tpu.memory_space<hbm>>)
        tpu.yield
      }) : () -> ()
    } else {
    }
    %not3A = arith.constant true
    %not3A_906 = arith.xori %eq3A_32, %not3A : i1
    %convert_element_type3A_907 = arith.extui %not3A_906 : i1 to i32
    %cond3A_908 = arith.constant 0 : i32
    %cond3A_909 = arith.cmpi ne, %convert_element_type3A_907, %cond3A_908 : i32
    scf.if %cond3A_909 {
      "tpu.region"() ({
        %run_scoped3A = tpu.sem_alloc : memref<!tpu.dma_semaphore, #tpu.memory_space<semaphore_mem>>
        %dma_start3A = arith.constant 0 : i32
        %dma_start3A_910 = tpu.memref_slice %arg6[%dma_start3A] : memref<43840xf32, #tpu.memory_space<vmem>> -> memref<38720xf32, #tpu.memory_space<vmem>>
        %dma_start3A_911 = tpu.memref_slice %arg4[%add3A_904] : memref<1280000xf32, #tpu.memory_space<hbm>> -> memref<38720xf32, #tpu.memory_space<hbm>>
        %dma_start3A_912 = tpu.memref_slice %arg4[%add3A_904] : memref<1280000xf32, #tpu.memory_space<hbm>> -> memref<38720xf32, #tpu.memory_space<hbm>>
        %dma_start3A_913 = arith.constant 0 : i32
        %dma_start3A_914 = tpu.memref_slice %arg6[%dma_start3A_913] : memref<43840xf32, #tpu.memory_space<vmem>> -> memref<38720xf32, #tpu.memory_space<vmem>>
        tpu.enqueue_dma source(%dma_start3A_914 : memref<38720xf32, #tpu.memory_space<vmem>>) target(%dma_start3A_912 : memref<38720xf32, #tpu.memory_space<hbm>>) target_semaphore(%run_scoped3A : memref<!tpu.dma_semaphore, #tpu.memory_space<semaphore_mem>>)
        %dma_wait3A = arith.constant 0 : i32
        %dma_wait3A_915 = tpu.memref_slice %arg6[%dma_wait3A] : memref<43840xf32, #tpu.memory_space<vmem>> -> memref<38720xf32, #tpu.memory_space<vmem>>
        %dma_wait3A_916 = tpu.memref_slice %arg4[%add3A_904] : memref<1280000xf32, #tpu.memory_space<hbm>> -> memref<38720xf32, #tpu.memory_space<hbm>>
        %dma_wait3A_917 = tpu.memref_slice %arg4[%add3A_904] : memref<1280000xf32, #tpu.memory_space<hbm>> -> memref<38720xf32, #tpu.memory_space<hbm>>
        %dma_wait3A_918 = arith.constant 0 : i32
        %dma_wait3A_919 = tpu.memref_slice %arg6[%dma_wait3A_918] : memref<43840xf32, #tpu.memory_space<vmem>> -> memref<38720xf32, #tpu.memory_space<vmem>>
        tpu.wait_dma2 semaphore(%run_scoped3A : memref<!tpu.dma_semaphore, #tpu.memory_space<semaphore_mem>>) src(%dma_wait3A_919 : memref<38720xf32, #tpu.memory_space<vmem>>) dst(%dma_wait3A_917 : memref<38720xf32, #tpu.memory_space<hbm>>)
        tpu.yield
      }) : () -> ()
    } else {
    }
    return
  }
}

</mosaic_0001>

<sc_bundles>
// kernel: kernel.3.cloned.1.call-start
scs
__scs_entry_jumppad:
0x0: {  	(pc) =	sbr.rel $0x88, $3  }
0x1: {  	(tag) =	ssettag $0x0;
	lr =	simm.s32 $0x1  }
0x2: {  	[smem:$0x3F9F] =	sst lr;
	_ =	strace $0xD0000000  }
0x3: {  	_ = 	snop  }
0x4: {  	_ = 	snop  }
0x5: {  	_ = 	snop  }
0x6: {  	_ = 	snop  }
0x7: {  	_ = 	snop  }
__scs_overlays_trampoline_lowered:
0x8: {  	[smem:$0x3FAE] =	sst s0  }
0x9: {  	[smem:$0x3FAF] =	sst s1  }
0xa: {  	[smem:$0x3FB0] =	sst s2  }
0xb: {  	[smem:$0x3FB1] =	sst s3  }
0xc: {  	[smem:$0x3FB2] =	sst s4  }
0xd: {  	[smem:$0x3FB3] =	sst s5  }
0xe: {  	[smem:$0x3FB4] =	sst s6  }
0xf: {  	[smem:$0x3FB5] =	sst s7  }
0x10: {  	[smem:$0x3FB6] =	sst s8  }
0x11: {  	[smem:$0x3FB7] =	sst s9;
	s0 =	simm.s32 @!p0 $0x0  }
0x12: {  	s1 =	sld [smem:$0x3F9D];
	s0 =	simm.s32 @p0 $0x1  }
0x13: {  	[smem:$0x3FB8] =	sst s0;
	s0 =	simm.s32 @!p1 $0x0  }
0x14: {  	s2 =	sld [smem:$0x3F9C];
	s0 =	simm.s32 @p1 $0x1  }
0x15: {  	[smem:$0x3FB9] =	sst s0;
	s0 =	simm.s32 @!p2 $0x0  }
0x16: {  	s3 =	sld [smem:$0x3FDB];
	s0 =	simm.s32 @p2 $0x1  }
0x17: {  	s4 =	simm.s32 $0x1BF5;
	[smem:$0x3FBB] =	sst s0  }
0x18: {  	s0 =	sld [smem:$0x3F9E];
	_ =	swait.ge [sflag:s4], $0x0  }
0x19: {  	s7 =	sld [smem:$0x3F9F]  }
0x1a: {  	s8 =	sadd.s32 $0xFFFFE003, lr  }
0x1b: {  	s9 =	sadd.s32 $0xFFFFFEF7, lr;
	s5 =	simm.s32 $0xFFFFFFFF;
	p2 =	slt.u32 s8, $0xFFFFF086  }
0x1c: {  	p1 =	slt.u32 s9, $0xF7A;
	s5 =	simm.s32 @!p2 $0x0  }
0x1d: {  	s5 =	simm.s32 @p1 $0x1;
	p0 =	seq.s32 s7, s2  }
0x1e: {  	s7 =	smul.u32 @!p0 $0xF7A, s2;
	p2 =	seq.s32 @!p0 s5, $0x0  }
0x1f: {  	s9 =	smul.u32 $0xF7A, s1;
	s8 =	simm.s32 @!p0 $0x1BF5;
	p2 =	por !p2, p0  }
0x20: {  	[sflag:s8] =	ssyncset.s32 @!p0 $0xFFFFF086;
	s6 =	sadd.s32 @!p0 s3, s7;
	s7 =	simm.s32 @!p0 $0x108  }
0x21: {  	s3 =	sadd.s32 s3, s9;
	s6 =	sadd.s32 @!p0 $0x88, s6;
	s7 =	simm.s32 @p2 $0x1082  }
0x22: {  	[simem:s7], [sflag:s8] =	dma.local @!p0 [hbm:s6], $0xF7A  }
0x23: {  	s9 =	sor.u32 $0xD0000000, s2;
	s6 =	simm.s32 $0x108;
	_ =	swait.ge @!p0 [sflag:s8], $0x0  }
0x24: {  	s3 =	sadd.s32 $0x88, s3;
	s6 =	simm.s32 @!p1 $0x1082;
	[sflag:s4] =	ssyncset.s32 $0xFFFFF086  }
0x25: {  	[simem:s6], [sflag:s4] =	dma.local [hbm:s3], $0xF7A  }
0x26: {  	[smem:$0x3F9F] =	sst s1;
	(tag) =	ssettag s2;
	_ =	strace s9  }
0x27: {  	s1 =	sld [smem:$0x3FAF]  }
0x28: {  	s2 =	sld [smem:$0x3FB0]  }
0x29: {  	s4 =	sld [smem:$0x3FB2]  }
0x2a: {  	p0 =	seq.s32 s5, $0x0;
	s5 =	sld [smem:$0x3FB3]  }
0x2b: {  	s6 =	sld [smem:$0x3FB4]  }
0x2c: {  	s7 =	sld [smem:$0x3FB5]  }
0x2d: {  	s3 =	simm.s32 $0x108;
	s8 =	sld [smem:$0x3FB6]  }
0x2e: {  	s3 =	simm.s32 @!p0 $0x1082;
	s9 =	sld [smem:$0x3FB7]  }
0x2f: {  	lr =	sadd.s32 s0, s3;
	s0 =	sld [smem:$0x3FAE]  }
0x30: {  	s3 =	sld [smem:$0x3FB1]  }
0x31: {  	[smem:$0x3FBA] =	sst s10  }
0x32: {  	s10 =	sld [smem:$0x3FB8];
	_ =	sdelay $0x3  }
0x33: {  	p0 =	seq.s32 s10, $0x1;
	s10 =	sld [smem:$0x3FBA];
	_ =	sdelay $0x3  }
0x34: {  	[smem:$0x3FBA] =	sst s10  }
0x35: {  	s10 =	sld [smem:$0x3FB9];
	_ =	sdelay $0x3  }
0x36: {  	p1 =	seq.s32 s10, $0x1;
	s10 =	sld [smem:$0x3FBA];
	_ =	sdelay $0x3  }
0x37: {  	[smem:$0x3FBA] =	sst s10  }
0x38: {  	s10 =	sld [smem:$0x3FBB]  }
0x39: {  	_ = 	snop;
	(pc) =	sbr.ind lr, $3  }
0x3a: {  	_ = 	snop  }
0x3b: {  	_ = 	snop  }
0x3c: {  	p2 =	seq.s32 s10, $0x1;
	s10 =	sld [smem:$0x3FBA]  }
0x3d: {  	_ =	shalt  }
0x3e: {  	_ =	shalt  }
0x3f: {  	_ =	shalt  }
0x40: {  	_ =	shalt  }
0x41: {  	_ =	shalt  }
0x42: {  	_ =	shalt  }
0x43: {  	_ =	shalt  }
0x44: {  	_ =	shalt  }
0x45: {  	_ =	shalt  }
0x46: {  	_ =	shalt  }
0x47: {  	_ =	shalt  }
0x48: {  	_ =	shalt  }
0x49: {  	_ =	shalt  }
0x4a: {  	_ =	shalt  }
0x4b: {  	_ =	shalt  }
0x4c: {  	_ =	shalt  }
0x4d: {  	_ =	shalt  }
0x4e: {  	_ =	shalt  }
0x4f: {  	_ =	shalt  }
0x50: {  	_ =	shalt  }
0x51: {  	_ =	shalt  }
0x52: {  	_ =	shalt  }
0x53: {  	_ =	shalt  }
0x54: {  	_ =	shalt  }
0x55: {  	_ =	shalt  }
0x56: {  	_ =	shalt  }
0x57: {  	_ =	shalt  }
0x58: {  	_ =	shalt  }
0x59: {  	_ =	shalt  }
0x5a: {  	_ =	shalt  }
0x5b: {  	_ =	shalt  }
0x5c: {  	_ =	shalt  }
0x5d: {  	_ =	shalt  }
0x5e: {  	_ =	shalt  }
0x5f: {  	_ =	shalt  }
0x60: {  	_ =	shalt  }
0x61: {  	_ =	shalt  }
0x62: {  	_ =	shalt  }
0x63: {  	_ =	shalt  }
0x64: {  	_ =	shalt  }
0x65: {  	_ =	shalt  }
0x66: {  	_ =	shalt  }
0x67: {  	_ =	shalt  }
0x68: {  	_ =	shalt  }
0x69: {  	_ =	shalt  }
0x6a: {  	_ =	shalt  }
0x6b: {  	_ =	shalt  }
0x6c: {  	_ =	shalt  }
0x6d: {  	_ =	shalt  }
0x6e: {  	_ =	shalt  }
0x6f: {  	_ =	shalt  }
0x70: {  	_ =	shalt  }
0x71: {  	_ =	shalt  }
0x72: {  	_ =	shalt  }
0x73: {  	_ =	shalt  }
0x74: {  	_ =	shalt  }
0x75: {  	_ =	shalt  }
0x76: {  	_ =	shalt  }
0x77: {  	_ =	shalt  }
0x78: {  	_ =	shalt  }
0x79: {  	_ =	shalt  }
0x7a: {  	_ =	shalt  }
0x7b: {  	_ =	shalt  }
0x7c: {  	_ =	shalt  }
0x7d: {  	_ =	shalt  }
0x7e: {  	_ =	shalt  }
0x7f: {  	_ =	shalt  }
0x80: {  	_ =	shalt  }
0x81: {  	_ =	shalt  }
0x82: {  	_ =	shalt  }
0x83: {  	_ =	shalt  }
0x84: {  	_ =	shalt  }
0x85: {  	_ =	shalt  }
0x86: {  	_ =	shalt  }
0x87: {  	_ =	shalt  }
.Lfunc_end0:
.L_simem_size_0:
called_computation_lowered:
.L_overlay_start_0:
0x88: {  	s2 =	sld [smem:$0x3FD9]  }
0x89: {  	s3 =	sld [smem:$0x3FFE];
	_ =	sdelay $0x1  }
0x8a: {  	s1 =	srdreg.scid  }
0x8b: {  	s0 =	sand.u32 $0x1, s1  }
0x8c: {  	s17 =	sshll.u32 s0, $0xA;
	s2 =	sadd.s32 s3, s2  }
0x8d: {  	s2 =	sadd.s32 s2, s17  }
0x8e: {  	[smem:$0x3FC6] =	sst s2  }
0x8f: {  	_ = 	snop  }
0x90: {  	s2 =	sld [smem:$0x3FC8]  }
0x91: {  	s18 =	sld [smem:$0x3FD0];
	(tm) =	ssettm $0x1  }
0x92: {  	s4 =	sld [smem:$0x3FFB];
	_ =	sdelay $0x3  }
0x93: {  	_ =	strace s4  }
0x94: {  	s4 =	sld [smem:$0x3FFC];
	_ =	sdelay $0x3  }
0x95: {  	_ =	strace s4  }
0x96: {  	s4 =	sld [smem:$0x3FFD];
	_ =	sdelay $0x3  }
0x97: {  	_ =	strace s4  }
0x98: {  	_ =	strace $0x8FFFFFFF  }
0x99: {  	s19 =	sld [smem:$0x3FDB];
	_ =	sdelay $0x1  }
0x9a: {  	s5 =	simm.s32 $_scs_section_size  }
0x9b: {  	s6 =	simm.s32 $_size__tile_overlayer_lowered;
	s7 =	simm.s32 $_tile_overlayer_lowered  }
0x9c: {  	s22 =	simm.s32 $0x1BFF;
	s21 =	sshll.u32 s7, $0x1;
	s4 =	sadd.s32 s5, s19  }
0x9d: {  	s8 =	simm.s32 $0x0;
	s20 =	sshll.u32 s6, $0x1;
	s6 =	sadd.s32 s21, s4  }
0x9e: {  	[timem:s8], [sflag:s22] =	dma.local [hbm:s6], s20  }
0x9f: {  	_ =	swait.ge [sflag:s22], s20  }
0xa0: {  	s5 =	ssub.s32 $0x0, s20;
	[sflag:s22] =	ssyncset.done $0x0  }
0xa1: {  	[sflag:s22] =	ssyncadd.s32 s5;
	_ =	sdelay $0x1  }
0xa2: {  	s23 =	simm.s32 $0x1B8B  }
0xa3: {  	_ =	swait.ge [sflag:s23], $0x1  }
0xa4: {  	[sflag:s23] =	ssyncset.done $0x0  }
0xa5: {  	s25 =	simm.s32 $0x1B8E;
	s24 =	sld [smem:$0x3FFE];
	[sflag:s23] =	ssyncadd.s32 $0xFFFFFFFF  }
0xa6: {  	s26 =	simm.s32 $execute0_lowered;
	[smem:$0x3FD2] =	sst s25  }
0xa7: {  	s6 =	sshll.u32 s26, $0x1;
	_ =	strace $0x80000046;
	[dreg:$0x1] =	wrdreg $0xFFFFFFFF  }
0xa8: {  	s28 =	simm.s32 $_size_execute0_lowered;
	s4 =	sadd.s32 s4, s6;
	[dreg:$0x0] =	wrdreg $0x0  }
0xa9: {  	s6 =	sshll.u32 s28, $0x1;
	[dreg:$0x2] =	wrdreg s4  }
0xaa: {  	[dreg:$0x3] =	wrdreg s6  }
0xab: {  	[dreg:$0x4] =	wrdreg $0xC0  }
0xac: {  	_ =	task [dreg:s8], $0x5FFFF  }
0xad: {  	[dreg:$0x1] =	wrdreg $0xFFFFFFFF  }
0xae: {  	[dreg:$0x0] =	wrdreg $0x60  }
0xaf: {  	[dreg:$0x2] =	wrdreg s18  }
0xb0: {  	[dreg:$0x3] =	wrdreg s2  }
0xb1: {  	[dreg:$0x4] =	wrdreg s24  }
0xb2: {  	[dreg:$0x5] =	wrdreg $0x9  }
0xb3: {  	_ =	task.clear_ibuf [dreg:s8], $0x6FFFF;
	_ =	strace $0x90000046  }
0xb4: {  	s29 =	simm.s32 $0x9;
	_ =	strace $0x80000048  }
0xb5: {  	_ =	swait.ge [sflag:s29], $0x1  }
0xb6: {  	[sflag:s29] =	ssyncadd.s32 $0xFFFFFFFF  }
0xb7: {  	_ =	strace $0x90000048  }
0xb8: {  	_ =	sfence  }
0xb9: {  	s30 =	sld [smem:$0x0];
	_ =	sdelay $0x2  }
0xba: {  	s31 =	sshll.u32 s1, $0xD;
	s1 =	sshrl.u32 s1, $0x2  }
0xbb: {  	s3 =	sand.u32 $0x4000, s31;
	s1 =	sadd.s32 s1, s30  }
0xbc: {  	s0 =	sor.u32 s3, s0;
	s1 =	sshll.u32 s1, $0x11  }
0xbd: {  	s0 =	sor.u32 s1, s0  }
0xbe: {  	s0 =	sadd.s32 $0x8F2B, s0  }
0xbf: {  	[sflag:s0] =	ssyncadd.remote.s32 $0x1  }
0xc0: {  	_ =	sfence.sel $0xFFFF  }
0xc1: {  	[dreg:$0x0] =	wrdreg $0xFFFFFFFF;
	(pc) =	sbr.abs _section_cstart, $3  }
0xc2: {  	[dreg:$0x1] =	wrdreg $0xFFFFFFFF  }
0xc3: {  	_ =	task.clear_ibuf [dreg:s8], $0x2FFFF;
	_ =	strace $0x9FFFFFFF  }
0xc4: {  	(tm) =	ssettm $0x7FFFFFFF  }
0xc5: {  	_ =	shalt  }
tec
execute0_lowered:
.L_overlay_start_1:
0x0: {  	(tag) =	ssettag $0x1  }
0x1: {  	s0 =	srdreg.scid;
	s5 =	rddreg [dreg:$0x0]  }
0x2: {  	s6 =	simm.s32 $0x1;
	s8 =	rddreg [dreg:$0x2];
	s4 =	sand.u32 $0x1, s0  }
0x3: {  	s13 =	simm.s32 $0x16000;
	s0 =	stileid.u32;
	s1 =	sshll.u32 s4, $0x4  }
0x4: {  	s14 =	simm.s32 $0x16200;
	s3 =	sand.u32 $0x3, s0;
	s2 =	sor.u32 s0, s1  }
0x5: {  	s15 =	simm.s32 $0x15700;
	p0 =	sne.s32 s3, $0x0;
	p1 =	seq.s32 s2, $0x0  }
0x6: {  	s16 =	simm.s32 $0xAB80;
	s17 =	simm.s32 $0x0;
	p1 =	por !p0, !p1  }
0x7: {  	s10 =	ssub.s32 $0x2, s4;
	s7 =	smul.u32 $0x9740, s3;
	p1 =	por !p1, !p1  }
0x8: {  	s4 =	simm.s32 $0x1;
	s2 =	sshrl.u32 s2, $0x2;
	s6 =	simm.s32 @!p1 $0x0  }
0x9: {  	s1 =	rddreg [dreg:$0x1];
	s9 =	sadd.s32 $0x1400, s7;
	s2 =	ssub.s32 s2, s6  }
0xa: {  	v0 =	vlaneseq.u32;
	v1 =	vimm.f32 $0.0e+00;
	vm0 =	vcmask $0xF00;
	p1 =	seq.s32 s3, $0x0;
	s3 =	simm.s32 $0x0;
	s6 =	smul.u32 $0x27100, s2  }
0xb: {  	v6 =	vimm.s32 $0x1;
	v5 =	vimm.s32 $0x0;
	vm1 =	vcmask $0x2F00;
	s31 =	sshrl.u32 s10, $0x1;
	s9 =	simm.s32 @p1 $0x0;
	[smem:$0x7FF] =	sst s3  }
0xc: {  	v8 =	vimm.s32 $0x3;
	v9 =	vimm.s32 $0x5;
	v11 =	vimm.s32 $0x7;
	s2 =	rddreg [dreg:$0x3];
	_ =	strace $0x80000047;
	s9 =	sadd.s32 s9, s6  }
0xd: {  	v12 =	vimm.s32 $0x9;
	v14 =	vimm.s32 $0xD;
	v15 =	vimm.s32 $0xB;
	s6 =	sadd.s32 s7, s6;
	s7 =	simm.s32 $0x890;
	s9 =	sshrl.u32 s9, $0x3  }
0xe: {  	v17 =	vimm.s32 $0xF;
	v2 =	vmul.u32 $0xFFFFFFFF, v0;
	v3 =	vor.u32 $0x1E0, v0;
	s8 =	sadd.s32 s9, s8;
	s9 =	ssub.s32 s10, s31;
	s10 =	simm.s32 $0x0  }
0xf: {  	v4 =	vor.u32 $0x1F0, v0;
	v16 =	vshrl.u32 v0, $0x3;
	v6 =	vsel vm0, $0x0, v6;
	s6 =	sshrl.u32 s6, $0x3;
	s7 =	simm.s32 @!p1 $0x790;
	s10 =	simm.s32 @!p1 $0x100  }
0x10: {  	v8 =	vsel vm1, $0x2, v8;
	v9 =	vsel vm0, $0x4, v9;
	v11 =	vsel vm1, $0x6, v11;
	s5 =	sadd.s32 s5, s6;
	s6 =	sshrl.u32 s7, $0x1;
	s11 =	sshrl.u32 s10, $0x1  }
0x11: {  	v12 =	vsel vm0, $0x8, v12;
	v14 =	vsel vm0, $0xC, v14;
	v15 =	vsel vm1, $0xA, v15;
	s12 =	sshrl.u32 s7, $0x4;
	s10 =	smul.u32 $0x14, s10;
	s11 =	smax.u32 s11, $0x1  }
0x12: {  	v17 =	vsel vm1, $0xE, v17;
	v7 =	vadd.s32 $0x1, v16;
	v10 =	vadd.s32 $0x5, v16;
	s7 =	sadd.s32 $0x400, s8;
	s9 =	smax.u32 s9, $0x1;
	s8 =	smul.u32 $0x28, s11  }
0x13: {  	v13 =	vadd.s32 $0x9, v16;
	v16 =	vadd.s32 $0xD, v16;
	v2 =	vadd.s32 $0xF, v2;
	s10 =	sor.u32 $0x24, s10;
	s11 =	smul.u32 $0x140, s12;
	s12 =	simm.s32 $0x16280  }
.LBB2_1:
0x14: {  	[tilespmem:s3], [sflag:$0x1] =	stream.linear.gather [hbm4b:s5+s3], $0xAB40, $0x38;
	[tilespmem:$0x16480] =	vst v63  }
0x15: {  	_ =	swait.ge [sflag:s4], $0xAB40  }
0x16: {  	[sflag:s4] =	ssyncset.done $0x0  }
0x17: {  	[sflag:s4] =	ssyncadd.s32 $0xFFFF54C0  }
0x18: {  	[tilespmem:s12], [sflag:$0x1] =	stream.linear.gather [hbm4b:s1+s3], $0x200, $0x38;
	[tilespmem:$0x16480] =	vst v63  }
0x19: {  	_ =	swait.ge [sflag:s4], $0x200  }
0x1a: {  	[sflag:s4] =	ssyncset.done $0x0  }
0x1b: {  	[sflag:s4] =	ssyncadd.s32 $0xFFFFFE00  }
0x1c: {  	[tilespmem:$0x16000] =	vst v1  }
0x1d: {  	[tilespmem:$0x16010] =	vst v1  }
0x1e: {  	[tilespmem:$0x16020] =	vst v1  }
0x1f: {  	[tilespmem:$0x16030] =	vst v1  }
0x20: {  	[tilespmem:$0x16040] =	vst v1  }
0x21: {  	[tilespmem:$0x16050] =	vst v1  }
0x22: {  	[tilespmem:$0x16060] =	vst v1  }
0x23: {  	[tilespmem:$0x16070] =	vst v1  }
0x24: {  	[tilespmem:$0x16080] =	vst v1  }
0x25: {  	[tilespmem:$0x16090] =	vst v1  }
0x26: {  	[tilespmem:$0x160A0] =	vst v1  }
0x27: {  	[tilespmem:$0x160B0] =	vst v1  }
0x28: {  	[tilespmem:$0x160C0] =	vst v1  }
0x29: {  	[tilespmem:$0x160D0] =	vst v1  }
0x2a: {  	[tilespmem:$0x160E0] =	vst v1  }
0x2b: {  	[tilespmem:$0x160F0] =	vst v1  }
0x2c: {  	[tilespmem:$0x16100] =	vst v1  }
0x2d: {  	[tilespmem:$0x16110] =	vst v1  }
0x2e: {  	[tilespmem:$0x16120] =	vst v1  }
0x2f: {  	[tilespmem:$0x16130] =	vst v1  }
0x30: {  	[tilespmem:$0x16140] =	vst v1  }
0x31: {  	[tilespmem:$0x16150] =	vst v1  }
.Ltmp0:
0x32: {  	[tilespmem:$0x16160] =	vst v1;
	(pc) =	sbr.rel @!p1 .LBB2_2-.Ltmp0, $4  }
0x33: {  	[tilespmem:$0x16170] =	vst v1  }
0x34: {  	[tilespmem:$0x16180] =	vst v1  }
0x35: {  	s19 =	simm.f32 $1.000000000e+00;
	[tilespmem:$0x16190] =	vst v1  }
0x36: {  	s18 =	simm.f32 $0.0e+00;
	s20 =	simm.s32 $0x0;
	s21 =	simm.s32 $0x0;
	[tilespmem:$0x16200] =	vst v1  }
.LBB2_5:
.Ltmp1:
0x37: {  	(pc) =	sbr.rel .LBB2_6-.Ltmp1, $2  }
0x38: {  	_ =	sdelay $0x2  }
0x39: {  	s20 =	simm.s32 $0x1;
	s21 =	smov.u32 s10;
	s22 =	smov.u32 s6  }
.LBB2_8:
0x3a: {  	s22 =	sadd.s32 $0xFFFFFFFF, s22  }
0x3b: {  	p3 =	sne.s32 s22, $0x0  }
.Ltmp2:
0x3c: {  	_ = 	snop;
	(pc) =	sbr.rel @!p3 .LBB2_9-.Ltmp2, $4  }
0x3d: {  	s19 =	smul.f32 $1.059463140e+00, s19  }
0x3e: {  	p2 =	seq.s32 s23, $0x1F;
	s23 =	smul.f32 $1.574901340e-01, s18  }
0x3f: {  	s20 =	sadd.s32 $0x2, s20  }
0x40: {  	s21 =	sadd.s32 $0x28, s21;
	s19 =	simm.s32 @p2 $0x3F800000;
	s18 =	smov.u32 @p2 s23  }
.LBB2_6:
0x41: {  	s23 =	sadd.s32 $0xFFFFFFDC, s21  }
0x42: {  	s26 =	sadd.s32 $0xFFFFFFEC, s21;
	v18 =	vadd.s32 s23, v0  }
0x43: {  	v19 =	vadd.s32 s26, v0;
	_ =	sdelay $0x3  }
0x44: {  	v18 =	vld.idx.msk [tilespmem:v18+s3+$0x0], $0xffff  }
0x45: {  	v19 =	vld.idx.msk [tilespmem:v19+s3+$0x0], $0xffff;
	_ =	sdelay $0x3  }
0x46: {  	v18 =	vmul.f32 $4.000000000e+02, v18  }
0x47: {  	v19 =	vmul.f32 $4.000000000e+02, v19  }
0x48: {  	s28 =	sadd.s32 $0xFFFFFFF0, s21;
	v21 =	vadd.s32 s21, v0;
	v18 =	vtrunc.f32 v18  }
0x49: {  	v20 =	vadd.s32 s28, v0;
	v19 =	vtrunc.f32 v19;
	v18 =	vcvt.f32.s32 v18  }
0x4a: {  	v19 =	vcvt.f32.s32 v19;
	_ =	sdelay $0x1  }
0x4b: {  	v22 =	vshra.s32 v18, $0x5  }
0x4c: {  	v21 =	vld.idx.msk [tilespmem:v21+s3+$0x0], $0xffff;
	v23 =	vshra.s32 v19, $0x5  }
0x4d: {  	v24 =	vmov s19;
	v20 =	vld.idx.msk [tilespmem:v20+s3+$0x0], $0xffff  }
0x4e: {  	[tilespmem:v18+s13+$0x0] =	vst.idx.add.f32.msk $0xffff, v24  }
0x4f: {  	[tilespmem:v19+s13+$0x0] =	vst.idx.add.f32.msk $0xf, v24  }
0x50: {  	[tilespmem:v22+s14+$0x0] =	vst.idx.add.f32.msk $0xffff, v24  }
0x51: {  	[tilespmem:v23+s14+$0x0] =	vst.idx.add.f32.msk $0xf, v24  }
0x52: {  	v18 =	vld [tilespmem:$0x16200];
	_ =	sdelay $0x4  }
0x53: {  	v18 =	vperm.xlane v18, v2;
	_ =	sdelay $0x1  }
0x54: {  	(xrf2) =	vadd.scan.msk.f32 $0xffff, v18;
	_ =	sdelay $0x6  }
0x55: {  	s29 =	smul.f32 $2.000000000e+01, s19;
	_ =	sdelay $0x1  }
0x56: {  	s18 =	sadd.f32 s29, s18  }
0x57: {  	v18, _, _ =	vpop (xrf2)  }
0x58: {  	s23 =	smul.f32 $5.000000070e-02, s18;
	v18 =	vperm.xlane v18, v2;
	_ =	sdelay $0x1  }
0x59: {  	vm0 =	vle.f32 v18, s23  }
0x5a: {  	v19 =	vmpcnt.ones.xlane vm0;
	_ =	sdelay $0x1  }
0x5b: {  	v49 =	vshll.u32 v19, $0x5  }
0x5c: {  	v50 =	vsub.s32 v4, v49;
	_ =	sdelay $0x4  }
0x5d: {  	v51 =	vsub.s32 v3, v49;
	v23 =	vld.idx.msk [tilespmem:v50+s13+$0x0], $0xffff;
	_ =	sdelay $0x4  }
0x5e: {  	v24 =	vld.idx.msk [tilespmem:v51+s13+$0x0], $0xffff;
	v23 =	vperm.xlane v23, v2;
	_ =	sdelay $0x1  }
0x5f: {  	(xrf2) =	vadd.scan.msk.f32 $0xffff, v23;
	_ =	sdelay $0x2  }
0x60: {  	v52 =	vperm.xlane v24, v2;
	_ =	sdelay $0x1  }
0x61: {  	(xrf2) =	vadd.scan.msk.f32 $0xffff, v52;
	_ =	sdelay $0x4  }
0x62: {  	v19 =	vsub.s32 $0x10, v19;
	v53, _, _ =	vpop (xrf2)  }
0x63: {  	v18 =	vperm.xlane v18, v19;
	v19 =	vperm.xlane v53, v2;
	_ =	sdelay $0x2  }
0x64: {  	v18 =	vadd.f32 v19, v18  }
0x65: {  	v19, _, _ =	vpop (xrf2)  }
0x66: {  	v54 =	vperm.xlane v18, v5;
	v19 =	vperm.xlane v19, v2;
	_ =	sdelay $0x1  }
0x67: {  	v19 =	vadd.f32 v54, v19;
	_ =	sdelay $0x1  }
0x68: {  	vm11 =	vle.f32 v19, s23  }
0x69: {  	vm12 =	vle.f32 v18, s23;
	v19 =	vmpcnt.ones.xlane vm11  }
0x6a: {  	v18 =	vmpcnt.ones.xlane vm12  }
0x6b: {  	v19 =	vadd.s32 v19, v49  }
0x6c: {  	v18 =	vadd.s32 v18, v19  }
0x6d: {  	v18 =	vsub.s32 $0x1FF, v18;
	_ =	sdelay $0x2  }
0x6e: {  	s30 =	sadd.s32 $0xFFFFFFFF, s20  }
0x6f: {  	v55 =	vmov s30;
	v19 =	vmul.f32 $4.000000000e+02, v20  }
0x70: {  	v21 =	vmul.f32 $4.000000000e+02, v21;
	v20 =	vand.u32 $0xFFFFFFFE, v55;
	v18 =	vld.idx.msk [tilespmem:v18+s12+$0x0], $0xffff  }
0x71: {  	v20 =	vbroadcast v20, $0x0;
	v19 =	vtrunc.f32 v19  }
0x72: {  	v21 =	vtrunc.f32 v21;
	v19 =	vcvt.f32.s32 v19  }
0x73: {  	v21 =	vcvt.f32.s32 v21;
	_ =	sdelay $0x1  }
0x74: {  	s19 =	smul.f32 $1.059463140e+00, s19;
	v56 =	vshra.s32 v19, $0x5;
	v18 =	vmul.f32 $5.000000000e-01, v18  }
0x75: {  	v57 =	vshra.s32 v21, $0x5  }
0x76: {  	[tilespmem:v20+s15+$0x0] =	vst.idx.msk $0x1, v18;
	v18 =	vmov s19  }
0x77: {  	[tilespmem:v19+s13+$0x0] =	vst.idx.add.f32.msk $0xffff, v18  }
0x78: {  	[tilespmem:v21+s13+$0x0] =	vst.idx.add.f32.msk $0xf, v18  }
0x79: {  	[tilespmem:v56+s14+$0x0] =	vst.idx.add.f32.msk $0xffff, v18  }
0x7a: {  	[tilespmem:v57+s14+$0x0] =	vst.idx.add.f32.msk $0xf, v18  }
0x7b: {  	v18 =	vld [tilespmem:$0x16200];
	_ =	sdelay $0x4  }
0x7c: {  	v18 =	vperm.xlane v18, v2;
	_ =	sdelay $0x1  }
0x7d: {  	(xrf2) =	vadd.scan.msk.f32 $0xffff, v18;
	_ =	sdelay $0x6  }
0x7e: {  	s31 =	smul.f32 $2.000000000e+01, s19;
	_ =	sdelay $0x1  }
0x7f: {  	s18 =	sadd.f32 s31, s18  }
0x80: {  	v18, _, _ =	vpop (xrf2)  }
0x81: {  	s23 =	smul.f32 $5.000000070e-02, s18;
	v18 =	vperm.xlane v18, v2;
	_ =	sdelay $0x1  }
0x82: {  	vm13 =	vle.f32 v18, s23  }
0x83: {  	v19 =	vmpcnt.ones.xlane vm13;
	_ =	sdelay $0x1  }
0x84: {  	v58 =	vshll.u32 v19, $0x5  }
0x85: {  	v59 =	vsub.s32 v4, v58;
	_ =	sdelay $0x4  }
0x86: {  	v60 =	vsub.s32 v3, v58;
	v21 =	vld.idx.msk [tilespmem:v59+s13+$0x0], $0xffff;
	_ =	sdelay $0x4  }
0x87: {  	v22 =	vld.idx.msk [tilespmem:v60+s13+$0x0], $0xffff;
	v21 =	vperm.xlane v21, v2;
	_ =	sdelay $0x1  }
0x88: {  	(xrf2) =	vadd.scan.msk.f32 $0xffff, v21;
	_ =	sdelay $0x2  }
0x89: {  	v61 =	vperm.xlane v22, v2;
	_ =	sdelay $0x1  }
0x8a: {  	(xrf2) =	vadd.scan.msk.f32 $0xffff, v61;
	_ =	sdelay $0x4  }
0x8b: {  	v19 =	vsub.s32 $0x10, v19;
	v62, _, _ =	vpop (xrf2)  }
0x8c: {  	v18 =	vperm.xlane v18, v19;
	v19 =	vperm.xlane v62, v2;
	_ =	sdelay $0x2  }
0x8d: {  	v18 =	vadd.f32 v19, v18  }
0x8e: {  	v19, _, _ =	vpop (xrf2)  }
0x8f: {  	v63 =	vperm.xlane v18, v5;
	v19 =	vperm.xlane v19, v2;
	_ =	sdelay $0x1  }
0x90: {  	v19 =	vadd.f32 v63, v19;
	_ =	sdelay $0x1  }
0x91: {  	vm14 =	vle.f32 v19, s23  }
0x92: {  	vm15 =	vle.f32 v18, s23;
	v19 =	vmpcnt.ones.xlane vm14  }
0x93: {  	v18 =	vmpcnt.ones.xlane vm15  }
0x94: {  	v19 =	vadd.s32 v19, v58  }
0x95: {  	v18 =	vadd.s32 v18, v19  }
0x96: {  	v18 =	vsub.s32 $0x1FF, v18;
	_ =	sdelay $0x4  }
0x97: {  	v18 =	vld.idx.msk [tilespmem:v18+s12+$0x0], $0xffff  }
0x98: {  	s23 =	sand.u32 $0x1F, s20  }
0x99: {  	p2 =	sne.s32 s23, $0x1F;
	v19 =	vmov s20  }
.Ltmp3:
0x9a: {  	_ = 	snop;
	(pc) =	sbr.rel @p2 .LBB2_8-.Ltmp3, $3  }
0x9b: {  	_ = 	snop  }
0x9c: {  	v18 =	vmul.f32 $5.000000000e-01, v18;
	_ =	sdelay $0x1  }
0x9d: {  	[tilespmem:v19+s15+$0x0] =	vst.idx.msk $0x1, v18  }
0x9e: {  	v18 =	vld [tilespmem:$0x16000]  }
0x9f: {  	v19 =	vld [tilespmem:$0x16010]  }
0xa0: {  	v20 =	vld [tilespmem:$0x16020]  }
0xa1: {  	v21 =	vld [tilespmem:$0x16030]  }
0xa2: {  	v22 =	vld [tilespmem:$0x16040]  }
0xa3: {  	v23 =	vld [tilespmem:$0x16050];
	v18 =	vmul.f32 $1.574901340e-01, v18  }
0xa4: {  	v24 =	vld [tilespmem:$0x16060];
	v19 =	vmul.f32 $1.574901340e-01, v19  }
0xa5: {  	v45 =	vld [tilespmem:$0x16070];
	[tilespmem:$0x16000] =	vst v18;
	v18 =	vmul.f32 $1.574901340e-01, v20  }
0xa6: {  	v46 =	vld [tilespmem:$0x16080];
	[tilespmem:$0x16010] =	vst v19;
	v19 =	vmul.f32 $1.574901340e-01, v21  }
0xa7: {  	v47 =	vld [tilespmem:$0x16090];
	[tilespmem:$0x16020] =	vst v18;
	v18 =	vmul.f32 $1.574901340e-01, v22  }
0xa8: {  	v48 =	vld [tilespmem:$0x160A0];
	[tilespmem:$0x16030] =	vst v19;
	v19 =	vmul.f32 $1.574901340e-01, v23  }
0xa9: {  	v49 =	vld [tilespmem:$0x160B0];
	[tilespmem:$0x16040] =	vst v18;
	v18 =	vmul.f32 $1.574901340e-01, v24  }
0xaa: {  	v50 =	vld [tilespmem:$0x160C0];
	[tilespmem:$0x16050] =	vst v19;
	v19 =	vmul.f32 $1.574901340e-01, v45  }
0xab: {  	v51 =	vld [tilespmem:$0x160D0];
	[tilespmem:$0x16060] =	vst v18;
	v18 =	vmul.f32 $1.574901340e-01, v46  }
0xac: {  	v52 =	vld [tilespmem:$0x160E0];
	[tilespmem:$0x16070] =	vst v19;
	v19 =	vmul.f32 $1.574901340e-01, v47  }
0xad: {  	v53 =	vld [tilespmem:$0x160F0];
	[tilespmem:$0x16080] =	vst v18;
	v18 =	vmul.f32 $1.574901340e-01, v48  }
0xae: {  	v54 =	vld [tilespmem:$0x16100];
	[tilespmem:$0x16090] =	vst v19;
	v19 =	vmul.f32 $1.574901340e-01, v49  }
0xaf: {  	v55 =	vld [tilespmem:$0x16110];
	[tilespmem:$0x160A0] =	vst v18;
	v18 =	vmul.f32 $1.574901340e-01, v50  }
0xb0: {  	v56 =	vld [tilespmem:$0x16120];
	[tilespmem:$0x160B0] =	vst v19;
	v19 =	vmul.f32 $1.574901340e-01, v51  }
0xb1: {  	v57 =	vld [tilespmem:$0x16130];
	[tilespmem:$0x160C0] =	vst v18;
	v18 =	vmul.f32 $1.574901340e-01, v52  }
0xb2: {  	v58 =	vld [tilespmem:$0x16140];
	[tilespmem:$0x160D0] =	vst v19;
	v19 =	vmul.f32 $1.574901340e-01, v53  }
0xb3: {  	v59 =	vld [tilespmem:$0x16150];
	[tilespmem:$0x160E0] =	vst v18;
	v18 =	vmul.f32 $1.574901340e-01, v54  }
0xb4: {  	v60 =	vld [tilespmem:$0x16160];
	[tilespmem:$0x160F0] =	vst v19;
	v19 =	vmul.f32 $1.574901340e-01, v55  }
0xb5: {  	v61 =	vld [tilespmem:$0x16170];
	[tilespmem:$0x16100] =	vst v18;
	v18 =	vmul.f32 $1.574901340e-01, v56  }
0xb6: {  	v62 =	vld [tilespmem:$0x16180];
	[tilespmem:$0x16110] =	vst v19;
	v19 =	vmul.f32 $1.574901340e-01, v57  }
0xb7: {  	v63 =	vld [tilespmem:$0x16200];
	[tilespmem:$0x16120] =	vst v18;
	v18 =	vmul.f32 $1.574901340e-01, v58  }
0xb8: {  	[tilespmem:$0x16130] =	vst v19;
	v19 =	vmul.f32 $1.574901340e-01, v59  }
0xb9: {  	[tilespmem:$0x16140] =	vst v18;
	v18 =	vmul.f32 $1.574901340e-01, v60  }
.Ltmp4:
0xba: {  	[tilespmem:$0x16150] =	vst v19;
	v19 =	vmul.f32 $1.574901340e-01, v61;
	(pc) =	sbr.rel .LBB2_8-.Ltmp4, $4  }
0xbb: {  	[tilespmem:$0x16160] =	vst v18;
	v18 =	vmul.f32 $1.574901340e-01, v62  }
0xbc: {  	[tilespmem:$0x16170] =	vst v19;
	v19 =	vmul.f32 $1.574901340e-01, v63  }
0xbd: {  	[tilespmem:$0x16180] =	vst v18  }
0xbe: {  	[tilespmem:$0x16200] =	vst v19  }
.LBB2_4:
0xbf: {  	s19 =	smul.f32 $2.000000000e+01, s19;
	_ =	sdelay $0x1  }
0xc0: {  	s31 =	smul.f32 $2.000000000e+01, s22;
	s20 =	sadd.s32 $0x28, s20;
	s18 =	sadd.f32 s19, s18  }
0xc1: {  	p3 =	sne.s32 s8, s20  }
.Ltmp5:
0xc2: {  	s18 =	sadd.f32 s31, s18;
	(pc) =	sbr.rel @!p3 .LBB2_5-.Ltmp5, $4  }
0xc3: {  	s19 =	smul.f32 $1.059463140e+00, s22  }
0xc4: {  	s22 =	smul.f32 $1.574901340e-01, s18  }
0xc5: {  	p2 =	seq.s32 s23, $0xF  }
0xc6: {  	s21 =	sadd.s32 $0x1, s21;
	s19 =	simm.s32 @p2 $0x3F800000;
	s18 =	smov.u32 @p2 s22  }
.LBB2_2:
0xc7: {  	v18 =	vadd.s32 s20, v0;
	s22 =	sadd.s32 $0x10, s20  }
0xc8: {  	v19 =	vadd.s32 s22, v0;
	_ =	sdelay $0x1  }
0xc9: {  	s30 =	sadd.s32 $0x14, s20  }
0xca: {  	s31 =	sadd.s32 $0x24, s20;
	v20 =	vadd.s32 s30, v0  }
0xcb: {  	v21 =	vadd.s32 s31, v0;
	v18 =	vld.idx.msk [tilespmem:v18+s3+$0x0], $0xffff  }
0xcc: {  	v19 =	vld.idx.msk [tilespmem:v19+s3+$0x0], $0xffff;
	_ =	sdelay $0x2  }
0xcd: {  	v20 =	vld.idx.msk [tilespmem:v20+s3+$0x0], $0xffff  }
0xce: {  	v21 =	vld.idx.msk [tilespmem:v21+s3+$0x0], $0xffff;
	v18 =	vmul.f32 $4.000000000e+02, v18  }
0xcf: {  	v19 =	vmul.f32 $4.000000000e+02, v19  }
0xd0: {  	v18 =	vtrunc.f32 v18  }
0xd1: {  	v18 =	vcvt.f32.s32 v18;
	v19 =	vtrunc.f32 v19  }
0xd2: {  	v20 =	vmul.f32 $4.000000000e+02, v20;
	v19 =	vcvt.f32.s32 v19  }
0xd3: {  	v21 =	vmul.f32 $4.000000000e+02, v21  }
0xd4: {  	v20 =	vtrunc.f32 v20;
	v22 =	vshra.s32 v18, $0x5  }
0xd5: {  	v21 =	vtrunc.f32 v21;
	v20 =	vcvt.f32.s32 v20;
	v23 =	vshra.s32 v19, $0x5  }
0xd6: {  	v24 =	vmov s19;
	v21 =	vcvt.f32.s32 v21  }
0xd7: {  	[tilespmem:v18+s13+$0x0] =	vst.idx.add.f32.msk $0xffff, v24  }
0xd8: {  	s23 =	sand.u32 $0xF, s21;
	s22 =	smul.f32 $1.059463140e+00, s19;
	v18 =	vshra.s32 v20, $0x5;
	[tilespmem:v19+s13+$0x0] =	vst.idx.add.f32.msk $0xf, v24  }
0xd9: {  	p2 =	sne.s32 s23, $0xF;
	v19 =	vshra.s32 v21, $0x5;
	[tilespmem:v22+s14+$0x0] =	vst.idx.add.f32.msk $0xffff, v24  }
.Ltmp6:
0xda: {  	v63 =	vmov s22;
	[tilespmem:v23+s14+$0x0] =	vst.idx.add.f32.msk $0xf, v24;
	(pc) =	sbr.rel @p2 .LBB2_4-.Ltmp6, $4  }
0xdb: {  	[tilespmem:v20+s13+$0x0] =	vst.idx.add.f32.msk $0xffff, v63  }
0xdc: {  	[tilespmem:v21+s13+$0x0] =	vst.idx.add.f32.msk $0xf, v63  }
0xdd: {  	[tilespmem:v18+s14+$0x0] =	vst.idx.add.f32.msk $0xffff, v63  }
0xde: {  	[tilespmem:v19+s14+$0x0] =	vst.idx.add.f32.msk $0xf, v63  }
0xdf: {  	v18 =	vld [tilespmem:$0x16000]  }
0xe0: {  	v19 =	vld [tilespmem:$0x16010]  }
0xe1: {  	v20 =	vld [tilespmem:$0x16020]  }
0xe2: {  	v21 =	vld [tilespmem:$0x16030]  }
0xe3: {  	v22 =	vld [tilespmem:$0x16040]  }
0xe4: {  	v23 =	vld [tilespmem:$0x16050];
	v18 =	vmul.f32 $1.574901340e-01, v18  }
0xe5: {  	v24 =	vld [tilespmem:$0x16060];
	v19 =	vmul.f32 $1.574901340e-01, v19  }
0xe6: {  	v45 =	vld [tilespmem:$0x16070];
	[tilespmem:$0x16000] =	vst v18;
	v18 =	vmul.f32 $1.574901340e-01, v20  }
0xe7: {  	v46 =	vld [tilespmem:$0x16080];
	[tilespmem:$0x16010] =	vst v19;
	v19 =	vmul.f32 $1.574901340e-01, v21  }
0xe8: {  	v47 =	vld [tilespmem:$0x16090];
	[tilespmem:$0x16020] =	vst v18;
	v18 =	vmul.f32 $1.574901340e-01, v22  }
0xe9: {  	v48 =	vld [tilespmem:$0x160A0];
	[tilespmem:$0x16030] =	vst v19;
	v19 =	vmul.f32 $1.574901340e-01, v23  }
0xea: {  	v49 =	vld [tilespmem:$0x160B0];
	[tilespmem:$0x16040] =	vst v18;
	v18 =	vmul.f32 $1.574901340e-01, v24  }
0xeb: {  	v50 =	vld [tilespmem:$0x160C0];
	[tilespmem:$0x16050] =	vst v19;
	v19 =	vmul.f32 $1.574901340e-01, v45  }
0xec: {  	v51 =	vld [tilespmem:$0x160D0];
	[tilespmem:$0x16060] =	vst v18;
	v18 =	vmul.f32 $1.574901340e-01, v46  }
0xed: {  	v52 =	vld [tilespmem:$0x160E0];
	[tilespmem:$0x16070] =	vst v19;
	v19 =	vmul.f32 $1.574901340e-01, v47  }
0xee: {  	v53 =	vld [tilespmem:$0x160F0];
	[tilespmem:$0x16080] =	vst v18;
	v18 =	vmul.f32 $1.574901340e-01, v48  }
0xef: {  	v54 =	vld [tilespmem:$0x16100];
	[tilespmem:$0x16090] =	vst v19;
	v19 =	vmul.f32 $1.574901340e-01, v49  }
0xf0: {  	v55 =	vld [tilespmem:$0x16110];
	[tilespmem:$0x160A0] =	vst v18;
	v18 =	vmul.f32 $1.574901340e-01, v50  }
0xf1: {  	v56 =	vld [tilespmem:$0x16120];
	[tilespmem:$0x160B0] =	vst v19;
	v19 =	vmul.f32 $1.574901340e-01, v51  }
0xf2: {  	v57 =	vld [tilespmem:$0x16130];
	[tilespmem:$0x160C0] =	vst v18;
	v18 =	vmul.f32 $1.574901340e-01, v52  }
0xf3: {  	v58 =	vld [tilespmem:$0x16140];
	[tilespmem:$0x160D0] =	vst v19;
	v19 =	vmul.f32 $1.574901340e-01, v53  }
0xf4: {  	v59 =	vld [tilespmem:$0x16150];
	[tilespmem:$0x160E0] =	vst v18;
	v18 =	vmul.f32 $1.574901340e-01, v54  }
0xf5: {  	v60 =	vld [tilespmem:$0x16160];
	[tilespmem:$0x160F0] =	vst v19;
	v19 =	vmul.f32 $1.574901340e-01, v55  }
0xf6: {  	v61 =	vld [tilespmem:$0x16170];
	[tilespmem:$0x16100] =	vst v18;
	v18 =	vmul.f32 $1.574901340e-01, v56  }
0xf7: {  	v62 =	vld [tilespmem:$0x16180];
	[tilespmem:$0x16110] =	vst v19;
	v19 =	vmul.f32 $1.574901340e-01, v57  }
0xf8: {  	v63 =	vld [tilespmem:$0x16200];
	[tilespmem:$0x16120] =	vst v18;
	v18 =	vmul.f32 $1.574901340e-01, v58  }
0xf9: {  	[tilespmem:$0x16130] =	vst v19;
	v19 =	vmul.f32 $1.574901340e-01, v59  }
0xfa: {  	[tilespmem:$0x16140] =	vst v18;
	v18 =	vmul.f32 $1.574901340e-01, v60  }
.Ltmp7:
0xfb: {  	[tilespmem:$0x16150] =	vst v19;
	v19 =	vmul.f32 $1.574901340e-01, v61;
	(pc) =	sbr.rel .LBB2_4-.Ltmp7, $4  }
0xfc: {  	[tilespmem:$0x16160] =	vst v18;
	v18 =	vmul.f32 $1.574901340e-01, v62  }
0xfd: {  	[tilespmem:$0x16170] =	vst v19;
	v19 =	vmul.f32 $1.574901340e-01, v63  }
0xfe: {  	[tilespmem:$0x16180] =	vst v18  }
0xff: {  	[tilespmem:$0x16200] =	vst v19  }
.LBB2_9:
0x100: {  	s18 =	simm.s32 $0x0  }
0x101: {  	v18 =	vmov s18;
	_ =	sdelay $0x4  }
0x102: {  	v20 =	vor.u32 s18, v0;
	v19 =	vld.idx.msk [tilespmem:v18+s15+$0x0], $0xffff  }
0x103: {  	v21 =	vor.u32 s18, v6;
	_ =	sdelay $0x3  }
0x104: {  	s19 =	simm.s32 $0x10;
	[tilespmem:v20+s16+$0x0] =	vst.idx.msk $0xffff, v19  }
0x105: {  	v20 =	vor.u32 s19, v0;
	v19 =	vld.idx.msk [tilespmem:v21+s15+$0x0], $0xffff  }
0x106: {  	v21 =	vor.u32 s18, v7;
	_ =	sdelay $0x3  }
0x107: {  	s24 =	simm.s32 $0x20;
	[tilespmem:v20+s16+$0x0] =	vst.idx.msk $0xffff, v19  }
0x108: {  	v20 =	vor.u32 s24, v0;
	v19 =	vld.idx.msk [tilespmem:v21+s15+$0x0], $0xffff  }
0x109: {  	v21 =	vor.u32 s18, v8;
	_ =	sdelay $0x3  }
0x10a: {  	s25 =	simm.s32 $0x30;
	[tilespmem:v20+s16+$0x0] =	vst.idx.msk $0xffff, v19  }
0x10b: {  	v20 =	vor.u32 s25, v0;
	v19 =	vld.idx.msk [tilespmem:v21+s15+$0x0], $0xffff  }
0x10c: {  	v21 =	vor.u32 $0x3, v18;
	_ =	sdelay $0x3  }
0x10d: {  	s26 =	simm.s32 $0x40;
	[tilespmem:v20+s16+$0x0] =	vst.idx.msk $0xffff, v19  }
0x10e: {  	v20 =	vor.u32 s26, v0;
	v19 =	vld.idx.msk [tilespmem:v21+s15+$0x0], $0xffff  }
0x10f: {  	v21 =	vor.u32 $0x4, v18;
	_ =	sdelay $0x3  }
0x110: {  	s28 =	simm.s32 $0x50;
	[tilespmem:v20+s16+$0x0] =	vst.idx.msk $0xffff, v19  }
0x111: {  	v20 =	vor.u32 s28, v0;
	v19 =	vld.idx.msk [tilespmem:v21+s15+$0x0], $0xffff  }
0x112: {  	v21 =	vor.u32 s18, v9;
	_ =	sdelay $0x3  }
0x113: {  	s29 =	simm.s32 $0x60;
	[tilespmem:v20+s16+$0x0] =	vst.idx.msk $0xffff, v19  }
0x114: {  	v20 =	vor.u32 s29, v0;
	v19 =	vld.idx.msk [tilespmem:v21+s15+$0x0], $0xffff  }
0x115: {  	v21 =	vor.u32 s18, v10;
	_ =	sdelay $0x3  }
0x116: {  	s30 =	simm.s32 $0x70;
	[tilespmem:v20+s16+$0x0] =	vst.idx.msk $0xffff, v19  }
0x117: {  	v20 =	vor.u32 s30, v0;
	v19 =	vld.idx.msk [tilespmem:v21+s15+$0x0], $0xffff  }
0x118: {  	v21 =	vor.u32 s18, v11;
	_ =	sdelay $0x3  }
0x119: {  	s31 =	simm.s32 $0x80;
	[tilespmem:v20+s16+$0x0] =	vst.idx.msk $0xffff, v19  }
0x11a: {  	v20 =	vor.u32 s31, v0;
	v19 =	vld.idx.msk [tilespmem:v21+s15+$0x0], $0xffff  }
0x11b: {  	v21 =	vor.u32 $0x7, v18;
	_ =	sdelay $0x3  }
0x11c: {  	s20 =	simm.s32 $0x90;
	[tilespmem:v20+s16+$0x0] =	vst.idx.msk $0xffff, v19  }
0x11d: {  	v20 =	vor.u32 s20, v0;
	v19 =	vld.idx.msk [tilespmem:v21+s15+$0x0], $0xffff  }
0x11e: {  	v21 =	vor.u32 $0x8, v18;
	_ =	sdelay $0x3  }
0x11f: {  	s21 =	simm.s32 $0xA0;
	[tilespmem:v20+s16+$0x0] =	vst.idx.msk $0xffff, v19  }
0x120: {  	v20 =	vor.u32 s21, v0;
	v19 =	vld.idx.msk [tilespmem:v21+s15+$0x0], $0xffff  }
0x121: {  	v21 =	vor.u32 s18, v12;
	_ =	sdelay $0x3  }
0x122: {  	s22 =	simm.s32 $0xB0;
	[tilespmem:v20+s16+$0x0] =	vst.idx.msk $0xffff, v19  }
0x123: {  	v20 =	vor.u32 s22, v0;
	v19 =	vld.idx.msk [tilespmem:v21+s15+$0x0], $0xffff  }
0x124: {  	v21 =	vor.u32 s18, v13;
	_ =	sdelay $0x3  }
0x125: {  	s23 =	simm.s32 $0xC0;
	[tilespmem:v20+s16+$0x0] =	vst.idx.msk $0xffff, v19  }
0x126: {  	v20 =	vor.u32 s23, v0;
	v19 =	vld.idx.msk [tilespmem:v21+s15+$0x0], $0xffff  }
0x127: {  	v21 =	vor.u32 s18, v15;
	_ =	sdelay $0x3  }
0x128: {  	s24 =	simm.s32 $0xD0;
	[tilespmem:v20+s16+$0x0] =	vst.idx.msk $0xffff, v19  }
0x129: {  	v20 =	vor.u32 s24, v0;
	v19 =	vld.idx.msk [tilespmem:v21+s15+$0x0], $0xffff  }
0x12a: {  	v21 =	vor.u32 $0xB, v18;
	_ =	sdelay $0x3  }
0x12b: {  	s25 =	simm.s32 $0xE0;
	[tilespmem:v20+s16+$0x0] =	vst.idx.msk $0xffff, v19  }
0x12c: {  	v20 =	vor.u32 s25, v0;
	v19 =	vld.idx.msk [tilespmem:v21+s15+$0x0], $0xffff  }
0x12d: {  	v21 =	vor.u32 $0xC, v18;
	_ =	sdelay $0x3  }
0x12e: {  	s26 =	simm.s32 $0xF0;
	[tilespmem:v20+s16+$0x0] =	vst.idx.msk $0xffff, v19  }
0x12f: {  	v20 =	vor.u32 s26, v0;
	v19 =	vld.idx.msk [tilespmem:v21+s15+$0x0], $0xffff  }
0x130: {  	v21 =	vor.u32 s18, v14;
	_ =	sdelay $0x3  }
0x131: {  	s28 =	simm.s32 $0x100;
	[tilespmem:v20+s16+$0x0] =	vst.idx.msk $0xffff, v19  }
0x132: {  	v20 =	vor.u32 s28, v0;
	v19 =	vld.idx.msk [tilespmem:v21+s15+$0x0], $0xffff  }
0x133: {  	v21 =	vor.u32 s18, v16;
	_ =	sdelay $0x3  }
0x134: {  	s29 =	simm.s32 $0x110;
	[tilespmem:v20+s16+$0x0] =	vst.idx.msk $0xffff, v19  }
0x135: {  	v20 =	vor.u32 s29, v0;
	v19 =	vld.idx.msk [tilespmem:v21+s15+$0x0], $0xffff  }
0x136: {  	v21 =	vor.u32 s18, v17;
	_ =	sdelay $0x3  }
0x137: {  	s30 =	simm.s32 $0x120;
	[tilespmem:v20+s16+$0x0] =	vst.idx.msk $0xffff, v19  }
0x138: {  	v20 =	vor.u32 s30, v0;
	v19 =	vld.idx.msk [tilespmem:v21+s15+$0x0], $0xffff  }
0x139: {  	p2 =	sne.s32 s11, $0x140;
	v18 =	vor.u32 $0xF, v18  }
.Ltmp8:
0x13a: {  	_ = 	snop;
	(pc) =	sbr.rel @!p2 .LBB2_11-.Ltmp8, $3  }
0x13b: {  	_ =	sdelay $0x1  }
0x13c: {  	s31 =	simm.s32 $0x130;
	[tilespmem:v20+s16+$0x0] =	vst.idx.msk $0xffff, v19  }
0x13d: {  	s19 =	simm.s32 $0x10;
	s18 =	simm.s32 $0x140;
	v20 =	vor.u32 s31, v0;
	v19 =	vld.idx.msk [tilespmem:v18+s15+$0x0], $0xffff  }
.LBB2_10:
0x13e: {  	v18 =	vmov s19;
	s20 =	smov.u32 s18;
	s18 =	sadd.s32 $0x140, s18  }
0x13f: {  	p2 =	sne.s32 s11, s18;
	_ =	sdelay $0x2  }
0x140: {  	[tilespmem:v20+s16+$0x0] =	vst.idx.msk $0xffff, v19  }
0x141: {  	v19 =	vld.idx.msk [tilespmem:v18+s15+$0x0], $0xffff  }
0x142: {  	v20 =	vor.u32 s20, v0  }
0x143: {  	v21 =	vor.u32 s19, v6;
	_ =	sdelay $0x3  }
0x144: {  	[tilespmem:v20+s16+$0x0] =	vst.idx.msk $0xffff, v19  }
0x145: {  	s21 =	sadd.s32 $0x10, s20;
	v19 =	vld.idx.msk [tilespmem:v21+s15+$0x0], $0xffff  }
0x146: {  	v20 =	vor.u32 s21, v0  }
0x147: {  	v21 =	vor.u32 s19, v7;
	_ =	sdelay $0x3  }
0x148: {  	[tilespmem:v20+s16+$0x0] =	vst.idx.msk $0xffff, v19  }
0x149: {  	s21 =	sadd.s32 $0x20, s20;
	v19 =	vld.idx.msk [tilespmem:v21+s15+$0x0], $0xffff  }
0x14a: {  	v20 =	vor.u32 s21, v0  }
0x14b: {  	v21 =	vor.u32 s19, v8;
	_ =	sdelay $0x3  }
0x14c: {  	[tilespmem:v20+s16+$0x0] =	vst.idx.msk $0xffff, v19  }
0x14d: {  	s21 =	sadd.s32 $0x30, s20;
	v19 =	vld.idx.msk [tilespmem:v21+s15+$0x0], $0xffff  }
0x14e: {  	v20 =	vor.u32 s21, v0  }
0x14f: {  	v21 =	vor.u32 $0x3, v18;
	_ =	sdelay $0x3  }
0x150: {  	[tilespmem:v20+s16+$0x0] =	vst.idx.msk $0xffff, v19  }
0x151: {  	s21 =	sadd.s32 $0x40, s20;
	v19 =	vld.idx.msk [tilespmem:v21+s15+$0x0], $0xffff  }
0x152: {  	v20 =	vor.u32 s21, v0  }
0x153: {  	v21 =	vor.u32 $0x4, v18;
	_ =	sdelay $0x3  }
0x154: {  	[tilespmem:v20+s16+$0x0] =	vst.idx.msk $0xffff, v19  }
0x155: {  	s21 =	sadd.s32 $0x50, s20;
	v19 =	vld.idx.msk [tilespmem:v21+s15+$0x0], $0xffff  }
0x156: {  	v20 =	vor.u32 s21, v0  }
0x157: {  	v21 =	vor.u32 s19, v9;
	_ =	sdelay $0x3  }
0x158: {  	[tilespmem:v20+s16+$0x0] =	vst.idx.msk $0xffff, v19  }
0x159: {  	s21 =	sadd.s32 $0x60, s20;
	v19 =	vld.idx.msk [tilespmem:v21+s15+$0x0], $0xffff  }
0x15a: {  	v20 =	vor.u32 s21, v0  }
0x15b: {  	v21 =	vor.u32 s19, v10;
	_ =	sdelay $0x3  }
0x15c: {  	[tilespmem:v20+s16+$0x0] =	vst.idx.msk $0xffff, v19  }
0x15d: {  	s21 =	sadd.s32 $0x70, s20;
	v19 =	vld.idx.msk [tilespmem:v21+s15+$0x0], $0xffff  }
0x15e: {  	v20 =	vor.u32 s21, v0  }
0x15f: {  	v21 =	vor.u32 s19, v11;
	_ =	sdelay $0x3  }
0x160: {  	[tilespmem:v20+s16+$0x0] =	vst.idx.msk $0xffff, v19  }
0x161: {  	s21 =	sadd.s32 $0x80, s20;
	v19 =	vld.idx.msk [tilespmem:v21+s15+$0x0], $0xffff  }
0x162: {  	v20 =	vor.u32 s21, v0  }
0x163: {  	v21 =	vor.u32 $0x7, v18;
	_ =	sdelay $0x3  }
0x164: {  	[tilespmem:v20+s16+$0x0] =	vst.idx.msk $0xffff, v19  }
0x165: {  	s21 =	sadd.s32 $0x90, s20;
	v19 =	vld.idx.msk [tilespmem:v21+s15+$0x0], $0xffff  }
0x166: {  	v20 =	vor.u32 s21, v0  }
0x167: {  	v21 =	vor.u32 $0x8, v18;
	_ =	sdelay $0x3  }
0x168: {  	[tilespmem:v20+s16+$0x0] =	vst.idx.msk $0xffff, v19  }
0x169: {  	s21 =	sadd.s32 $0xA0, s20;
	v19 =	vld.idx.msk [tilespmem:v21+s15+$0x0], $0xffff  }
0x16a: {  	v20 =	vor.u32 s21, v0  }
0x16b: {  	v21 =	vor.u32 s19, v12;
	_ =	sdelay $0x3  }
0x16c: {  	[tilespmem:v20+s16+$0x0] =	vst.idx.msk $0xffff, v19  }
0x16d: {  	s21 =	sadd.s32 $0xB0, s20;
	v19 =	vld.idx.msk [tilespmem:v21+s15+$0x0], $0xffff  }
0x16e: {  	v20 =	vor.u32 s21, v0  }
0x16f: {  	v21 =	vor.u32 s19, v13;
	_ =	sdelay $0x3  }
0x170: {  	[tilespmem:v20+s16+$0x0] =	vst.idx.msk $0xffff, v19  }
0x171: {  	s21 =	sadd.s32 $0xC0, s20;
	v19 =	vld.idx.msk [tilespmem:v21+s15+$0x0], $0xffff  }
0x172: {  	v20 =	vor.u32 s21, v0  }
0x173: {  	v21 =	vor.u32 s19, v15;
	_ =	sdelay $0x3  }
0x174: {  	[tilespmem:v20+s16+$0x0] =	vst.idx.msk $0xffff, v19  }
0x175: {  	s21 =	sadd.s32 $0xD0, s20;
	v19 =	vld.idx.msk [tilespmem:v21+s15+$0x0], $0xffff  }
0x176: {  	v20 =	vor.u32 s21, v0  }
0x177: {  	v21 =	vor.u32 $0xB, v18;
	_ =	sdelay $0x3  }
0x178: {  	[tilespmem:v20+s16+$0x0] =	vst.idx.msk $0xffff, v19  }
0x179: {  	s21 =	sadd.s32 $0xE0, s20;
	v19 =	vld.idx.msk [tilespmem:v21+s15+$0x0], $0xffff  }
0x17a: {  	v20 =	vor.u32 s21, v0  }
0x17b: {  	v21 =	vor.u32 $0xC, v18;
	_ =	sdelay $0x3  }
0x17c: {  	[tilespmem:v20+s16+$0x0] =	vst.idx.msk $0xffff, v19  }
0x17d: {  	s21 =	sadd.s32 $0xF0, s20;
	v19 =	vld.idx.msk [tilespmem:v21+s15+$0x0], $0xffff  }
0x17e: {  	v20 =	vor.u32 s21, v0  }
0x17f: {  	v21 =	vor.u32 s19, v14;
	_ =	sdelay $0x3  }
0x180: {  	[tilespmem:v20+s16+$0x0] =	vst.idx.msk $0xffff, v19  }
0x181: {  	s21 =	sadd.s32 $0x100, s20;
	v19 =	vld.idx.msk [tilespmem:v21+s15+$0x0], $0xffff  }
0x182: {  	v20 =	vor.u32 s21, v0  }
0x183: {  	v21 =	vor.u32 s19, v16;
	_ =	sdelay $0x3  }
0x184: {  	[tilespmem:v20+s16+$0x0] =	vst.idx.msk $0xffff, v19  }
0x185: {  	s21 =	sadd.s32 $0x110, s20;
	v19 =	vld.idx.msk [tilespmem:v21+s15+$0x0], $0xffff  }
0x186: {  	v20 =	vor.u32 s21, v0  }
0x187: {  	v21 =	vor.u32 s19, v17;
	_ =	sdelay $0x3  }
0x188: {  	[tilespmem:v20+s16+$0x0] =	vst.idx.msk $0xffff, v19  }
0x189: {  	s21 =	sadd.s32 $0x120, s20;
	v19 =	vld.idx.msk [tilespmem:v21+s15+$0x0], $0xffff  }
0x18a: {  	v20 =	vor.u32 s21, v0  }
0x18b: {  	v18 =	vor.u32 $0xF, v18;
	_ =	sdelay $0x1  }
.Ltmp9:
0x18c: {  	(pc) =	sbr.rel @p2 .LBB2_10-.Ltmp9, $4  }
0x18d: {  	_ = 	snop  }
0x18e: {  	[tilespmem:v20+s16+$0x0] =	vst.idx.msk $0xffff, v19  }
0x18f: {  	s20 =	sadd.s32 $0x130, s20;
	v19 =	vld.idx.msk [tilespmem:v18+s15+$0x0], $0xffff  }
0x190: {  	s19 =	sadd.s32 $0x10, s19;
	v20 =	vor.u32 s20, v0  }
.LBB2_11:
0x191: {  	_ =	sdelay $0x3  }
0x192: {  	s18 =	simm.s32 @p0 $0x0;
	s19 =	simm.s32 @p0 $0xAB80;
	[tilespmem:v20+s16+$0x0] =	vst.idx.msk $0xffff, v19  }
0x193: {  	[hbm4b:s7+s18] =	stream.linear.scatter @p0 [tilespmem:s19], [sflag:$0x1], $0x9740, $0x38;
	[tilespmem:$0x16480] =	vst v63  }
0x194: {  	s18 =	simm.s32 @p0 $0x1  }
0x195: {  	s17 =	sadd.s32 $0x1, s17;
	_ =	swait.ge @p0 [sflag:s18], $0x9740  }
0x196: {  	p2 =	sne.s32 s17, s9;
	[sflag:s18] =	ssyncset.done @p0 $0x0  }
0x197: {  	s19 =	simm.s32 @!p0 $0xAB80;
	[sflag:s18] =	ssyncadd.s32 @p0 $0xFFFF68C0;
	s18 =	simm.s32 @!p0 $0x0  }
0x198: {  	[hbm4b:s7+s18] =	stream.linear.scatter @!p0 [tilespmem:s19], [sflag:$0x1], $0xAB40, $0x38;
	[tilespmem:$0x16480] =	vst v63  }
.Ltmp10:
0x199: {  	_ = 	snop;
	(pc) =	sbr.rel @p2 .LBB2_1-.Ltmp10, $4  }
0x19a: {  	s18 =	simm.s32 @!p0 $0x1  }
0x19b: {  	_ =	swait.ge @!p0 [sflag:s18], $0xAB40  }
0x19c: {  	[sflag:s18] =	ssyncset.done @!p0 $0x0  }
0x19d: {  	[sflag:s18] =	ssyncadd.s32 @!p0 $0xFFFF54C0  }
0x19e: {  	_ =	sfence.sel $0x180000  }
0x19f: {  	[bflag:$0x0] =	sbarrier.arrive $0xFFFF  }
0x1a0: {  	p0 =	sne.s32 s0, $0x0;
	_ =	strace $0x90000047  }
0x1a1: {  	s0 =	sadd.s32 @!p0 $0x100000, s2;
	[bflag:$0x2] =	sbarrier.arrive $0xFFFF  }
0x1a2: {  	[sflag:s0] =	ssyncadd.tile.s32 @!p0 $0x1;
	_ =	shalt  }
.Lfunc_end2:
_tile_overlayer_lowered:
.L_overlay_start_2:
0x1a3: {  	(tag) =	ssettag $0x2  }
0x1a4: {  	s0 =	rddreg [dreg:$0x0];
	s2 =	stileid.u32  }
0x1a5: {  	s1 =	rddreg [dreg:$0x1];
	p0 =	sne.s32 s2, $0x0  }
0x1a6: {  	s3 =	rddreg [dreg:$0x2];
	[bflag:$0x3] =	sbarrier.arrive $0xFFFF;
	s2 =	simm.s32 @!p0 $0x1C01  }
0x1a7: {  	[timem:s3], [sflag:s2] =	dma.local @!p0 [hbm:s0], s1  }
0x1a8: {  	s0 =	simm.s32 @!p0 $0x1  }
0x1a9: {  	_ =	swait.ge @!p0 [sflag:s0], s1  }
0x1aa: {  	s1 =	ssub.s32 @!p0 $0x0, s1;
	[sflag:s0] =	ssyncset.done @!p0 $0x0  }
0x1ab: {  	[sflag:s0] =	ssyncadd.s32 @!p0 s1  }
0x1ac: {  	[bflag:$0x3] =	sbarrier.arrive $0xFFFF  }
0x1ad: {  	_ =	shalt  }

</sc_bundles>
